<compile_context>
chip_gen: v7x
topology: tpu7x:2x2x1
jax: 0.10.2.dev20260603
libtpu: 0.0.44.dev20260713+nightly
codegen_flags: <defaults>
</compile_context>

<pallas_src>
import functools

import jax
import jax.numpy as jnp
from jax import lax
from jax.experimental import pallas as pl
from jax.experimental.pallas import tpu as pltpu
from jax.experimental.pallas import tpu_sc as plsc

_NC = 2
_NS = 16
_LANES = 16
_CHUNK = 4096


def _scalar(x):
    return jnp.max(x, axis=0) if x.ndim else x


def _build_sc_kernel(pool_rows, pool_len, b, seg_len):
    nw = _NC * _NS
    rpw = pool_rows // nw
    groups = b // _LANES
    nchunks = pool_len // _CHUNK

    mesh = plsc.VectorSubcoreMesh(
        core_axis_name="c", subcore_axis_name="s",
        num_cores=_NC, num_subcores=_NS)

    @functools.partial(
        pl.kernel,
        out_type=jax.ShapeDtypeStruct((pool_rows, pool_len), jnp.int32),
        mesh=mesh,
        compiler_params=pltpu.CompilerParams(needs_layout_passes=False),
        scratch_types=[
            pltpu.VMEM((rpw, _CHUNK), jnp.int32),
            pltpu.VMEM((rpw, _CHUNK), jnp.int32),
            pltpu.VMEM((b,), jnp.int32),
            pltpu.VMEM((b,), jnp.int32),
            pltpu.VMEM((b * seg_len // 128, 128), jnp.int32),
            pltpu.SemaphoreType.DMA,
            pltpu.SemaphoreType.DMA,
            pltpu.SemaphoreType.DMA,
            pltpu.SemaphoreType.DMA,
            pltpu.SemaphoreType.DMA,
        ],
    )
    def sc_kernel(rt_hbm, rows_hbm, cols_hbm, seg_hbm, out_hbm,
                  buf0, buf1, rows_v, cols_v, seg_v,
                  l0, l1, s0, s1, msem):
        wid = lax.axis_index("s") * _NC + lax.axis_index("c")
        base = pl.multiple_of(wid * rpw, rpw)
        lanes = lax.broadcasted_iota(jnp.int32, (_LANES,), 0)

        m0 = pltpu.async_copy(rows_hbm, rows_v, msem)
        m1 = pltpu.async_copy(cols_hbm, cols_v, msem)
        m2 = pltpu.async_copy(seg_hbm, seg_v, msem)

        def block(k):
            return rt_hbm.at[pl.ds(base, rpw), pl.ds(k * _CHUNK, _CHUNK)]

        def oblock(k):
            return out_hbm.at[pl.ds(base, rpw), pl.ds(k * _CHUNK, _CHUNK)]

        def overlay(buf, k):
            lo_col = k * _CHUNK

            def per_group(g, carry, buf=buf, lo_col=lo_col):
                rv = rows_v[pl.ds(g * _LANES, _LANES)]
                cv = cols_v[pl.ds(g * _LANES, _LANES)]
                match = ((rv >= base) & (rv < base + rpw)
                         & (cv < lo_col + _CHUNK) & (cv + seg_len > lo_col))
                cnt = _scalar(plsc.all_reduce_population_count(match))

                def apply_one(_, mvec, rv=rv, cv=cv, g=g, buf=buf,
                              lo_col=lo_col):
                    lane = _scalar(plsc.all_reduce_ffs(mvec != 0))
                    lane_eq = lanes == lane
                    row_s = jnp.max(jnp.where(lane_eq, rv, 0), axis=0)
                    col_s = jnp.max(jnp.where(lane_eq, cv, 0), axis=0)
                    pid = g * _LANES + lane
                    row_loc = jnp.full((_LANES,), row_s - base, jnp.int32)
                    for v in range(seg_len // _LANES):
                        w = pid * seg_len + v * _LANES + lanes
                        val = plsc.load_gather(seg_v, [w >> 7, w & 127])
                        dst = col_s - lo_col + v * _LANES + lanes
                        ok = (dst >= 0) & (dst < _CHUNK)
                        plsc.store_scatter(buf, [row_loc, dst], val, mask=ok)
                    return jnp.where(lane_eq, 0, mvec)

                lax.fori_loop(jnp.int32(0), cnt, apply_one,
                              match.astype(jnp.int32))
                return carry

            lax.fori_loop(jnp.int32(0), jnp.int32(groups), per_group,
                          jnp.int32(0))

        bufs = (buf0, buf1)
        lsems = (l0, l1)
        ssems = (s0, s1)
        pend_load = [None, None]
        pend_store = [None, None]
        pend_load[0] = pltpu.async_copy(block(0), bufs[0], lsems[0])
        pend_load[1] = pltpu.async_copy(block(1), bufs[1], lsems[1])
        m0.wait()
        m1.wait()
        m2.wait()

        for k in range(nchunks):
            bi = k % 2
            pend_load[bi].wait()
            overlay(bufs[bi], k)
            pend_store[bi] = pltpu.async_copy(bufs[bi], oblock(k), ssems[bi])
            if k + 2 < nchunks:
                pend_store[bi].wait()
                pend_store[bi] = None
                pend_load[bi] = pltpu.async_copy(
                    block(k + 2), bufs[bi], lsems[bi])
        for bi in range(2):
            if pend_store[bi] is not None:
                pend_store[bi].wait()

    return sc_kernel


def kernel(req_pool_indices, req_to_token, seq_lens, extend_lens,
           num_new_pages_per_topk, out_cache_loc, last_page_lens_cumsum,
           duplicate_cache_len, topk, speculative_num_steps, page_size):
    pool_rows, pool_len = req_to_token.shape
    b = seq_lens.shape[0]
    seg_len = out_cache_loc.shape[0] // b

    rt32 = req_to_token.astype(jnp.int32)
    seg32 = out_cache_loc.astype(jnp.int32).reshape(
        b * seg_len // 128, 128)
    rows = req_pool_indices.astype(jnp.int32)
    cols = seq_lens.astype(jnp.int32)

    sc = _build_sc_kernel(pool_rows, pool_len, b, seg_len)
    out32 = sc(rt32, rows, cols, seg32)

    out64 = out32.astype(req_to_token.dtype)
    empty = jnp.zeros((0,), dtype=out_cache_loc.dtype)
    return (out64, out_cache_loc, empty, empty)

# --- scband reference (transcript-rebuilt; emitter-appended) ---
"""Pipeline reference for scband-model-torch-68186900792058 (READ-ONLY COPY).

The authoritative reference and input builder live on the scoring server;
editing this copy changes nothing except your own understanding.
"""

import jax, jax.numpy as jnp
import numpy as np
jax.config.update("jax_enable_x64", True)

B = 128
POOL_ROWS = 256
POOL_LEN = 16384
TOPK = 8
SPEC = 4
PAGE = 1
TOKEN_POOL = 1000000


def setup_inputs(seed: int = 0) -> dict:
    key = jax.random.key(seed)
    ks = jax.random.split(key, 7)
    return {
        "req_pool_indices": jax.random.randint(ks[0], (B,), 0, POOL_ROWS, dtype=jnp.int64),
        "req_to_token": jax.random.randint(ks[1], (POOL_ROWS, POOL_LEN), 0, TOKEN_POOL, dtype=jnp.int64),
        "seq_lens": jax.random.randint(ks[2], (B,), 0, POOL_LEN - TOPK * SPEC, dtype=jnp.int64),
        "extend_lens": jax.random.randint(ks[3], (B,), 0, 32, dtype=jnp.int64),
        "num_new_pages_per_topk": jax.random.randint(ks[4], (B,), 0, 4, dtype=jnp.int64),
        "out_cache_loc": jax.random.randint(ks[5], (B * TOPK * SPEC,), 0, TOKEN_POOL, dtype=jnp.int64),
        "last_page_lens_cumsum": jnp.sort(jax.random.randint(ks[6], (B,), 0, 4096, dtype=jnp.int64)),
        "duplicate_cache_len": 0,
        "topk": TOPK,
        "speculative_num_steps": SPEC,
        "page_size": PAGE,
    }


def reference(req_pool_indices, req_to_token, seq_lens, extend_lens, num_new_pages_per_topk,
              out_cache_loc, last_page_lens_cumsum, duplicate_cache_len, topk,
              speculative_num_steps, page_size):
    batch_size = int(seq_lens.shape[0])
    req_to_token = jnp.asarray(req_to_token)
    out_cache_loc = jnp.asarray(out_cache_loc)
    dep = (jnp.asarray(duplicate_cache_len, dtype=jnp.int64)
           + jnp.asarray(topk, dtype=jnp.int64)
           + jnp.asarray(speculative_num_steps, dtype=jnp.int64)
           + jnp.asarray(page_size, dtype=jnp.int64)
           + jnp.sum(extend_lens)
           + jnp.sum(num_new_pages_per_topk)
           + jnp.sum(last_page_lens_cumsum))
    source_cache_loc = jnp.zeros((0,), dtype=out_cache_loc.dtype) + jnp.int64(0) * dep
    target_cache_loc = jnp.zeros((0,), dtype=out_cache_loc.dtype) + jnp.int64(0) * dep
    copy_len = out_cache_loc.shape[0] // batch_size

    def body(pid, rt):
        seg = jax.lax.dynamic_slice(out_cache_loc, (pid * copy_len,), (copy_len,))
        return jax.lax.dynamic_update_slice(
            rt, seg[None, :], (req_pool_indices[pid], seq_lens[pid]))

    req_to_token = jax.lax.fori_loop(0, batch_size, body, req_to_token)
    return (req_to_token, out_cache_loc, source_cache_loc, target_cache_loc)

if __name__ == "__main__":
    import jax
    _d = setup_inputs()
    print(jax.jit(kernel)(*tuple(_d.values())))

</pallas_src>

<mosaic_0001>
#map = affine_map<(d0, d1) -> (0, 0)>
#map1 = affine_map<(d0, d1) -> (0)>
module attributes {stable_mosaic.version = 14 : i64} {
  func.func @sc_kernel(%arg0: i32, %arg1: i32, %arg2: memref<256x16384xi32, #tpu.memory_space<hbm>>, %arg3: memref<128xi32, #tpu.memory_space<hbm>>, %arg4: memref<128xi32, #tpu.memory_space<hbm>>, %arg5: memref<32x128xi32, #tpu.memory_space<hbm>>, %arg6: memref<256x16384xi32, #tpu.memory_space<hbm>>, %arg7: memref<8x4096xi32, #tpu.memory_space<vmem>>, %arg8: memref<8x4096xi32, #tpu.memory_space<vmem>>, %arg9: memref<128xi32, #tpu.memory_space<vmem>>, %arg10: memref<128xi32, #tpu.memory_space<vmem>>, %arg11: memref<32x128xi32, #tpu.memory_space<vmem>>, %arg12: memref<!tpu.dma_semaphore, #tpu.memory_space<semaphore_mem>>, %arg13: memref<!tpu.dma_semaphore, #tpu.memory_space<semaphore_mem>>, %arg14: memref<!tpu.dma_semaphore, #tpu.memory_space<semaphore_mem>>, %arg15: memref<!tpu.dma_semaphore, #tpu.memory_space<semaphore_mem>>, %arg16: memref<!tpu.dma_semaphore, #tpu.memory_space<semaphore_mem>>) attributes {dimension_semantics = [#tpu.dimension_semantics<core_parallel>, #tpu.dimension_semantics<subcore_parallel>], iteration_bounds = array<i64: 2, 16>, scalar_prefetch = 0 : i64, scratch_operands = 10 : i64, tpu.core_type = #tpu.core_type<sc_vector_subcore>, window_params = [{transform_indices = #map}, {transform_indices = #map1}, {transform_indices = #map1}, {transform_indices = #map}, {transform_indices = #map}]} {
    %mul3A = arith.constant 2 : i32
    %mul3A_0 = arith.muli %arg1, %mul3A : i32
    %add3A = arith.addi %mul3A_0, %arg0 : i32
    %mul3A_1 = arith.constant 8 : i32
    %mul3A_2 = arith.muli %add3A, %mul3A_1 : i32
    %multiple_of3A = tpu.assume_multiple %mul3A_2, 8 : i32
    %iota3A = tpu.iota {dimensions = array<i32: 0>} : vector<16xi32>
    tpu.enqueue_dma source(%arg3 : memref<128xi32, #tpu.memory_space<hbm>>) target(%arg9 : memref<128xi32, #tpu.memory_space<vmem>>) target_semaphore(%arg16 : memref<!tpu.dma_semaphore, #tpu.memory_space<semaphore_mem>>)
    tpu.enqueue_dma source(%arg4 : memref<128xi32, #tpu.memory_space<hbm>>) target(%arg10 : memref<128xi32, #tpu.memory_space<vmem>>) target_semaphore(%arg16 : memref<!tpu.dma_semaphore, #tpu.memory_space<semaphore_mem>>)
    tpu.enqueue_dma source(%arg5 : memref<32x128xi32, #tpu.memory_space<hbm>>) target(%arg11 : memref<32x128xi32, #tpu.memory_space<vmem>>) target_semaphore(%arg16 : memref<!tpu.dma_semaphore, #tpu.memory_space<semaphore_mem>>)
    %dma_start3A = arith.constant 0 : i32
    %dma_start3A_3 = tpu.memref_slice %arg2[%multiple_of3A, %dma_start3A] : memref<256x16384xi32, #tpu.memory_space<hbm>> -> memref<8x4096xi32, #tpu.memory_space<hbm>>
    %dma_start3A_4 = arith.constant 0 : i32
    %dma_start3A_5 = tpu.memref_slice %arg2[%multiple_of3A, %dma_start3A_4] : memref<256x16384xi32, #tpu.memory_space<hbm>> -> memref<8x4096xi32, #tpu.memory_space<hbm>>
    tpu.enqueue_dma source(%dma_start3A_5 : memref<8x4096xi32, #tpu.memory_space<hbm>>) target(%arg7 : memref<8x4096xi32, #tpu.memory_space<vmem>>) target_semaphore(%arg12 : memref<!tpu.dma_semaphore, #tpu.memory_space<semaphore_mem>>)
    %dma_start3A_6 = arith.constant 4096 : i32
    %dma_start3A_7 = tpu.memref_slice %arg2[%multiple_of3A, %dma_start3A_6] : memref<256x16384xi32, #tpu.memory_space<hbm>> -> memref<8x4096xi32, #tpu.memory_space<hbm>>
    %dma_start3A_8 = arith.constant 4096 : i32
    %dma_start3A_9 = tpu.memref_slice %arg2[%multiple_of3A, %dma_start3A_8] : memref<256x16384xi32, #tpu.memory_space<hbm>> -> memref<8x4096xi32, #tpu.memory_space<hbm>>
    tpu.enqueue_dma source(%dma_start3A_9 : memref<8x4096xi32, #tpu.memory_space<hbm>>) target(%arg8 : memref<8x4096xi32, #tpu.memory_space<vmem>>) target_semaphore(%arg13 : memref<!tpu.dma_semaphore, #tpu.memory_space<semaphore_mem>>)
    tpu.wait_dma2 semaphore(%arg16 : memref<!tpu.dma_semaphore, #tpu.memory_space<semaphore_mem>>) src(%arg3 : memref<128xi32, #tpu.memory_space<hbm>>) dst(%arg9 : memref<128xi32, #tpu.memory_space<vmem>>)
    tpu.wait_dma2 semaphore(%arg16 : memref<!tpu.dma_semaphore, #tpu.memory_space<semaphore_mem>>) src(%arg4 : memref<128xi32, #tpu.memory_space<hbm>>) dst(%arg10 : memref<128xi32, #tpu.memory_space<vmem>>)
    tpu.wait_dma2 semaphore(%arg16 : memref<!tpu.dma_semaphore, #tpu.memory_space<semaphore_mem>>) src(%arg5 : memref<32x128xi32, #tpu.memory_space<hbm>>) dst(%arg11 : memref<32x128xi32, #tpu.memory_space<vmem>>)
    %dma_wait3A = arith.constant 0 : i32
    %dma_wait3A_10 = tpu.memref_slice %arg2[%multiple_of3A, %dma_wait3A] : memref<256x16384xi32, #tpu.memory_space<hbm>> -> memref<8x4096xi32, #tpu.memory_space<hbm>>
    %dma_wait3A_11 = arith.constant 0 : i32
    %dma_wait3A_12 = tpu.memref_slice %arg2[%multiple_of3A, %dma_wait3A_11] : memref<256x16384xi32, #tpu.memory_space<hbm>> -> memref<8x4096xi32, #tpu.memory_space<hbm>>
    tpu.wait_dma2 semaphore(%arg12 : memref<!tpu.dma_semaphore, #tpu.memory_space<semaphore_mem>>) src(%dma_wait3A_12 : memref<8x4096xi32, #tpu.memory_space<hbm>>) dst(%arg7 : memref<8x4096xi32, #tpu.memory_space<vmem>>)
    %while3A = arith.constant 0 : i32
    %while3A_13 = arith.constant 0 : i32
    %while3A_14 = arith.constant 8 : i32
    %while3A_15 = arith.subi %while3A_14, %while3A_13 : i32
    %while3A_16 = arith.addi %while3A_13, %while3A_15 : i32
    %while3A_17 = arith.constant 1 : i32
    %while3A_18 = arith.divsi %while3A_15, %while3A_17 : i32
    %while3A_19 = arith.muli %while3A_18, %while3A_17 : i32
    %while3A_20 = arith.addi %while3A_13, %while3A_19 : i32
    %while3A_21 = arith.constant 1 : i32
    scf.for %while3A_108 = %while3A_13 to %while3A_20 step %while3A_21  : i32 {
      %mul3A_109 = arith.constant 16 : i32
      %mul3A_110 = arith.muli %while3A_108, %mul3A_109 : i32
      %get3A = arith.index_cast %mul3A_110 : i32 to index
      %get3A_111 = tpu.vector_load %arg9[%get3A] {strides = array<i32>} : memref<128xi32, #tpu.memory_space<vmem>>, vector<16xi32>,
      %mul3A_112 = arith.constant 16 : i32
      %mul3A_113 = arith.muli %while3A_108, %mul3A_112 : i32
      %get3A_114 = arith.index_cast %mul3A_113 : i32 to index
      %get3A_115 = tpu.vector_load %arg10[%get3A_114] {strides = array<i32>} : memref<128xi32, #tpu.memory_space<vmem>>, vector<16xi32>,
      %ge3A = vector.broadcast %multiple_of3A : i32 to vector<16xi32>
      %ge3A_116 = arith.cmpi sge, %get3A_111, %ge3A : vector<16xi32>
      %add3A_117 = arith.constant 8 : i32
      %add3A_118 = arith.addi %multiple_of3A, %add3A_117 : i32
      %lt3A = vector.broadcast %add3A_118 : i32 to vector<16xi32>
      %lt3A_119 = arith.cmpi slt, %get3A_111, %lt3A : vector<16xi32>
      %and3A = arith.andi %ge3A_116, %lt3A_119 : vector<16xi1>
      %lt3A_120 = arith.constant 4096 : i32
      %lt3A_121 = vector.broadcast %lt3A_120 : i32 to vector<16xi32>
      %lt3A_122 = arith.cmpi slt, %get3A_115, %lt3A_121 : vector<16xi32>
      %and3A_123 = arith.andi %and3A, %lt3A_122 : vector<16xi1>
      %add3A_124 = arith.constant 32 : i32
      %add3A_125 = vector.broadcast %add3A_124 : i32 to vector<16xi32>
      %add3A_126 = arith.addi %get3A_115, %add3A_125 : vector<16xi32>
      %gt3A = arith.constant 0 : i32
      %gt3A_127 = vector.broadcast %gt3A : i32 to vector<16xi32>
      %gt3A_128 = arith.cmpi sgt, %add3A_126, %gt3A_127 : vector<16xi32>
      %and3A_129 = arith.andi %and3A_123, %gt3A_128 : vector<16xi1>
      %all_reduce_population_count3A = tpu.all_reduce %and3A_129 {dim = 0 : i64, kind = #tpu.reduction_kind<sum>} : vector<16xi1> -> vector<16xi32>
      %reduce_max3A = arith.constant true
      %reduce_max3A_130 = vector.broadcast %reduce_max3A : i1 to vector<16xi1>
      %reduce_max3A_131 = arith.constant -2147483648 : i32
      %reduce_max3A_132 = vector.broadcast %reduce_max3A_131 : i32 to vector<16xi32>
      %reduce_max3A_133 = arith.xori %all_reduce_population_count3A, %reduce_max3A_132 : vector<16xi32>
      %reduce_max3A_134 = tpu.scan <max>, %reduce_max3A_133 masked %reduce_max3A_130 : vector<16xi32>, vector<16xi1> -> vector<16xi32>
      %reduce_max3A_135 = arith.xori %reduce_max3A_134, %reduce_max3A_132 : vector<16xi32>
      %reduce_max3A_136 = vector.extract %reduce_max3A_135[15] : i32 from vector<16xi32>
      %convert_element_type3A = arith.extui %and3A_129 : vector<16xi1> to vector<16xi32>
      %while3A_137 = arith.constant 0 : i32
      %while3A_138 = arith.subi %reduce_max3A_136, %while3A_137 : i32
      %while3A_139 = arith.addi %while3A_137, %while3A_138 : i32
      %while3A_140 = arith.constant 1 : i32
      %while3A_141 = arith.divsi %while3A_138, %while3A_140 : i32
      %while3A_142 = arith.muli %while3A_141, %while3A_140 : i32
      %while3A_143 = arith.addi %while3A_137, %while3A_142 : i32
      %while3A_144 = arith.constant 1 : i32
      %while3A_145 = scf.for %while3A_148 = %while3A_137 to %while3A_143 step %while3A_144 iter_args(%while3A_149 = %convert_element_type3A) -> (vector<16xi32>)  : i32 {
        %ne3A = arith.constant 0 : i32
        %ne3A_150 = vector.broadcast %ne3A : i32 to vector<16xi32>
        %ne3A_151 = arith.cmpi ne, %while3A_149, %ne3A_150 : vector<16xi32>
        %all_reduce_ffs3A = tpu.all_reduce %ne3A_151 {dim = 0 : i64, kind = #tpu.reduction_kind<find_first_set>} : vector<16xi1> -> vector<16xi32>
        %reduce_max3A_152 = arith.constant true
        %reduce_max3A_153 = vector.broadcast %reduce_max3A_152 : i1 to vector<16xi1>
        %reduce_max3A_154 = arith.constant -2147483648 : i32
        %reduce_max3A_155 = vector.broadcast %reduce_max3A_154 : i32 to vector<16xi32>
        %reduce_max3A_156 = arith.xori %all_reduce_ffs3A, %reduce_max3A_155 : vector<16xi32>
        %reduce_max3A_157 = tpu.scan <max>, %reduce_max3A_156 masked %reduce_max3A_153 : vector<16xi32>, vector<16xi1> -> vector<16xi32>
        %reduce_max3A_158 = arith.xori %reduce_max3A_157, %reduce_max3A_155 : vector<16xi32>
        %reduce_max3A_159 = vector.extract %reduce_max3A_158[15] : i32 from vector<16xi32>
        %eq3A = vector.broadcast %reduce_max3A_159 : i32 to vector<16xi32>
        %eq3A_160 = arith.cmpi eq, %iota3A, %eq3A : vector<16xi32>
        %jit3A = arith.constant 0 : i64
        %convert_element_type3A_161 = arith.trunci %jit3A : i64 to i32
        %broadcast_in_dim3A = vector.broadcast %convert_element_type3A_161 : i32 to vector<16xi32>
        %select_n3A = arith.select %eq3A_160, %get3A_111, %broadcast_in_dim3A : vector<16xi1>, vector<16xi32>
        %reduce_max3A_162 = arith.constant true
        %reduce_max3A_163 = vector.broadcast %reduce_max3A_162 : i1 to vector<16xi1>
        %reduce_max3A_164 = arith.constant -2147483648 : i32
        %reduce_max3A_165 = vector.broadcast %reduce_max3A_164 : i32 to vector<16xi32>
        %reduce_max3A_166 = arith.xori %select_n3A, %reduce_max3A_165 : vector<16xi32>
        %reduce_max3A_167 = tpu.scan <max>, %reduce_max3A_166 masked %reduce_max3A_163 : vector<16xi32>, vector<16xi1> -> vector<16xi32>
        %reduce_max3A_168 = arith.xori %reduce_max3A_167, %reduce_max3A_165 : vector<16xi32>
        %reduce_max3A_169 = vector.extract %reduce_max3A_168[15] : i32 from vector<16xi32>
        %jit3A_170 = arith.constant 0 : i64
        %convert_element_type3A_171 = arith.trunci %jit3A_170 : i64 to i32
        %broadcast_in_dim3A_172 = vector.broadcast %convert_element_type3A_171 : i32 to vector<16xi32>
        %select_n3A_173 = arith.select %eq3A_160, %get3A_115, %broadcast_in_dim3A_172 : vector<16xi1>, vector<16xi32>
        %reduce_max3A_174 = arith.constant true
        %reduce_max3A_175 = vector.broadcast %reduce_max3A_174 : i1 to vector<16xi1>
        %reduce_max3A_176 = arith.constant -2147483648 : i32
        %reduce_max3A_177 = vector.broadcast %reduce_max3A_176 : i32 to vector<16xi32>
        %reduce_max3A_178 = arith.xori %select_n3A_173, %reduce_max3A_177 : vector<16xi32>
        %reduce_max3A_179 = tpu.scan <max>, %reduce_max3A_178 masked %reduce_max3A_175 : vector<16xi32>, vector<16xi1> -> vector<16xi32>
        %reduce_max3A_180 = arith.xori %reduce_max3A_179, %reduce_max3A_177 : vector<16xi32>
        %reduce_max3A_181 = vector.extract %reduce_max3A_180[15] : i32 from vector<16xi32>
        %mul3A_182 = arith.constant 16 : i32
        %mul3A_183 = arith.muli %while3A_108, %mul3A_182 : i32
        %add3A_184 = arith.addi %mul3A_183, %reduce_max3A_159 : i32
        %sub3A = arith.subi %reduce_max3A_169, %multiple_of3A : i32
        %broadcast_in_dim3A_185 = vector.broadcast %sub3A : i32 to vector<16xi32>
        %mul3A_186 = arith.constant 32 : i32
        %mul3A_187 = arith.muli %add3A_184, %mul3A_186 : i32
        %add3A_188 = arith.constant 0 : i32
        %add3A_189 = arith.addi %mul3A_187, %add3A_188 : i32
        %add3A_190 = vector.broadcast %add3A_189 : i32 to vector<16xi32>
        %add3A_191 = arith.addi %add3A_190, %iota3A : vector<16xi32>
        %shift_right_arithmetic3A = arith.constant 7 : i32
        %shift_right_arithmetic3A_192 = vector.broadcast %shift_right_arithmetic3A : i32 to vector<16xi32>
        %shift_right_arithmetic3A_193 = arith.shrsi %add3A_191, %shift_right_arithmetic3A_192 : vector<16xi32>
        %and3A_194 = arith.constant 127 : i32
        %and3A_195 = vector.broadcast %and3A_194 : i32 to vector<16xi32>
        %and3A_196 = arith.andi %add3A_191, %and3A_195 : vector<16xi32>
        %gather3A = tpu.vector_load_idx %arg11[%shift_right_arithmetic3A_193, %and3A_196] : memref<32x128xi32, #tpu.memory_space<vmem>>[vector<16xi32>, vector<16xi32>], vector<16xi32>,
        %sub3A_197 = arith.constant 0 : i32
        %sub3A_198 = arith.subi %reduce_max3A_181, %sub3A_197 : i32
        %add3A_199 = arith.constant 0 : i32
        %add3A_200 = arith.addi %sub3A_198, %add3A_199 : i32
        %add3A_201 = vector.broadcast %add3A_200 : i32 to vector<16xi32>
        %add3A_202 = arith.addi %add3A_201, %iota3A : vector<16xi32>
        %ge3A_203 = arith.constant 0 : i32
        %ge3A_204 = vector.broadcast %ge3A_203 : i32 to vector<16xi32>
        %ge3A_205 = arith.cmpi sge, %add3A_202, %ge3A_204 : vector<16xi32>
        %lt3A_206 = arith.constant 4096 : i32
        %lt3A_207 = vector.broadcast %lt3A_206 : i32 to vector<16xi32>
        %lt3A_208 = arith.cmpi slt, %add3A_202, %lt3A_207 : vector<16xi32>
        %and3A_209 = arith.andi %ge3A_205, %lt3A_208 : vector<16xi1>
        tpu.vector_store_idx %arg7[%broadcast_in_dim3A_185, %add3A_202], %gather3A masked %and3A_209 : memref<8x4096xi32, #tpu.memory_space<vmem>>[vector<16xi32>, vector<16xi32>], vector<16xi32>, vector<16xi1>
        %mul3A_210 = arith.constant 32 : i32
        %mul3A_211 = arith.muli %add3A_184, %mul3A_210 : i32
        %add3A_212 = arith.constant 16 : i32
        %add3A_213 = arith.addi %mul3A_211, %add3A_212 : i32
        %add3A_214 = vector.broadcast %add3A_213 : i32 to vector<16xi32>
        %add3A_215 = arith.addi %add3A_214, %iota3A : vector<16xi32>
        %shift_right_arithmetic3A_216 = arith.constant 7 : i32
        %shift_right_arithmetic3A_217 = vector.broadcast %shift_right_arithmetic3A_216 : i32 to vector<16xi32>
        %shift_right_arithmetic3A_218 = arith.shrsi %add3A_215, %shift_right_arithmetic3A_217 : vector<16xi32>
        %and3A_219 = arith.constant 127 : i32
        %and3A_220 = vector.broadcast %and3A_219 : i32 to vector<16xi32>
        %and3A_221 = arith.andi %add3A_215, %and3A_220 : vector<16xi32>
        %gather3A_222 = tpu.vector_load_idx %arg11[%shift_right_arithmetic3A_218, %and3A_221] : memref<32x128xi32, #tpu.memory_space<vmem>>[vector<16xi32>, vector<16xi32>], vector<16xi32>,
        %sub3A_223 = arith.constant 0 : i32
        %sub3A_224 = arith.subi %reduce_max3A_181, %sub3A_223 : i32
        %add3A_225 = arith.constant 16 : i32
        %add3A_226 = arith.addi %sub3A_224, %add3A_225 : i32
        %add3A_227 = vector.broadcast %add3A_226 : i32 to vector<16xi32>
        %add3A_228 = arith.addi %add3A_227, %iota3A : vector<16xi32>
        %ge3A_229 = arith.constant 0 : i32
        %ge3A_230 = vector.broadcast %ge3A_229 : i32 to vector<16xi32>
        %ge3A_231 = arith.cmpi sge, %add3A_228, %ge3A_230 : vector<16xi32>
        %lt3A_232 = arith.constant 4096 : i32
        %lt3A_233 = vector.broadcast %lt3A_232 : i32 to vector<16xi32>
        %lt3A_234 = arith.cmpi slt, %add3A_228, %lt3A_233 : vector<16xi32>
        %and3A_235 = arith.andi %ge3A_231, %lt3A_234 : vector<16xi1>
        tpu.vector_store_idx %arg7[%broadcast_in_dim3A_185, %add3A_228], %gather3A_222 masked %and3A_235 : memref<8x4096xi32, #tpu.memory_space<vmem>>[vector<16xi32>, vector<16xi32>], vector<16xi32>, vector<16xi1>
        %jit3A_236 = arith.constant 0 : i64
        %convert_element_type3A_237 = arith.trunci %jit3A_236 : i64 to i32
        %broadcast_in_dim3A_238 = vector.broadcast %convert_element_type3A_237 : i32 to vector<16xi32>
        %select_n3A_239 = arith.select %eq3A_160, %broadcast_in_dim3A_238, %while3A_149 : vector<16xi1>, vector<16xi32>
        scf.yield %select_n3A_239 : vector<16xi32>
      }
      %while3A_146 = arith.constant 1 : i32
      %while3A_147 = scf.for %while3A_148 = %while3A_143 to %while3A_139 step %while3A_146 iter_args(%while3A_149 = %while3A_145) -> (vector<16xi32>)  : i32 {
        %ne3A = arith.constant 0 : i32
        %ne3A_150 = vector.broadcast %ne3A : i32 to vector<16xi32>
        %ne3A_151 = arith.cmpi ne, %while3A_149, %ne3A_150 : vector<16xi32>
        %all_reduce_ffs3A = tpu.all_reduce %ne3A_151 {dim = 0 : i64, kind = #tpu.reduction_kind<find_first_set>} : vector<16xi1> -> vector<16xi32>
        %reduce_max3A_152 = arith.constant true
        %reduce_max3A_153 = vector.broadcast %reduce_max3A_152 : i1 to vector<16xi1>
        %reduce_max3A_154 = arith.constant -2147483648 : i32
        %reduce_max3A_155 = vector.broadcast %reduce_max3A_154 : i32 to vector<16xi32>
        %reduce_max3A_156 = arith.xori %all_reduce_ffs3A, %reduce_max3A_155 : vector<16xi32>
        %reduce_max3A_157 = tpu.scan <max>, %reduce_max3A_156 masked %reduce_max3A_153 : vector<16xi32>, vector<16xi1> -> vector<16xi32>
        %reduce_max3A_158 = arith.xori %reduce_max3A_157, %reduce_max3A_155 : vector<16xi32>
        %reduce_max3A_159 = vector.extract %reduce_max3A_158[15] : i32 from vector<16xi32>
        %eq3A = vector.broadcast %reduce_max3A_159 : i32 to vector<16xi32>
        %eq3A_160 = arith.cmpi eq, %iota3A, %eq3A : vector<16xi32>
        %jit3A = arith.constant 0 : i64
        %convert_element_type3A_161 = arith.trunci %jit3A : i64 to i32
        %broadcast_in_dim3A = vector.broadcast %convert_element_type3A_161 : i32 to vector<16xi32>
        %select_n3A = arith.select %eq3A_160, %get3A_111, %broadcast_in_dim3A : vector<16xi1>, vector<16xi32>
        %reduce_max3A_162 = arith.constant true
        %reduce_max3A_163 = vector.broadcast %reduce_max3A_162 : i1 to vector<16xi1>
        %reduce_max3A_164 = arith.constant -2147483648 : i32
        %reduce_max3A_165 = vector.broadcast %reduce_max3A_164 : i32 to vector<16xi32>
        %reduce_max3A_166 = arith.xori %select_n3A, %reduce_max3A_165 : vector<16xi32>
        %reduce_max3A_167 = tpu.scan <max>, %reduce_max3A_166 masked %reduce_max3A_163 : vector<16xi32>, vector<16xi1> -> vector<16xi32>
        %reduce_max3A_168 = arith.xori %reduce_max3A_167, %reduce_max3A_165 : vector<16xi32>
        %reduce_max3A_169 = vector.extract %reduce_max3A_168[15] : i32 from vector<16xi32>
        %jit3A_170 = arith.constant 0 : i64
        %convert_element_type3A_171 = arith.trunci %jit3A_170 : i64 to i32
        %broadcast_in_dim3A_172 = vector.broadcast %convert_element_type3A_171 : i32 to vector<16xi32>
        %select_n3A_173 = arith.select %eq3A_160, %get3A_115, %broadcast_in_dim3A_172 : vector<16xi1>, vector<16xi32>
        %reduce_max3A_174 = arith.constant true
        %reduce_max3A_175 = vector.broadcast %reduce_max3A_174 : i1 to vector<16xi1>
        %reduce_max3A_176 = arith.constant -2147483648 : i32
        %reduce_max3A_177 = vector.broadcast %reduce_max3A_176 : i32 to vector<16xi32>
        %reduce_max3A_178 = arith.xori %select_n3A_173, %reduce_max3A_177 : vector<16xi32>
        %reduce_max3A_179 = tpu.scan <max>, %reduce_max3A_178 masked %reduce_max3A_175 : vector<16xi32>, vector<16xi1> -> vector<16xi32>
        %reduce_max3A_180 = arith.xori %reduce_max3A_179, %reduce_max3A_177 : vector<16xi32>
        %reduce_max3A_181 = vector.extract %reduce_max3A_180[15] : i32 from vector<16xi32>
        %mul3A_182 = arith.constant 16 : i32
        %mul3A_183 = arith.muli %while3A_108, %mul3A_182 : i32
        %add3A_184 = arith.addi %mul3A_183, %reduce_max3A_159 : i32
        %sub3A = arith.subi %reduce_max3A_169, %multiple_of3A : i32
        %broadcast_in_dim3A_185 = vector.broadcast %sub3A : i32 to vector<16xi32>
        %mul3A_186 = arith.constant 32 : i32
        %mul3A_187 = arith.muli %add3A_184, %mul3A_186 : i32
        %add3A_188 = arith.constant 0 : i32
        %add3A_189 = arith.addi %mul3A_187, %add3A_188 : i32
        %add3A_190 = vector.broadcast %add3A_189 : i32 to vector<16xi32>
        %add3A_191 = arith.addi %add3A_190, %iota3A : vector<16xi32>
        %shift_right_arithmetic3A = arith.constant 7 : i32
        %shift_right_arithmetic3A_192 = vector.broadcast %shift_right_arithmetic3A : i32 to vector<16xi32>
        %shift_right_arithmetic3A_193 = arith.shrsi %add3A_191, %shift_right_arithmetic3A_192 : vector<16xi32>
        %and3A_194 = arith.constant 127 : i32
        %and3A_195 = vector.broadcast %and3A_194 : i32 to vector<16xi32>
        %and3A_196 = arith.andi %add3A_191, %and3A_195 : vector<16xi32>
        %gather3A = tpu.vector_load_idx %arg11[%shift_right_arithmetic3A_193, %and3A_196] : memref<32x128xi32, #tpu.memory_space<vmem>>[vector<16xi32>, vector<16xi32>], vector<16xi32>,
        %sub3A_197 = arith.constant 0 : i32
        %sub3A_198 = arith.subi %reduce_max3A_181, %sub3A_197 : i32
        %add3A_199 = arith.constant 0 : i32
        %add3A_200 = arith.addi %sub3A_198, %add3A_199 : i32
        %add3A_201 = vector.broadcast %add3A_200 : i32 to vector<16xi32>
        %add3A_202 = arith.addi %add3A_201, %iota3A : vector<16xi32>
        %ge3A_203 = arith.constant 0 : i32
        %ge3A_204 = vector.broadcast %ge3A_203 : i32 to vector<16xi32>
        %ge3A_205 = arith.cmpi sge, %add3A_202, %ge3A_204 : vector<16xi32>
        %lt3A_206 = arith.constant 4096 : i32
        %lt3A_207 = vector.broadcast %lt3A_206 : i32 to vector<16xi32>
        %lt3A_208 = arith.cmpi slt, %add3A_202, %lt3A_207 : vector<16xi32>
        %and3A_209 = arith.andi %ge3A_205, %lt3A_208 : vector<16xi1>
        tpu.vector_store_idx %arg7[%broadcast_in_dim3A_185, %add3A_202], %gather3A masked %and3A_209 : memref<8x4096xi32, #tpu.memory_space<vmem>>[vector<16xi32>, vector<16xi32>], vector<16xi32>, vector<16xi1>
        %mul3A_210 = arith.constant 32 : i32
        %mul3A_211 = arith.muli %add3A_184, %mul3A_210 : i32
        %add3A_212 = arith.constant 16 : i32
        %add3A_213 = arith.addi %mul3A_211, %add3A_212 : i32
        %add3A_214 = vector.broadcast %add3A_213 : i32 to vector<16xi32>
        %add3A_215 = arith.addi %add3A_214, %iota3A : vector<16xi32>
        %shift_right_arithmetic3A_216 = arith.constant 7 : i32
        %shift_right_arithmetic3A_217 = vector.broadcast %shift_right_arithmetic3A_216 : i32 to vector<16xi32>
        %shift_right_arithmetic3A_218 = arith.shrsi %add3A_215, %shift_right_arithmetic3A_217 : vector<16xi32>
        %and3A_219 = arith.constant 127 : i32
        %and3A_220 = vector.broadcast %and3A_219 : i32 to vector<16xi32>
        %and3A_221 = arith.andi %add3A_215, %and3A_220 : vector<16xi32>
        %gather3A_222 = tpu.vector_load_idx %arg11[%shift_right_arithmetic3A_218, %and3A_221] : memref<32x128xi32, #tpu.memory_space<vmem>>[vector<16xi32>, vector<16xi32>], vector<16xi32>,
        %sub3A_223 = arith.constant 0 : i32
        %sub3A_224 = arith.subi %reduce_max3A_181, %sub3A_223 : i32
        %add3A_225 = arith.constant 16 : i32
        %add3A_226 = arith.addi %sub3A_224, %add3A_225 : i32
        %add3A_227 = vector.broadcast %add3A_226 : i32 to vector<16xi32>
        %add3A_228 = arith.addi %add3A_227, %iota3A : vector<16xi32>
        %ge3A_229 = arith.constant 0 : i32
        %ge3A_230 = vector.broadcast %ge3A_229 : i32 to vector<16xi32>
        %ge3A_231 = arith.cmpi sge, %add3A_228, %ge3A_230 : vector<16xi32>
        %lt3A_232 = arith.constant 4096 : i32
        %lt3A_233 = vector.broadcast %lt3A_232 : i32 to vector<16xi32>
        %lt3A_234 = arith.cmpi slt, %add3A_228, %lt3A_233 : vector<16xi32>
        %and3A_235 = arith.andi %ge3A_231, %lt3A_234 : vector<16xi1>
        tpu.vector_store_idx %arg7[%broadcast_in_dim3A_185, %add3A_228], %gather3A_222 masked %and3A_235 : memref<8x4096xi32, #tpu.memory_space<vmem>>[vector<16xi32>, vector<16xi32>], vector<16xi32>, vector<16xi1>
        %jit3A_236 = arith.constant 0 : i64
        %convert_element_type3A_237 = arith.trunci %jit3A_236 : i64 to i32
        %broadcast_in_dim3A_238 = vector.broadcast %convert_element_type3A_237 : i32 to vector<16xi32>
        %select_n3A_239 = arith.select %eq3A_160, %broadcast_in_dim3A_238, %while3A_149 : vector<16xi1>, vector<16xi32>
        scf.yield %select_n3A_239 : vector<16xi32>
      }
    }
    %while3A_22 = arith.constant 1 : i32
    scf.for %while3A_108 = %while3A_20 to %while3A_16 step %while3A_22  : i32 {
      %mul3A_109 = arith.constant 16 : i32
      %mul3A_110 = arith.muli %while3A_108, %mul3A_109 : i32
      %get3A = arith.index_cast %mul3A_110 : i32 to index
      %get3A_111 = tpu.vector_load %arg9[%get3A] {strides = array<i32>} : memref<128xi32, #tpu.memory_space<vmem>>, vector<16xi32>,
      %mul3A_112 = arith.constant 16 : i32
      %mul3A_113 = arith.muli %while3A_108, %mul3A_112 : i32
      %get3A_114 = arith.index_cast %mul3A_113 : i32 to index
      %get3A_115 = tpu.vector_load %arg10[%get3A_114] {strides = array<i32>} : memref<128xi32, #tpu.memory_space<vmem>>, vector<16xi32>,
      %ge3A = vector.broadcast %multiple_of3A : i32 to vector<16xi32>
      %ge3A_116 = arith.cmpi sge, %get3A_111, %ge3A : vector<16xi32>
      %add3A_117 = arith.constant 8 : i32
      %add3A_118 = arith.addi %multiple_of3A, %add3A_117 : i32
      %lt3A = vector.broadcast %add3A_118 : i32 to vector<16xi32>
      %lt3A_119 = arith.cmpi slt, %get3A_111, %lt3A : vector<16xi32>
      %and3A = arith.andi %ge3A_116, %lt3A_119 : vector<16xi1>
      %lt3A_120 = arith.constant 4096 : i32
      %lt3A_121 = vector.broadcast %lt3A_120 : i32 to vector<16xi32>
      %lt3A_122 = arith.cmpi slt, %get3A_115, %lt3A_121 : vector<16xi32>
      %and3A_123 = arith.andi %and3A, %lt3A_122 : vector<16xi1>
      %add3A_124 = arith.constant 32 : i32
      %add3A_125 = vector.broadcast %add3A_124 : i32 to vector<16xi32>
      %add3A_126 = arith.addi %get3A_115, %add3A_125 : vector<16xi32>
      %gt3A = arith.constant 0 : i32
      %gt3A_127 = vector.broadcast %gt3A : i32 to vector<16xi32>
      %gt3A_128 = arith.cmpi sgt, %add3A_126, %gt3A_127 : vector<16xi32>
      %and3A_129 = arith.andi %and3A_123, %gt3A_128 : vector<16xi1>
      %all_reduce_population_count3A = tpu.all_reduce %and3A_129 {dim = 0 : i64, kind = #tpu.reduction_kind<sum>} : vector<16xi1> -> vector<16xi32>
      %reduce_max3A = arith.constant true
      %reduce_max3A_130 = vector.broadcast %reduce_max3A : i1 to vector<16xi1>
      %reduce_max3A_131 = arith.constant -2147483648 : i32
      %reduce_max3A_132 = vector.broadcast %reduce_max3A_131 : i32 to vector<16xi32>
      %reduce_max3A_133 = arith.xori %all_reduce_population_count3A, %reduce_max3A_132 : vector<16xi32>
      %reduce_max3A_134 = tpu.scan <max>, %reduce_max3A_133 masked %reduce_max3A_130 : vector<16xi32>, vector<16xi1> -> vector<16xi32>
      %reduce_max3A_135 = arith.xori %reduce_max3A_134, %reduce_max3A_132 : vector<16xi32>
      %reduce_max3A_136 = vector.extract %reduce_max3A_135[15] : i32 from vector<16xi32>
      %convert_element_type3A = arith.extui %and3A_129 : vector<16xi1> to vector<16xi32>
      %while3A_137 = arith.constant 0 : i32
      %while3A_138 = arith.subi %reduce_max3A_136, %while3A_137 : i32
      %while3A_139 = arith.addi %while3A_137, %while3A_138 : i32
      %while3A_140 = arith.constant 1 : i32
      %while3A_141 = arith.divsi %while3A_138, %while3A_140 : i32
      %while3A_142 = arith.muli %while3A_141, %while3A_140 : i32
      %while3A_143 = arith.addi %while3A_137, %while3A_142 : i32
      %while3A_144 = arith.constant 1 : i32
      %while3A_145 = scf.for %while3A_148 = %while3A_137 to %while3A_143 step %while3A_144 iter_args(%while3A_149 = %convert_element_type3A) -> (vector<16xi32>)  : i32 {
        %ne3A = arith.constant 0 : i32
        %ne3A_150 = vector.broadcast %ne3A : i32 to vector<16xi32>
        %ne3A_151 = arith.cmpi ne, %while3A_149, %ne3A_150 : vector<16xi32>
        %all_reduce_ffs3A = tpu.all_reduce %ne3A_151 {dim = 0 : i64, kind = #tpu.reduction_kind<find_first_set>} : vector<16xi1> -> vector<16xi32>
        %reduce_max3A_152 = arith.constant true
        %reduce_max3A_153 = vector.broadcast %reduce_max3A_152 : i1 to vector<16xi1>
        %reduce_max3A_154 = arith.constant -2147483648 : i32
        %reduce_max3A_155 = vector.broadcast %reduce_max3A_154 : i32 to vector<16xi32>
        %reduce_max3A_156 = arith.xori %all_reduce_ffs3A, %reduce_max3A_155 : vector<16xi32>
        %reduce_max3A_157 = tpu.scan <max>, %reduce_max3A_156 masked %reduce_max3A_153 : vector<16xi32>, vector<16xi1> -> vector<16xi32>
        %reduce_max3A_158 = arith.xori %reduce_max3A_157, %reduce_max3A_155 : vector<16xi32>
        %reduce_max3A_159 = vector.extract %reduce_max3A_158[15] : i32 from vector<16xi32>
        %eq3A = vector.broadcast %reduce_max3A_159 : i32 to vector<16xi32>
        %eq3A_160 = arith.cmpi eq, %iota3A, %eq3A : vector<16xi32>
        %jit3A = arith.constant 0 : i64
        %convert_element_type3A_161 = arith.trunci %jit3A : i64 to i32
        %broadcast_in_dim3A = vector.broadcast %convert_element_type3A_161 : i32 to vector<16xi32>
        %select_n3A = arith.select %eq3A_160, %get3A_111, %broadcast_in_dim3A : vector<16xi1>, vector<16xi32>
        %reduce_max3A_162 = arith.constant true
        %reduce_max3A_163 = vector.broadcast %reduce_max3A_162 : i1 to vector<16xi1>
        %reduce_max3A_164 = arith.constant -2147483648 : i32
        %reduce_max3A_165 = vector.broadcast %reduce_max3A_164 : i32 to vector<16xi32>
        %reduce_max3A_166 = arith.xori %select_n3A, %reduce_max3A_165 : vector<16xi32>
        %reduce_max3A_167 = tpu.scan <max>, %reduce_max3A_166 masked %reduce_max3A_163 : vector<16xi32>, vector<16xi1> -> vector<16xi32>
        %reduce_max3A_168 = arith.xori %reduce_max3A_167, %reduce_max3A_165 : vector<16xi32>
        %reduce_max3A_169 = vector.extract %reduce_max3A_168[15] : i32 from vector<16xi32>
        %jit3A_170 = arith.constant 0 : i64
        %convert_element_type3A_171 = arith.trunci %jit3A_170 : i64 to i32
        %broadcast_in_dim3A_172 = vector.broadcast %convert_element_type3A_171 : i32 to vector<16xi32>
        %select_n3A_173 = arith.select %eq3A_160, %get3A_115, %broadcast_in_dim3A_172 : vector<16xi1>, vector<16xi32>
        %reduce_max3A_174 = arith.constant true
        %reduce_max3A_175 = vector.broadcast %reduce_max3A_174 : i1 to vector<16xi1>
        %reduce_max3A_176 = arith.constant -2147483648 : i32
        %reduce_max3A_177 = vector.broadcast %reduce_max3A_176 : i32 to vector<16xi32>
        %reduce_max3A_178 = arith.xori %select_n3A_173, %reduce_max3A_177 : vector<16xi32>
        %reduce_max3A_179 = tpu.scan <max>, %reduce_max3A_178 masked %reduce_max3A_175 : vector<16xi32>, vector<16xi1> -> vector<16xi32>
        %reduce_max3A_180 = arith.xori %reduce_max3A_179, %reduce_max3A_177 : vector<16xi32>
        %reduce_max3A_181 = vector.extract %reduce_max3A_180[15] : i32 from vector<16xi32>
        %mul3A_182 = arith.constant 16 : i32
        %mul3A_183 = arith.muli %while3A_108, %mul3A_182 : i32
        %add3A_184 = arith.addi %mul3A_183, %reduce_max3A_159 : i32
        %sub3A = arith.subi %reduce_max3A_169, %multiple_of3A : i32
        %broadcast_in_dim3A_185 = vector.broadcast %sub3A : i32 to vector<16xi32>
        %mul3A_186 = arith.constant 32 : i32
        %mul3A_187 = arith.muli %add3A_184, %mul3A_186 : i32
        %add3A_188 = arith.constant 0 : i32
        %add3A_189 = arith.addi %mul3A_187, %add3A_188 : i32
        %add3A_190 = vector.broadcast %add3A_189 : i32 to vector<16xi32>
        %add3A_191 = arith.addi %add3A_190, %iota3A : vector<16xi32>
        %shift_right_arithmetic3A = arith.constant 7 : i32
        %shift_right_arithmetic3A_192 = vector.broadcast %shift_right_arithmetic3A : i32 to vector<16xi32>
        %shift_right_arithmetic3A_193 = arith.shrsi %add3A_191, %shift_right_arithmetic3A_192 : vector<16xi32>
        %and3A_194 = arith.constant 127 : i32
        %and3A_195 = vector.broadcast %and3A_194 : i32 to vector<16xi32>
        %and3A_196 = arith.andi %add3A_191, %and3A_195 : vector<16xi32>
        %gather3A = tpu.vector_load_idx %arg11[%shift_right_arithmetic3A_193, %and3A_196] : memref<32x128xi32, #tpu.memory_space<vmem>>[vector<16xi32>, vector<16xi32>], vector<16xi32>,
        %sub3A_197 = arith.constant 0 : i32
        %sub3A_198 = arith.subi %reduce_max3A_181, %sub3A_197 : i32
        %add3A_199 = arith.constant 0 : i32
        %add3A_200 = arith.addi %sub3A_198, %add3A_199 : i32
        %add3A_201 = vector.broadcast %add3A_200 : i32 to vector<16xi32>
        %add3A_202 = arith.addi %add3A_201, %iota3A : vector<16xi32>
        %ge3A_203 = arith.constant 0 : i32
        %ge3A_204 = vector.broadcast %ge3A_203 : i32 to vector<16xi32>
        %ge3A_205 = arith.cmpi sge, %add3A_202, %ge3A_204 : vector<16xi32>
        %lt3A_206 = arith.constant 4096 : i32
        %lt3A_207 = vector.broadcast %lt3A_206 : i32 to vector<16xi32>
        %lt3A_208 = arith.cmpi slt, %add3A_202, %lt3A_207 : vector<16xi32>
        %and3A_209 = arith.andi %ge3A_205, %lt3A_208 : vector<16xi1>
        tpu.vector_store_idx %arg7[%broadcast_in_dim3A_185, %add3A_202], %gather3A masked %and3A_209 : memref<8x4096xi32, #tpu.memory_space<vmem>>[vector<16xi32>, vector<16xi32>], vector<16xi32>, vector<16xi1>
        %mul3A_210 = arith.constant 32 : i32
        %mul3A_211 = arith.muli %add3A_184, %mul3A_210 : i32
        %add3A_212 = arith.constant 16 : i32
        %add3A_213 = arith.addi %mul3A_211, %add3A_212 : i32
        %add3A_214 = vector.broadcast %add3A_213 : i32 to vector<16xi32>
        %add3A_215 = arith.addi %add3A_214, %iota3A : vector<16xi32>
        %shift_right_arithmetic3A_216 = arith.constant 7 : i32
        %shift_right_arithmetic3A_217 = vector.broadcast %shift_right_arithmetic3A_216 : i32 to vector<16xi32>
        %shift_right_arithmetic3A_218 = arith.shrsi %add3A_215, %shift_right_arithmetic3A_217 : vector<16xi32>
        %and3A_219 = arith.constant 127 : i32
        %and3A_220 = vector.broadcast %and3A_219 : i32 to vector<16xi32>
        %and3A_221 = arith.andi %add3A_215, %and3A_220 : vector<16xi32>
        %gather3A_222 = tpu.vector_load_idx %arg11[%shift_right_arithmetic3A_218, %and3A_221] : memref<32x128xi32, #tpu.memory_space<vmem>>[vector<16xi32>, vector<16xi32>], vector<16xi32>,
        %sub3A_223 = arith.constant 0 : i32
        %sub3A_224 = arith.subi %reduce_max3A_181, %sub3A_223 : i32
        %add3A_225 = arith.constant 16 : i32
        %add3A_226 = arith.addi %sub3A_224, %add3A_225 : i32
        %add3A_227 = vector.broadcast %add3A_226 : i32 to vector<16xi32>
        %add3A_228 = arith.addi %add3A_227, %iota3A : vector<16xi32>
        %ge3A_229 = arith.constant 0 : i32
        %ge3A_230 = vector.broadcast %ge3A_229 : i32 to vector<16xi32>
        %ge3A_231 = arith.cmpi sge, %add3A_228, %ge3A_230 : vector<16xi32>
        %lt3A_232 = arith.constant 4096 : i32
        %lt3A_233 = vector.broadcast %lt3A_232 : i32 to vector<16xi32>
        %lt3A_234 = arith.cmpi slt, %add3A_228, %lt3A_233 : vector<16xi32>
        %and3A_235 = arith.andi %ge3A_231, %lt3A_234 : vector<16xi1>
        tpu.vector_store_idx %arg7[%broadcast_in_dim3A_185, %add3A_228], %gather3A_222 masked %and3A_235 : memref<8x4096xi32, #tpu.memory_space<vmem>>[vector<16xi32>, vector<16xi32>], vector<16xi32>, vector<16xi1>
        %jit3A_236 = arith.constant 0 : i64
        %convert_element_type3A_237 = arith.trunci %jit3A_236 : i64 to i32
        %broadcast_in_dim3A_238 = vector.broadcast %convert_element_type3A_237 : i32 to vector<16xi32>
        %select_n3A_239 = arith.select %eq3A_160, %broadcast_in_dim3A_238, %while3A_149 : vector<16xi1>, vector<16xi32>
        scf.yield %select_n3A_239 : vector<16xi32>
      }
      %while3A_146 = arith.constant 1 : i32
      %while3A_147 = scf.for %while3A_148 = %while3A_143 to %while3A_139 step %while3A_146 iter_args(%while3A_149 = %while3A_145) -> (vector<16xi32>)  : i32 {
        %ne3A = arith.constant 0 : i32
        %ne3A_150 = vector.broadcast %ne3A : i32 to vector<16xi32>
        %ne3A_151 = arith.cmpi ne, %while3A_149, %ne3A_150 : vector<16xi32>
        %all_reduce_ffs3A = tpu.all_reduce %ne3A_151 {dim = 0 : i64, kind = #tpu.reduction_kind<find_first_set>} : vector<16xi1> -> vector<16xi32>
        %reduce_max3A_152 = arith.constant true
        %reduce_max3A_153 = vector.broadcast %reduce_max3A_152 : i1 to vector<16xi1>
        %reduce_max3A_154 = arith.constant -2147483648 : i32
        %reduce_max3A_155 = vector.broadcast %reduce_max3A_154 : i32 to vector<16xi32>
        %reduce_max3A_156 = arith.xori %all_reduce_ffs3A, %reduce_max3A_155 : vector<16xi32>
        %reduce_max3A_157 = tpu.scan <max>, %reduce_max3A_156 masked %reduce_max3A_153 : vector<16xi32>, vector<16xi1> -> vector<16xi32>
        %reduce_max3A_158 = arith.xori %reduce_max3A_157, %reduce_max3A_155 : vector<16xi32>
        %reduce_max3A_159 = vector.extract %reduce_max3A_158[15] : i32 from vector<16xi32>
        %eq3A = vector.broadcast %reduce_max3A_159 : i32 to vector<16xi32>
        %eq3A_160 = arith.cmpi eq, %iota3A, %eq3A : vector<16xi32>
        %jit3A = arith.constant 0 : i64
        %convert_element_type3A_161 = arith.trunci %jit3A : i64 to i32
        %broadcast_in_dim3A = vector.broadcast %convert_element_type3A_161 : i32 to vector<16xi32>
        %select_n3A = arith.select %eq3A_160, %get3A_111, %broadcast_in_dim3A : vector<16xi1>, vector<16xi32>
        %reduce_max3A_162 = arith.constant true
        %reduce_max3A_163 = vector.broadcast %reduce_max3A_162 : i1 to vector<16xi1>
        %reduce_max3A_164 = arith.constant -2147483648 : i32
        %reduce_max3A_165 = vector.broadcast %reduce_max3A_164 : i32 to vector<16xi32>
        %reduce_max3A_166 = arith.xori %select_n3A, %reduce_max3A_165 : vector<16xi32>
        %reduce_max3A_167 = tpu.scan <max>, %reduce_max3A_166 masked %reduce_max3A_163 : vector<16xi32>, vector<16xi1> -> vector<16xi32>
        %reduce_max3A_168 = arith.xori %reduce_max3A_167, %reduce_max3A_165 : vector<16xi32>
        %reduce_max3A_169 = vector.extract %reduce_max3A_168[15] : i32 from vector<16xi32>
        %jit3A_170 = arith.constant 0 : i64
        %convert_element_type3A_171 = arith.trunci %jit3A_170 : i64 to i32
        %broadcast_in_dim3A_172 = vector.broadcast %convert_element_type3A_171 : i32 to vector<16xi32>
        %select_n3A_173 = arith.select %eq3A_160, %get3A_115, %broadcast_in_dim3A_172 : vector<16xi1>, vector<16xi32>
        %reduce_max3A_174 = arith.constant true
        %reduce_max3A_175 = vector.broadcast %reduce_max3A_174 : i1 to vector<16xi1>
        %reduce_max3A_176 = arith.constant -2147483648 : i32
        %reduce_max3A_177 = vector.broadcast %reduce_max3A_176 : i32 to vector<16xi32>
        %reduce_max3A_178 = arith.xori %select_n3A_173, %reduce_max3A_177 : vector<16xi32>
        %reduce_max3A_179 = tpu.scan <max>, %reduce_max3A_178 masked %reduce_max3A_175 : vector<16xi32>, vector<16xi1> -> vector<16xi32>
        %reduce_max3A_180 = arith.xori %reduce_max3A_179, %reduce_max3A_177 : vector<16xi32>
        %reduce_max3A_181 = vector.extract %reduce_max3A_180[15] : i32 from vector<16xi32>
        %mul3A_182 = arith.constant 16 : i32
        %mul3A_183 = arith.muli %while3A_108, %mul3A_182 : i32
        %add3A_184 = arith.addi %mul3A_183, %reduce_max3A_159 : i32
        %sub3A = arith.subi %reduce_max3A_169, %multiple_of3A : i32
        %broadcast_in_dim3A_185 = vector.broadcast %sub3A : i32 to vector<16xi32>
        %mul3A_186 = arith.constant 32 : i32
        %mul3A_187 = arith.muli %add3A_184, %mul3A_186 : i32
        %add3A_188 = arith.constant 0 : i32
        %add3A_189 = arith.addi %mul3A_187, %add3A_188 : i32
        %add3A_190 = vector.broadcast %add3A_189 : i32 to vector<16xi32>
        %add3A_191 = arith.addi %add3A_190, %iota3A : vector<16xi32>
        %shift_right_arithmetic3A = arith.constant 7 : i32
        %shift_right_arithmetic3A_192 = vector.broadcast %shift_right_arithmetic3A : i32 to vector<16xi32>
        %shift_right_arithmetic3A_193 = arith.shrsi %add3A_191, %shift_right_arithmetic3A_192 : vector<16xi32>
        %and3A_194 = arith.constant 127 : i32
        %and3A_195 = vector.broadcast %and3A_194 : i32 to vector<16xi32>
        %and3A_196 = arith.andi %add3A_191, %and3A_195 : vector<16xi32>
        %gather3A = tpu.vector_load_idx %arg11[%shift_right_arithmetic3A_193, %and3A_196] : memref<32x128xi32, #tpu.memory_space<vmem>>[vector<16xi32>, vector<16xi32>], vector<16xi32>,
        %sub3A_197 = arith.constant 0 : i32
        %sub3A_198 = arith.subi %reduce_max3A_181, %sub3A_197 : i32
        %add3A_199 = arith.constant 0 : i32
        %add3A_200 = arith.addi %sub3A_198, %add3A_199 : i32
        %add3A_201 = vector.broadcast %add3A_200 : i32 to vector<16xi32>
        %add3A_202 = arith.addi %add3A_201, %iota3A : vector<16xi32>
        %ge3A_203 = arith.constant 0 : i32
        %ge3A_204 = vector.broadcast %ge3A_203 : i32 to vector<16xi32>
        %ge3A_205 = arith.cmpi sge, %add3A_202, %ge3A_204 : vector<16xi32>
        %lt3A_206 = arith.constant 4096 : i32
        %lt3A_207 = vector.broadcast %lt3A_206 : i32 to vector<16xi32>
        %lt3A_208 = arith.cmpi slt, %add3A_202, %lt3A_207 : vector<16xi32>
        %and3A_209 = arith.andi %ge3A_205, %lt3A_208 : vector<16xi1>
        tpu.vector_store_idx %arg7[%broadcast_in_dim3A_185, %add3A_202], %gather3A masked %and3A_209 : memref<8x4096xi32, #tpu.memory_space<vmem>>[vector<16xi32>, vector<16xi32>], vector<16xi32>, vector<16xi1>
        %mul3A_210 = arith.constant 32 : i32
        %mul3A_211 = arith.muli %add3A_184, %mul3A_210 : i32
        %add3A_212 = arith.constant 16 : i32
        %add3A_213 = arith.addi %mul3A_211, %add3A_212 : i32
        %add3A_214 = vector.broadcast %add3A_213 : i32 to vector<16xi32>
        %add3A_215 = arith.addi %add3A_214, %iota3A : vector<16xi32>
        %shift_right_arithmetic3A_216 = arith.constant 7 : i32
        %shift_right_arithmetic3A_217 = vector.broadcast %shift_right_arithmetic3A_216 : i32 to vector<16xi32>
        %shift_right_arithmetic3A_218 = arith.shrsi %add3A_215, %shift_right_arithmetic3A_217 : vector<16xi32>
        %and3A_219 = arith.constant 127 : i32
        %and3A_220 = vector.broadcast %and3A_219 : i32 to vector<16xi32>
        %and3A_221 = arith.andi %add3A_215, %and3A_220 : vector<16xi32>
        %gather3A_222 = tpu.vector_load_idx %arg11[%shift_right_arithmetic3A_218, %and3A_221] : memref<32x128xi32, #tpu.memory_space<vmem>>[vector<16xi32>, vector<16xi32>], vector<16xi32>,
        %sub3A_223 = arith.constant 0 : i32
        %sub3A_224 = arith.subi %reduce_max3A_181, %sub3A_223 : i32
        %add3A_225 = arith.constant 16 : i32
        %add3A_226 = arith.addi %sub3A_224, %add3A_225 : i32
        %add3A_227 = vector.broadcast %add3A_226 : i32 to vector<16xi32>
        %add3A_228 = arith.addi %add3A_227, %iota3A : vector<16xi32>
        %ge3A_229 = arith.constant 0 : i32
        %ge3A_230 = vector.broadcast %ge3A_229 : i32 to vector<16xi32>
        %ge3A_231 = arith.cmpi sge, %add3A_228, %ge3A_230 : vector<16xi32>
        %lt3A_232 = arith.constant 4096 : i32
        %lt3A_233 = vector.broadcast %lt3A_232 : i32 to vector<16xi32>
        %lt3A_234 = arith.cmpi slt, %add3A_228, %lt3A_233 : vector<16xi32>
        %and3A_235 = arith.andi %ge3A_231, %lt3A_234 : vector<16xi1>
        tpu.vector_store_idx %arg7[%broadcast_in_dim3A_185, %add3A_228], %gather3A_222 masked %and3A_235 : memref<8x4096xi32, #tpu.memory_space<vmem>>[vector<16xi32>, vector<16xi32>], vector<16xi32>, vector<16xi1>
        %jit3A_236 = arith.constant 0 : i64
        %convert_element_type3A_237 = arith.trunci %jit3A_236 : i64 to i32
        %broadcast_in_dim3A_238 = vector.broadcast %convert_element_type3A_237 : i32 to vector<16xi32>
        %select_n3A_239 = arith.select %eq3A_160, %broadcast_in_dim3A_238, %while3A_149 : vector<16xi1>, vector<16xi32>
        scf.yield %select_n3A_239 : vector<16xi32>
      }
    }
    %dma_start3A_23 = arith.constant 0 : i32
    %dma_start3A_24 = tpu.memref_slice %arg6[%multiple_of3A, %dma_start3A_23] : memref<256x16384xi32, #tpu.memory_space<hbm>> -> memref<8x4096xi32, #tpu.memory_space<hbm>>
    %dma_start3A_25 = arith.constant 0 : i32
    %dma_start3A_26 = tpu.memref_slice %arg6[%multiple_of3A, %dma_start3A_25] : memref<256x16384xi32, #tpu.memory_space<hbm>> -> memref<8x4096xi32, #tpu.memory_space<hbm>>
    tpu.enqueue_dma source(%arg7 : memref<8x4096xi32, #tpu.memory_space<vmem>>) target(%dma_start3A_26 : memref<8x4096xi32, #tpu.memory_space<hbm>>) target_semaphore(%arg14 : memref<!tpu.dma_semaphore, #tpu.memory_space<semaphore_mem>>)
    %dma_wait3A_27 = arith.constant 0 : i32
    %dma_wait3A_28 = tpu.memref_slice %arg6[%multiple_of3A, %dma_wait3A_27] : memref<256x16384xi32, #tpu.memory_space<hbm>> -> memref<8x4096xi32, #tpu.memory_space<hbm>>
    %dma_wait3A_29 = arith.constant 0 : i32
    %dma_wait3A_30 = tpu.memref_slice %arg6[%multiple_of3A, %dma_wait3A_29] : memref<256x16384xi32, #tpu.memory_space<hbm>> -> memref<8x4096xi32, #tpu.memory_space<hbm>>
    tpu.wait_dma2 semaphore(%arg14 : memref<!tpu.dma_semaphore, #tpu.memory_space<semaphore_mem>>) src(%arg7 : memref<8x4096xi32, #tpu.memory_space<vmem>>) dst(%dma_wait3A_30 : memref<8x4096xi32, #tpu.memory_space<hbm>>)
    %dma_start3A_31 = arith.constant 8192 : i32
    %dma_start3A_32 = tpu.memref_slice %arg2[%multiple_of3A, %dma_start3A_31] : memref<256x16384xi32, #tpu.memory_space<hbm>> -> memref<8x4096xi32, #tpu.memory_space<hbm>>
    %dma_start3A_33 = arith.constant 8192 : i32
    %dma_start3A_34 = tpu.memref_slice %arg2[%multiple_of3A, %dma_start3A_33] : memref<256x16384xi32, #tpu.memory_space<hbm>> -> memref<8x4096xi32, #tpu.memory_space<hbm>>
    tpu.enqueue_dma source(%dma_start3A_34 : memref<8x4096xi32, #tpu.memory_space<hbm>>) target(%arg7 : memref<8x4096xi32, #tpu.memory_space<vmem>>) target_semaphore(%arg12 : memref<!tpu.dma_semaphore, #tpu.memory_space<semaphore_mem>>)
    %dma_wait3A_35 = arith.constant 4096 : i32
    %dma_wait3A_36 = tpu.memref_slice %arg2[%multiple_of3A, %dma_wait3A_35] : memref<256x16384xi32, #tpu.memory_space<hbm>> -> memref<8x4096xi32, #tpu.memory_space<hbm>>
    %dma_wait3A_37 = arith.constant 4096 : i32
    %dma_wait3A_38 = tpu.memref_slice %arg2[%multiple_of3A, %dma_wait3A_37] : memref<256x16384xi32, #tpu.memory_space<hbm>> -> memref<8x4096xi32, #tpu.memory_space<hbm>>
    tpu.wait_dma2 semaphore(%arg13 : memref<!tpu.dma_semaphore, #tpu.memory_space<semaphore_mem>>) src(%dma_wait3A_38 : memref<8x4096xi32, #tpu.memory_space<hbm>>) dst(%arg8 : memref<8x4096xi32, #tpu.memory_space<vmem>>)
    %while3A_39 = arith.constant 0 : i32
    %while3A_40 = arith.constant 0 : i32
    %while3A_41 = arith.constant 8 : i32
    %while3A_42 = arith.subi %while3A_41, %while3A_40 : i32
    %while3A_43 = arith.addi %while3A_40, %while3A_42 : i32
    %while3A_44 = arith.constant 1 : i32
    %while3A_45 = arith.divsi %while3A_42, %while3A_44 : i32
    %while3A_46 = arith.muli %while3A_45, %while3A_44 : i32
    %while3A_47 = arith.addi %while3A_40, %while3A_46 : i32
    %while3A_48 = arith.constant 1 : i32
    scf.for %while3A_108 = %while3A_40 to %while3A_47 step %while3A_48  : i32 {
      %mul3A_109 = arith.constant 16 : i32
      %mul3A_110 = arith.muli %while3A_108, %mul3A_109 : i32
      %get3A = arith.index_cast %mul3A_110 : i32 to index
      %get3A_111 = tpu.vector_load %arg9[%get3A] {strides = array<i32>} : memref<128xi32, #tpu.memory_space<vmem>>, vector<16xi32>,
      %mul3A_112 = arith.constant 16 : i32
      %mul3A_113 = arith.muli %while3A_108, %mul3A_112 : i32
      %get3A_114 = arith.index_cast %mul3A_113 : i32 to index
      %get3A_115 = tpu.vector_load %arg10[%get3A_114] {strides = array<i32>} : memref<128xi32, #tpu.memory_space<vmem>>, vector<16xi32>,
      %ge3A = vector.broadcast %multiple_of3A : i32 to vector<16xi32>
      %ge3A_116 = arith.cmpi sge, %get3A_111, %ge3A : vector<16xi32>
      %add3A_117 = arith.constant 8 : i32
      %add3A_118 = arith.addi %multiple_of3A, %add3A_117 : i32
      %lt3A = vector.broadcast %add3A_118 : i32 to vector<16xi32>
      %lt3A_119 = arith.cmpi slt, %get3A_111, %lt3A : vector<16xi32>
      %and3A = arith.andi %ge3A_116, %lt3A_119 : vector<16xi1>
      %lt3A_120 = arith.constant 8192 : i32
      %lt3A_121 = vector.broadcast %lt3A_120 : i32 to vector<16xi32>
      %lt3A_122 = arith.cmpi slt, %get3A_115, %lt3A_121 : vector<16xi32>
      %and3A_123 = arith.andi %and3A, %lt3A_122 : vector<16xi1>
      %add3A_124 = arith.constant 32 : i32
      %add3A_125 = vector.broadcast %add3A_124 : i32 to vector<16xi32>
      %add3A_126 = arith.addi %get3A_115, %add3A_125 : vector<16xi32>
      %gt3A = arith.constant 4096 : i32
      %gt3A_127 = vector.broadcast %gt3A : i32 to vector<16xi32>
      %gt3A_128 = arith.cmpi sgt, %add3A_126, %gt3A_127 : vector<16xi32>
      %and3A_129 = arith.andi %and3A_123, %gt3A_128 : vector<16xi1>
      %all_reduce_population_count3A = tpu.all_reduce %and3A_129 {dim = 0 : i64, kind = #tpu.reduction_kind<sum>} : vector<16xi1> -> vector<16xi32>
      %reduce_max3A = arith.constant true
      %reduce_max3A_130 = vector.broadcast %reduce_max3A : i1 to vector<16xi1>
      %reduce_max3A_131 = arith.constant -2147483648 : i32
      %reduce_max3A_132 = vector.broadcast %reduce_max3A_131 : i32 to vector<16xi32>
      %reduce_max3A_133 = arith.xori %all_reduce_population_count3A, %reduce_max3A_132 : vector<16xi32>
      %reduce_max3A_134 = tpu.scan <max>, %reduce_max3A_133 masked %reduce_max3A_130 : vector<16xi32>, vector<16xi1> -> vector<16xi32>
      %reduce_max3A_135 = arith.xori %reduce_max3A_134, %reduce_max3A_132 : vector<16xi32>
      %reduce_max3A_136 = vector.extract %reduce_max3A_135[15] : i32 from vector<16xi32>
      %convert_element_type3A = arith.extui %and3A_129 : vector<16xi1> to vector<16xi32>
      %while3A_137 = arith.constant 0 : i32
      %while3A_138 = arith.subi %reduce_max3A_136, %while3A_137 : i32
      %while3A_139 = arith.addi %while3A_137, %while3A_138 : i32
      %while3A_140 = arith.constant 1 : i32
      %while3A_141 = arith.divsi %while3A_138, %while3A_140 : i32
      %while3A_142 = arith.muli %while3A_141, %while3A_140 : i32
      %while3A_143 = arith.addi %while3A_137, %while3A_142 : i32
      %while3A_144 = arith.constant 1 : i32
      %while3A_145 = scf.for %while3A_148 = %while3A_137 to %while3A_143 step %while3A_144 iter_args(%while3A_149 = %convert_element_type3A) -> (vector<16xi32>)  : i32 {
        %ne3A = arith.constant 0 : i32
        %ne3A_150 = vector.broadcast %ne3A : i32 to vector<16xi32>
        %ne3A_151 = arith.cmpi ne, %while3A_149, %ne3A_150 : vector<16xi32>
        %all_reduce_ffs3A = tpu.all_reduce %ne3A_151 {dim = 0 : i64, kind = #tpu.reduction_kind<find_first_set>} : vector<16xi1> -> vector<16xi32>
        %reduce_max3A_152 = arith.constant true
        %reduce_max3A_153 = vector.broadcast %reduce_max3A_152 : i1 to vector<16xi1>
        %reduce_max3A_154 = arith.constant -2147483648 : i32
        %reduce_max3A_155 = vector.broadcast %reduce_max3A_154 : i32 to vector<16xi32>
        %reduce_max3A_156 = arith.xori %all_reduce_ffs3A, %reduce_max3A_155 : vector<16xi32>
        %reduce_max3A_157 = tpu.scan <max>, %reduce_max3A_156 masked %reduce_max3A_153 : vector<16xi32>, vector<16xi1> -> vector<16xi32>
        %reduce_max3A_158 = arith.xori %reduce_max3A_157, %reduce_max3A_155 : vector<16xi32>
        %reduce_max3A_159 = vector.extract %reduce_max3A_158[15] : i32 from vector<16xi32>
        %eq3A = vector.broadcast %reduce_max3A_159 : i32 to vector<16xi32>
        %eq3A_160 = arith.cmpi eq, %iota3A, %eq3A : vector<16xi32>
        %jit3A = arith.constant 0 : i64
        %convert_element_type3A_161 = arith.trunci %jit3A : i64 to i32
        %broadcast_in_dim3A = vector.broadcast %convert_element_type3A_161 : i32 to vector<16xi32>
        %select_n3A = arith.select %eq3A_160, %get3A_111, %broadcast_in_dim3A : vector<16xi1>, vector<16xi32>
        %reduce_max3A_162 = arith.constant true
        %reduce_max3A_163 = vector.broadcast %reduce_max3A_162 : i1 to vector<16xi1>
        %reduce_max3A_164 = arith.constant -2147483648 : i32
        %reduce_max3A_165 = vector.broadcast %reduce_max3A_164 : i32 to vector<16xi32>
        %reduce_max3A_166 = arith.xori %select_n3A, %reduce_max3A_165 : vector<16xi32>
        %reduce_max3A_167 = tpu.scan <max>, %reduce_max3A_166 masked %reduce_max3A_163 : vector<16xi32>, vector<16xi1> -> vector<16xi32>
        %reduce_max3A_168 = arith.xori %reduce_max3A_167, %reduce_max3A_165 : vector<16xi32>
        %reduce_max3A_169 = vector.extract %reduce_max3A_168[15] : i32 from vector<16xi32>
        %jit3A_170 = arith.constant 0 : i64
        %convert_element_type3A_171 = arith.trunci %jit3A_170 : i64 to i32
        %broadcast_in_dim3A_172 = vector.broadcast %convert_element_type3A_171 : i32 to vector<16xi32>
        %select_n3A_173 = arith.select %eq3A_160, %get3A_115, %broadcast_in_dim3A_172 : vector<16xi1>, vector<16xi32>
        %reduce_max3A_174 = arith.constant true
        %reduce_max3A_175 = vector.broadcast %reduce_max3A_174 : i1 to vector<16xi1>
        %reduce_max3A_176 = arith.constant -2147483648 : i32
        %reduce_max3A_177 = vector.broadcast %reduce_max3A_176 : i32 to vector<16xi32>
        %reduce_max3A_178 = arith.xori %select_n3A_173, %reduce_max3A_177 : vector<16xi32>
        %reduce_max3A_179 = tpu.scan <max>, %reduce_max3A_178 masked %reduce_max3A_175 : vector<16xi32>, vector<16xi1> -> vector<16xi32>
        %reduce_max3A_180 = arith.xori %reduce_max3A_179, %reduce_max3A_177 : vector<16xi32>
        %reduce_max3A_181 = vector.extract %reduce_max3A_180[15] : i32 from vector<16xi32>
        %mul3A_182 = arith.constant 16 : i32
        %mul3A_183 = arith.muli %while3A_108, %mul3A_182 : i32
        %add3A_184 = arith.addi %mul3A_183, %reduce_max3A_159 : i32
        %sub3A = arith.subi %reduce_max3A_169, %multiple_of3A : i32
        %broadcast_in_dim3A_185 = vector.broadcast %sub3A : i32 to vector<16xi32>
        %mul3A_186 = arith.constant 32 : i32
        %mul3A_187 = arith.muli %add3A_184, %mul3A_186 : i32
        %add3A_188 = arith.constant 0 : i32
        %add3A_189 = arith.addi %mul3A_187, %add3A_188 : i32
        %add3A_190 = vector.broadcast %add3A_189 : i32 to vector<16xi32>
        %add3A_191 = arith.addi %add3A_190, %iota3A : vector<16xi32>
        %shift_right_arithmetic3A = arith.constant 7 : i32
        %shift_right_arithmetic3A_192 = vector.broadcast %shift_right_arithmetic3A : i32 to vector<16xi32>
        %shift_right_arithmetic3A_193 = arith.shrsi %add3A_191, %shift_right_arithmetic3A_192 : vector<16xi32>
        %and3A_194 = arith.constant 127 : i32
        %and3A_195 = vector.broadcast %and3A_194 : i32 to vector<16xi32>
        %and3A_196 = arith.andi %add3A_191, %and3A_195 : vector<16xi32>
        %gather3A = tpu.vector_load_idx %arg11[%shift_right_arithmetic3A_193, %and3A_196] : memref<32x128xi32, #tpu.memory_space<vmem>>[vector<16xi32>, vector<16xi32>], vector<16xi32>,
        %sub3A_197 = arith.constant 4096 : i32
        %sub3A_198 = arith.subi %reduce_max3A_181, %sub3A_197 : i32
        %add3A_199 = arith.constant 0 : i32
        %add3A_200 = arith.addi %sub3A_198, %add3A_199 : i32
        %add3A_201 = vector.broadcast %add3A_200 : i32 to vector<16xi32>
        %add3A_202 = arith.addi %add3A_201, %iota3A : vector<16xi32>
        %ge3A_203 = arith.constant 0 : i32
        %ge3A_204 = vector.broadcast %ge3A_203 : i32 to vector<16xi32>
        %ge3A_205 = arith.cmpi sge, %add3A_202, %ge3A_204 : vector<16xi32>
        %lt3A_206 = arith.constant 4096 : i32
        %lt3A_207 = vector.broadcast %lt3A_206 : i32 to vector<16xi32>
        %lt3A_208 = arith.cmpi slt, %add3A_202, %lt3A_207 : vector<16xi32>
        %and3A_209 = arith.andi %ge3A_205, %lt3A_208 : vector<16xi1>
        tpu.vector_store_idx %arg8[%broadcast_in_dim3A_185, %add3A_202], %gather3A masked %and3A_209 : memref<8x4096xi32, #tpu.memory_space<vmem>>[vector<16xi32>, vector<16xi32>], vector<16xi32>, vector<16xi1>
        %mul3A_210 = arith.constant 32 : i32
        %mul3A_211 = arith.muli %add3A_184, %mul3A_210 : i32
        %add3A_212 = arith.constant 16 : i32
        %add3A_213 = arith.addi %mul3A_211, %add3A_212 : i32
        %add3A_214 = vector.broadcast %add3A_213 : i32 to vector<16xi32>
        %add3A_215 = arith.addi %add3A_214, %iota3A : vector<16xi32>
        %shift_right_arithmetic3A_216 = arith.constant 7 : i32
        %shift_right_arithmetic3A_217 = vector.broadcast %shift_right_arithmetic3A_216 : i32 to vector<16xi32>
        %shift_right_arithmetic3A_218 = arith.shrsi %add3A_215, %shift_right_arithmetic3A_217 : vector<16xi32>
        %and3A_219 = arith.constant 127 : i32
        %and3A_220 = vector.broadcast %and3A_219 : i32 to vector<16xi32>
        %and3A_221 = arith.andi %add3A_215, %and3A_220 : vector<16xi32>
        %gather3A_222 = tpu.vector_load_idx %arg11[%shift_right_arithmetic3A_218, %and3A_221] : memref<32x128xi32, #tpu.memory_space<vmem>>[vector<16xi32>, vector<16xi32>], vector<16xi32>,
        %sub3A_223 = arith.constant 4096 : i32
        %sub3A_224 = arith.subi %reduce_max3A_181, %sub3A_223 : i32
        %add3A_225 = arith.constant 16 : i32
        %add3A_226 = arith.addi %sub3A_224, %add3A_225 : i32
        %add3A_227 = vector.broadcast %add3A_226 : i32 to vector<16xi32>
        %add3A_228 = arith.addi %add3A_227, %iota3A : vector<16xi32>
        %ge3A_229 = arith.constant 0 : i32
        %ge3A_230 = vector.broadcast %ge3A_229 : i32 to vector<16xi32>
        %ge3A_231 = arith.cmpi sge, %add3A_228, %ge3A_230 : vector<16xi32>
        %lt3A_232 = arith.constant 4096 : i32
        %lt3A_233 = vector.broadcast %lt3A_232 : i32 to vector<16xi32>
        %lt3A_234 = arith.cmpi slt, %add3A_228, %lt3A_233 : vector<16xi32>
        %and3A_235 = arith.andi %ge3A_231, %lt3A_234 : vector<16xi1>
        tpu.vector_store_idx %arg8[%broadcast_in_dim3A_185, %add3A_228], %gather3A_222 masked %and3A_235 : memref<8x4096xi32, #tpu.memory_space<vmem>>[vector<16xi32>, vector<16xi32>], vector<16xi32>, vector<16xi1>
        %jit3A_236 = arith.constant 0 : i64
        %convert_element_type3A_237 = arith.trunci %jit3A_236 : i64 to i32
        %broadcast_in_dim3A_238 = vector.broadcast %convert_element_type3A_237 : i32 to vector<16xi32>
        %select_n3A_239 = arith.select %eq3A_160, %broadcast_in_dim3A_238, %while3A_149 : vector<16xi1>, vector<16xi32>
        scf.yield %select_n3A_239 : vector<16xi32>
      }
      %while3A_146 = arith.constant 1 : i32
      %while3A_147 = scf.for %while3A_148 = %while3A_143 to %while3A_139 step %while3A_146 iter_args(%while3A_149 = %while3A_145) -> (vector<16xi32>)  : i32 {
        %ne3A = arith.constant 0 : i32
        %ne3A_150 = vector.broadcast %ne3A : i32 to vector<16xi32>
        %ne3A_151 = arith.cmpi ne, %while3A_149, %ne3A_150 : vector<16xi32>
        %all_reduce_ffs3A = tpu.all_reduce %ne3A_151 {dim = 0 : i64, kind = #tpu.reduction_kind<find_first_set>} : vector<16xi1> -> vector<16xi32>
        %reduce_max3A_152 = arith.constant true
        %reduce_max3A_153 = vector.broadcast %reduce_max3A_152 : i1 to vector<16xi1>
        %reduce_max3A_154 = arith.constant -2147483648 : i32
        %reduce_max3A_155 = vector.broadcast %reduce_max3A_154 : i32 to vector<16xi32>
        %reduce_max3A_156 = arith.xori %all_reduce_ffs3A, %reduce_max3A_155 : vector<16xi32>
        %reduce_max3A_157 = tpu.scan <max>, %reduce_max3A_156 masked %reduce_max3A_153 : vector<16xi32>, vector<16xi1> -> vector<16xi32>
        %reduce_max3A_158 = arith.xori %reduce_max3A_157, %reduce_max3A_155 : vector<16xi32>
        %reduce_max3A_159 = vector.extract %reduce_max3A_158[15] : i32 from vector<16xi32>
        %eq3A = vector.broadcast %reduce_max3A_159 : i32 to vector<16xi32>
        %eq3A_160 = arith.cmpi eq, %iota3A, %eq3A : vector<16xi32>
        %jit3A = arith.constant 0 : i64
        %convert_element_type3A_161 = arith.trunci %jit3A : i64 to i32
        %broadcast_in_dim3A = vector.broadcast %convert_element_type3A_161 : i32 to vector<16xi32>
        %select_n3A = arith.select %eq3A_160, %get3A_111, %broadcast_in_dim3A : vector<16xi1>, vector<16xi32>
        %reduce_max3A_162 = arith.constant true
        %reduce_max3A_163 = vector.broadcast %reduce_max3A_162 : i1 to vector<16xi1>
        %reduce_max3A_164 = arith.constant -2147483648 : i32
        %reduce_max3A_165 = vector.broadcast %reduce_max3A_164 : i32 to vector<16xi32>
        %reduce_max3A_166 = arith.xori %select_n3A, %reduce_max3A_165 : vector<16xi32>
        %reduce_max3A_167 = tpu.scan <max>, %reduce_max3A_166 masked %reduce_max3A_163 : vector<16xi32>, vector<16xi1> -> vector<16xi32>
        %reduce_max3A_168 = arith.xori %reduce_max3A_167, %reduce_max3A_165 : vector<16xi32>
        %reduce_max3A_169 = vector.extract %reduce_max3A_168[15] : i32 from vector<16xi32>
        %jit3A_170 = arith.constant 0 : i64
        %convert_element_type3A_171 = arith.trunci %jit3A_170 : i64 to i32
        %broadcast_in_dim3A_172 = vector.broadcast %convert_element_type3A_171 : i32 to vector<16xi32>
        %select_n3A_173 = arith.select %eq3A_160, %get3A_115, %broadcast_in_dim3A_172 : vector<16xi1>, vector<16xi32>
        %reduce_max3A_174 = arith.constant true
        %reduce_max3A_175 = vector.broadcast %reduce_max3A_174 : i1 to vector<16xi1>
        %reduce_max3A_176 = arith.constant -2147483648 : i32
        %reduce_max3A_177 = vector.broadcast %reduce_max3A_176 : i32 to vector<16xi32>
        %reduce_max3A_178 = arith.xori %select_n3A_173, %reduce_max3A_177 : vector<16xi32>
        %reduce_max3A_179 = tpu.scan <max>, %reduce_max3A_178 masked %reduce_max3A_175 : vector<16xi32>, vector<16xi1> -> vector<16xi32>
        %reduce_max3A_180 = arith.xori %reduce_max3A_179, %reduce_max3A_177 : vector<16xi32>
        %reduce_max3A_181 = vector.extract %reduce_max3A_180[15] : i32 from vector<16xi32>
        %mul3A_182 = arith.constant 16 : i32
        %mul3A_183 = arith.muli %while3A_108, %mul3A_182 : i32
        %add3A_184 = arith.addi %mul3A_183, %reduce_max3A_159 : i32
        %sub3A = arith.subi %reduce_max3A_169, %multiple_of3A : i32
        %broadcast_in_dim3A_185 = vector.broadcast %sub3A : i32 to vector<16xi32>
        %mul3A_186 = arith.constant 32 : i32
        %mul3A_187 = arith.muli %add3A_184, %mul3A_186 : i32
        %add3A_188 = arith.constant 0 : i32
        %add3A_189 = arith.addi %mul3A_187, %add3A_188 : i32
        %add3A_190 = vector.broadcast %add3A_189 : i32 to vector<16xi32>
        %add3A_191 = arith.addi %add3A_190, %iota3A : vector<16xi32>
        %shift_right_arithmetic3A = arith.constant 7 : i32
        %shift_right_arithmetic3A_192 = vector.broadcast %shift_right_arithmetic3A : i32 to vector<16xi32>
        %shift_right_arithmetic3A_193 = arith.shrsi %add3A_191, %shift_right_arithmetic3A_192 : vector<16xi32>
        %and3A_194 = arith.constant 127 : i32
        %and3A_195 = vector.broadcast %and3A_194 : i32 to vector<16xi32>
        %and3A_196 = arith.andi %add3A_191, %and3A_195 : vector<16xi32>
        %gather3A = tpu.vector_load_idx %arg11[%shift_right_arithmetic3A_193, %and3A_196] : memref<32x128xi32, #tpu.memory_space<vmem>>[vector<16xi32>, vector<16xi32>], vector<16xi32>,
        %sub3A_197 = arith.constant 4096 : i32
        %sub3A_198 = arith.subi %reduce_max3A_181, %sub3A_197 : i32
        %add3A_199 = arith.constant 0 : i32
        %add3A_200 = arith.addi %sub3A_198, %add3A_199 : i32
        %add3A_201 = vector.broadcast %add3A_200 : i32 to vector<16xi32>
        %add3A_202 = arith.addi %add3A_201, %iota3A : vector<16xi32>
        %ge3A_203 = arith.constant 0 : i32
        %ge3A_204 = vector.broadcast %ge3A_203 : i32 to vector<16xi32>
        %ge3A_205 = arith.cmpi sge, %add3A_202, %ge3A_204 : vector<16xi32>
        %lt3A_206 = arith.constant 4096 : i32
        %lt3A_207 = vector.broadcast %lt3A_206 : i32 to vector<16xi32>
        %lt3A_208 = arith.cmpi slt, %add3A_202, %lt3A_207 : vector<16xi32>
        %and3A_209 = arith.andi %ge3A_205, %lt3A_208 : vector<16xi1>
        tpu.vector_store_idx %arg8[%broadcast_in_dim3A_185, %add3A_202], %gather3A masked %and3A_209 : memref<8x4096xi32, #tpu.memory_space<vmem>>[vector<16xi32>, vector<16xi32>], vector<16xi32>, vector<16xi1>
        %mul3A_210 = arith.constant 32 : i32
        %mul3A_211 = arith.muli %add3A_184, %mul3A_210 : i32
        %add3A_212 = arith.constant 16 : i32
        %add3A_213 = arith.addi %mul3A_211, %add3A_212 : i32
        %add3A_214 = vector.broadcast %add3A_213 : i32 to vector<16xi32>
        %add3A_215 = arith.addi %add3A_214, %iota3A : vector<16xi32>
        %shift_right_arithmetic3A_216 = arith.constant 7 : i32
        %shift_right_arithmetic3A_217 = vector.broadcast %shift_right_arithmetic3A_216 : i32 to vector<16xi32>
        %shift_right_arithmetic3A_218 = arith.shrsi %add3A_215, %shift_right_arithmetic3A_217 : vector<16xi32>
        %and3A_219 = arith.constant 127 : i32
        %and3A_220 = vector.broadcast %and3A_219 : i32 to vector<16xi32>
        %and3A_221 = arith.andi %add3A_215, %and3A_220 : vector<16xi32>
        %gather3A_222 = tpu.vector_load_idx %arg11[%shift_right_arithmetic3A_218, %and3A_221] : memref<32x128xi32, #tpu.memory_space<vmem>>[vector<16xi32>, vector<16xi32>], vector<16xi32>,
        %sub3A_223 = arith.constant 4096 : i32
        %sub3A_224 = arith.subi %reduce_max3A_181, %sub3A_223 : i32
        %add3A_225 = arith.constant 16 : i32
        %add3A_226 = arith.addi %sub3A_224, %add3A_225 : i32
        %add3A_227 = vector.broadcast %add3A_226 : i32 to vector<16xi32>
        %add3A_228 = arith.addi %add3A_227, %iota3A : vector<16xi32>
        %ge3A_229 = arith.constant 0 : i32
        %ge3A_230 = vector.broadcast %ge3A_229 : i32 to vector<16xi32>
        %ge3A_231 = arith.cmpi sge, %add3A_228, %ge3A_230 : vector<16xi32>
        %lt3A_232 = arith.constant 4096 : i32
        %lt3A_233 = vector.broadcast %lt3A_232 : i32 to vector<16xi32>
        %lt3A_234 = arith.cmpi slt, %add3A_228, %lt3A_233 : vector<16xi32>
        %and3A_235 = arith.andi %ge3A_231, %lt3A_234 : vector<16xi1>
        tpu.vector_store_idx %arg8[%broadcast_in_dim3A_185, %add3A_228], %gather3A_222 masked %and3A_235 : memref<8x4096xi32, #tpu.memory_space<vmem>>[vector<16xi32>, vector<16xi32>], vector<16xi32>, vector<16xi1>
        %jit3A_236 = arith.constant 0 : i64
        %convert_element_type3A_237 = arith.trunci %jit3A_236 : i64 to i32
        %broadcast_in_dim3A_238 = vector.broadcast %convert_element_type3A_237 : i32 to vector<16xi32>
        %select_n3A_239 = arith.select %eq3A_160, %broadcast_in_dim3A_238, %while3A_149 : vector<16xi1>, vector<16xi32>
        scf.yield %select_n3A_239 : vector<16xi32>
      }
    }
    %while3A_49 = arith.constant 1 : i32
    scf.for %while3A_108 = %while3A_47 to %while3A_43 step %while3A_49  : i32 {
      %mul3A_109 = arith.constant 16 : i32
      %mul3A_110 = arith.muli %while3A_108, %mul3A_109 : i32
      %get3A = arith.index_cast %mul3A_110 : i32 to index
      %get3A_111 = tpu.vector_load %arg9[%get3A] {strides = array<i32>} : memref<128xi32, #tpu.memory_space<vmem>>, vector<16xi32>,
      %mul3A_112 = arith.constant 16 : i32
      %mul3A_113 = arith.muli %while3A_108, %mul3A_112 : i32
      %get3A_114 = arith.index_cast %mul3A_113 : i32 to index
      %get3A_115 = tpu.vector_load %arg10[%get3A_114] {strides = array<i32>} : memref<128xi32, #tpu.memory_space<vmem>>, vector<16xi32>,
      %ge3A = vector.broadcast %multiple_of3A : i32 to vector<16xi32>
      %ge3A_116 = arith.cmpi sge, %get3A_111, %ge3A : vector<16xi32>
      %add3A_117 = arith.constant 8 : i32
      %add3A_118 = arith.addi %multiple_of3A, %add3A_117 : i32
      %lt3A = vector.broadcast %add3A_118 : i32 to vector<16xi32>
      %lt3A_119 = arith.cmpi slt, %get3A_111, %lt3A : vector<16xi32>
      %and3A = arith.andi %ge3A_116, %lt3A_119 : vector<16xi1>
      %lt3A_120 = arith.constant 8192 : i32
      %lt3A_121 = vector.broadcast %lt3A_120 : i32 to vector<16xi32>
      %lt3A_122 = arith.cmpi slt, %get3A_115, %lt3A_121 : vector<16xi32>
      %and3A_123 = arith.andi %and3A, %lt3A_122 : vector<16xi1>
      %add3A_124 = arith.constant 32 : i32
      %add3A_125 = vector.broadcast %add3A_124 : i32 to vector<16xi32>
      %add3A_126 = arith.addi %get3A_115, %add3A_125 : vector<16xi32>
      %gt3A = arith.constant 4096 : i32
      %gt3A_127 = vector.broadcast %gt3A : i32 to vector<16xi32>
      %gt3A_128 = arith.cmpi sgt, %add3A_126, %gt3A_127 : vector<16xi32>
      %and3A_129 = arith.andi %and3A_123, %gt3A_128 : vector<16xi1>
      %all_reduce_population_count3A = tpu.all_reduce %and3A_129 {dim = 0 : i64, kind = #tpu.reduction_kind<sum>} : vector<16xi1> -> vector<16xi32>
      %reduce_max3A = arith.constant true
      %reduce_max3A_130 = vector.broadcast %reduce_max3A : i1 to vector<16xi1>
      %reduce_max3A_131 = arith.constant -2147483648 : i32
      %reduce_max3A_132 = vector.broadcast %reduce_max3A_131 : i32 to vector<16xi32>
      %reduce_max3A_133 = arith.xori %all_reduce_population_count3A, %reduce_max3A_132 : vector<16xi32>
      %reduce_max3A_134 = tpu.scan <max>, %reduce_max3A_133 masked %reduce_max3A_130 : vector<16xi32>, vector<16xi1> -> vector<16xi32>
      %reduce_max3A_135 = arith.xori %reduce_max3A_134, %reduce_max3A_132 : vector<16xi32>
      %reduce_max3A_136 = vector.extract %reduce_max3A_135[15] : i32 from vector<16xi32>
      %convert_element_type3A = arith.extui %and3A_129 : vector<16xi1> to vector<16xi32>
      %while3A_137 = arith.constant 0 : i32
      %while3A_138 = arith.subi %reduce_max3A_136, %while3A_137 : i32
      %while3A_139 = arith.addi %while3A_137, %while3A_138 : i32
      %while3A_140 = arith.constant 1 : i32
      %while3A_141 = arith.divsi %while3A_138, %while3A_140 : i32
      %while3A_142 = arith.muli %while3A_141, %while3A_140 : i32
      %while3A_143 = arith.addi %while3A_137, %while3A_142 : i32
      %while3A_144 = arith.constant 1 : i32
      %while3A_145 = scf.for %while3A_148 = %while3A_137 to %while3A_143 step %while3A_144 iter_args(%while3A_149 = %convert_element_type3A) -> (vector<16xi32>)  : i32 {
        %ne3A = arith.constant 0 : i32
        %ne3A_150 = vector.broadcast %ne3A : i32 to vector<16xi32>
        %ne3A_151 = arith.cmpi ne, %while3A_149, %ne3A_150 : vector<16xi32>
        %all_reduce_ffs3A = tpu.all_reduce %ne3A_151 {dim = 0 : i64, kind = #tpu.reduction_kind<find_first_set>} : vector<16xi1> -> vector<16xi32>
        %reduce_max3A_152 = arith.constant true
        %reduce_max3A_153 = vector.broadcast %reduce_max3A_152 : i1 to vector<16xi1>
        %reduce_max3A_154 = arith.constant -2147483648 : i32
        %reduce_max3A_155 = vector.broadcast %reduce_max3A_154 : i32 to vector<16xi32>
        %reduce_max3A_156 = arith.xori %all_reduce_ffs3A, %reduce_max3A_155 : vector<16xi32>
        %reduce_max3A_157 = tpu.scan <max>, %reduce_max3A_156 masked %reduce_max3A_153 : vector<16xi32>, vector<16xi1> -> vector<16xi32>
        %reduce_max3A_158 = arith.xori %reduce_max3A_157, %reduce_max3A_155 : vector<16xi32>
        %reduce_max3A_159 = vector.extract %reduce_max3A_158[15] : i32 from vector<16xi32>
        %eq3A = vector.broadcast %reduce_max3A_159 : i32 to vector<16xi32>
        %eq3A_160 = arith.cmpi eq, %iota3A, %eq3A : vector<16xi32>
        %jit3A = arith.constant 0 : i64
        %convert_element_type3A_161 = arith.trunci %jit3A : i64 to i32
        %broadcast_in_dim3A = vector.broadcast %convert_element_type3A_161 : i32 to vector<16xi32>
        %select_n3A = arith.select %eq3A_160, %get3A_111, %broadcast_in_dim3A : vector<16xi1>, vector<16xi32>
        %reduce_max3A_162 = arith.constant true
        %reduce_max3A_163 = vector.broadcast %reduce_max3A_162 : i1 to vector<16xi1>
        %reduce_max3A_164 = arith.constant -2147483648 : i32
        %reduce_max3A_165 = vector.broadcast %reduce_max3A_164 : i32 to vector<16xi32>
        %reduce_max3A_166 = arith.xori %select_n3A, %reduce_max3A_165 : vector<16xi32>
        %reduce_max3A_167 = tpu.scan <max>, %reduce_max3A_166 masked %reduce_max3A_163 : vector<16xi32>, vector<16xi1> -> vector<16xi32>
        %reduce_max3A_168 = arith.xori %reduce_max3A_167, %reduce_max3A_165 : vector<16xi32>
        %reduce_max3A_169 = vector.extract %reduce_max3A_168[15] : i32 from vector<16xi32>
        %jit3A_170 = arith.constant 0 : i64
        %convert_element_type3A_171 = arith.trunci %jit3A_170 : i64 to i32
        %broadcast_in_dim3A_172 = vector.broadcast %convert_element_type3A_171 : i32 to vector<16xi32>
        %select_n3A_173 = arith.select %eq3A_160, %get3A_115, %broadcast_in_dim3A_172 : vector<16xi1>, vector<16xi32>
        %reduce_max3A_174 = arith.constant true
        %reduce_max3A_175 = vector.broadcast %reduce_max3A_174 : i1 to vector<16xi1>
        %reduce_max3A_176 = arith.constant -2147483648 : i32
        %reduce_max3A_177 = vector.broadcast %reduce_max3A_176 : i32 to vector<16xi32>
        %reduce_max3A_178 = arith.xori %select_n3A_173, %reduce_max3A_177 : vector<16xi32>
        %reduce_max3A_179 = tpu.scan <max>, %reduce_max3A_178 masked %reduce_max3A_175 : vector<16xi32>, vector<16xi1> -> vector<16xi32>
        %reduce_max3A_180 = arith.xori %reduce_max3A_179, %reduce_max3A_177 : vector<16xi32>
        %reduce_max3A_181 = vector.extract %reduce_max3A_180[15] : i32 from vector<16xi32>
        %mul3A_182 = arith.constant 16 : i32
        %mul3A_183 = arith.muli %while3A_108, %mul3A_182 : i32
        %add3A_184 = arith.addi %mul3A_183, %reduce_max3A_159 : i32
        %sub3A = arith.subi %reduce_max3A_169, %multiple_of3A : i32
        %broadcast_in_dim3A_185 = vector.broadcast %sub3A : i32 to vector<16xi32>
        %mul3A_186 = arith.constant 32 : i32
        %mul3A_187 = arith.muli %add3A_184, %mul3A_186 : i32
        %add3A_188 = arith.constant 0 : i32
        %add3A_189 = arith.addi %mul3A_187, %add3A_188 : i32
        %add3A_190 = vector.broadcast %add3A_189 : i32 to vector<16xi32>
        %add3A_191 = arith.addi %add3A_190, %iota3A : vector<16xi32>
        %shift_right_arithmetic3A = arith.constant 7 : i32
        %shift_right_arithmetic3A_192 = vector.broadcast %shift_right_arithmetic3A : i32 to vector<16xi32>
        %shift_right_arithmetic3A_193 = arith.shrsi %add3A_191, %shift_right_arithmetic3A_192 : vector<16xi32>
        %and3A_194 = arith.constant 127 : i32
        %and3A_195 = vector.broadcast %and3A_194 : i32 to vector<16xi32>
        %and3A_196 = arith.andi %add3A_191, %and3A_195 : vector<16xi32>
        %gather3A = tpu.vector_load_idx %arg11[%shift_right_arithmetic3A_193, %and3A_196] : memref<32x128xi32, #tpu.memory_space<vmem>>[vector<16xi32>, vector<16xi32>], vector<16xi32>,
        %sub3A_197 = arith.constant 4096 : i32
        %sub3A_198 = arith.subi %reduce_max3A_181, %sub3A_197 : i32
        %add3A_199 = arith.constant 0 : i32
        %add3A_200 = arith.addi %sub3A_198, %add3A_199 : i32
        %add3A_201 = vector.broadcast %add3A_200 : i32 to vector<16xi32>
        %add3A_202 = arith.addi %add3A_201, %iota3A : vector<16xi32>
        %ge3A_203 = arith.constant 0 : i32
        %ge3A_204 = vector.broadcast %ge3A_203 : i32 to vector<16xi32>
        %ge3A_205 = arith.cmpi sge, %add3A_202, %ge3A_204 : vector<16xi32>
        %lt3A_206 = arith.constant 4096 : i32
        %lt3A_207 = vector.broadcast %lt3A_206 : i32 to vector<16xi32>
        %lt3A_208 = arith.cmpi slt, %add3A_202, %lt3A_207 : vector<16xi32>
        %and3A_209 = arith.andi %ge3A_205, %lt3A_208 : vector<16xi1>
        tpu.vector_store_idx %arg8[%broadcast_in_dim3A_185, %add3A_202], %gather3A masked %and3A_209 : memref<8x4096xi32, #tpu.memory_space<vmem>>[vector<16xi32>, vector<16xi32>], vector<16xi32>, vector<16xi1>
        %mul3A_210 = arith.constant 32 : i32
        %mul3A_211 = arith.muli %add3A_184, %mul3A_210 : i32
        %add3A_212 = arith.constant 16 : i32
        %add3A_213 = arith.addi %mul3A_211, %add3A_212 : i32
        %add3A_214 = vector.broadcast %add3A_213 : i32 to vector<16xi32>
        %add3A_215 = arith.addi %add3A_214, %iota3A : vector<16xi32>
        %shift_right_arithmetic3A_216 = arith.constant 7 : i32
        %shift_right_arithmetic3A_217 = vector.broadcast %shift_right_arithmetic3A_216 : i32 to vector<16xi32>
        %shift_right_arithmetic3A_218 = arith.shrsi %add3A_215, %shift_right_arithmetic3A_217 : vector<16xi32>
        %and3A_219 = arith.constant 127 : i32
        %and3A_220 = vector.broadcast %and3A_219 : i32 to vector<16xi32>
        %and3A_221 = arith.andi %add3A_215, %and3A_220 : vector<16xi32>
        %gather3A_222 = tpu.vector_load_idx %arg11[%shift_right_arithmetic3A_218, %and3A_221] : memref<32x128xi32, #tpu.memory_space<vmem>>[vector<16xi32>, vector<16xi32>], vector<16xi32>,
        %sub3A_223 = arith.constant 4096 : i32
        %sub3A_224 = arith.subi %reduce_max3A_181, %sub3A_223 : i32
        %add3A_225 = arith.constant 16 : i32
        %add3A_226 = arith.addi %sub3A_224, %add3A_225 : i32
        %add3A_227 = vector.broadcast %add3A_226 : i32 to vector<16xi32>
        %add3A_228 = arith.addi %add3A_227, %iota3A : vector<16xi32>
        %ge3A_229 = arith.constant 0 : i32
        %ge3A_230 = vector.broadcast %ge3A_229 : i32 to vector<16xi32>
        %ge3A_231 = arith.cmpi sge, %add3A_228, %ge3A_230 : vector<16xi32>
        %lt3A_232 = arith.constant 4096 : i32
        %lt3A_233 = vector.broadcast %lt3A_232 : i32 to vector<16xi32>
        %lt3A_234 = arith.cmpi slt, %add3A_228, %lt3A_233 : vector<16xi32>
        %and3A_235 = arith.andi %ge3A_231, %lt3A_234 : vector<16xi1>
        tpu.vector_store_idx %arg8[%broadcast_in_dim3A_185, %add3A_228], %gather3A_222 masked %and3A_235 : memref<8x4096xi32, #tpu.memory_space<vmem>>[vector<16xi32>, vector<16xi32>], vector<16xi32>, vector<16xi1>
        %jit3A_236 = arith.constant 0 : i64
        %convert_element_type3A_237 = arith.trunci %jit3A_236 : i64 to i32
        %broadcast_in_dim3A_238 = vector.broadcast %convert_element_type3A_237 : i32 to vector<16xi32>
        %select_n3A_239 = arith.select %eq3A_160, %broadcast_in_dim3A_238, %while3A_149 : vector<16xi1>, vector<16xi32>
        scf.yield %select_n3A_239 : vector<16xi32>
      }
      %while3A_146 = arith.constant 1 : i32
      %while3A_147 = scf.for %while3A_148 = %while3A_143 to %while3A_139 step %while3A_146 iter_args(%while3A_149 = %while3A_145) -> (vector<16xi32>)  : i32 {
        %ne3A = arith.constant 0 : i32
        %ne3A_150 = vector.broadcast %ne3A : i32 to vector<16xi32>
        %ne3A_151 = arith.cmpi ne, %while3A_149, %ne3A_150 : vector<16xi32>
        %all_reduce_ffs3A = tpu.all_reduce %ne3A_151 {dim = 0 : i64, kind = #tpu.reduction_kind<find_first_set>} : vector<16xi1> -> vector<16xi32>
        %reduce_max3A_152 = arith.constant true
        %reduce_max3A_153 = vector.broadcast %reduce_max3A_152 : i1 to vector<16xi1>
        %reduce_max3A_154 = arith.constant -2147483648 : i32
        %reduce_max3A_155 = vector.broadcast %reduce_max3A_154 : i32 to vector<16xi32>
        %reduce_max3A_156 = arith.xori %all_reduce_ffs3A, %reduce_max3A_155 : vector<16xi32>
        %reduce_max3A_157 = tpu.scan <max>, %reduce_max3A_156 masked %reduce_max3A_153 : vector<16xi32>, vector<16xi1> -> vector<16xi32>
        %reduce_max3A_158 = arith.xori %reduce_max3A_157, %reduce_max3A_155 : vector<16xi32>
        %reduce_max3A_159 = vector.extract %reduce_max3A_158[15] : i32 from vector<16xi32>
        %eq3A = vector.broadcast %reduce_max3A_159 : i32 to vector<16xi32>
        %eq3A_160 = arith.cmpi eq, %iota3A, %eq3A : vector<16xi32>
        %jit3A = arith.constant 0 : i64
        %convert_element_type3A_161 = arith.trunci %jit3A : i64 to i32
        %broadcast_in_dim3A = vector.broadcast %convert_element_type3A_161 : i32 to vector<16xi32>
        %select_n3A = arith.select %eq3A_160, %get3A_111, %broadcast_in_dim3A : vector<16xi1>, vector<16xi32>
        %reduce_max3A_162 = arith.constant true
        %reduce_max3A_163 = vector.broadcast %reduce_max3A_162 : i1 to vector<16xi1>
        %reduce_max3A_164 = arith.constant -2147483648 : i32
        %reduce_max3A_165 = vector.broadcast %reduce_max3A_164 : i32 to vector<16xi32>
        %reduce_max3A_166 = arith.xori %select_n3A, %reduce_max3A_165 : vector<16xi32>
        %reduce_max3A_167 = tpu.scan <max>, %reduce_max3A_166 masked %reduce_max3A_163 : vector<16xi32>, vector<16xi1> -> vector<16xi32>
        %reduce_max3A_168 = arith.xori %reduce_max3A_167, %reduce_max3A_165 : vector<16xi32>
        %reduce_max3A_169 = vector.extract %reduce_max3A_168[15] : i32 from vector<16xi32>
        %jit3A_170 = arith.constant 0 : i64
        %convert_element_type3A_171 = arith.trunci %jit3A_170 : i64 to i32
        %broadcast_in_dim3A_172 = vector.broadcast %convert_element_type3A_171 : i32 to vector<16xi32>
        %select_n3A_173 = arith.select %eq3A_160, %get3A_115, %broadcast_in_dim3A_172 : vector<16xi1>, vector<16xi32>
        %reduce_max3A_174 = arith.constant true
        %reduce_max3A_175 = vector.broadcast %reduce_max3A_174 : i1 to vector<16xi1>
        %reduce_max3A_176 = arith.constant -2147483648 : i32
        %reduce_max3A_177 = vector.broadcast %reduce_max3A_176 : i32 to vector<16xi32>
        %reduce_max3A_178 = arith.xori %select_n3A_173, %reduce_max3A_177 : vector<16xi32>
        %reduce_max3A_179 = tpu.scan <max>, %reduce_max3A_178 masked %reduce_max3A_175 : vector<16xi32>, vector<16xi1> -> vector<16xi32>
        %reduce_max3A_180 = arith.xori %reduce_max3A_179, %reduce_max3A_177 : vector<16xi32>
        %reduce_max3A_181 = vector.extract %reduce_max3A_180[15] : i32 from vector<16xi32>
        %mul3A_182 = arith.constant 16 : i32
        %mul3A_183 = arith.muli %while3A_108, %mul3A_182 : i32
        %add3A_184 = arith.addi %mul3A_183, %reduce_max3A_159 : i32
        %sub3A = arith.subi %reduce_max3A_169, %multiple_of3A : i32
        %broadcast_in_dim3A_185 = vector.broadcast %sub3A : i32 to vector<16xi32>
        %mul3A_186 = arith.constant 32 : i32
        %mul3A_187 = arith.muli %add3A_184, %mul3A_186 : i32
        %add3A_188 = arith.constant 0 : i32
        %add3A_189 = arith.addi %mul3A_187, %add3A_188 : i32
        %add3A_190 = vector.broadcast %add3A_189 : i32 to vector<16xi32>
        %add3A_191 = arith.addi %add3A_190, %iota3A : vector<16xi32>
        %shift_right_arithmetic3A = arith.constant 7 : i32
        %shift_right_arithmetic3A_192 = vector.broadcast %shift_right_arithmetic3A : i32 to vector<16xi32>
        %shift_right_arithmetic3A_193 = arith.shrsi %add3A_191, %shift_right_arithmetic3A_192 : vector<16xi32>
        %and3A_194 = arith.constant 127 : i32
        %and3A_195 = vector.broadcast %and3A_194 : i32 to vector<16xi32>
        %and3A_196 = arith.andi %add3A_191, %and3A_195 : vector<16xi32>
        %gather3A = tpu.vector_load_idx %arg11[%shift_right_arithmetic3A_193, %and3A_196] : memref<32x128xi32, #tpu.memory_space<vmem>>[vector<16xi32>, vector<16xi32>], vector<16xi32>,
        %sub3A_197 = arith.constant 4096 : i32
        %sub3A_198 = arith.subi %reduce_max3A_181, %sub3A_197 : i32
        %add3A_199 = arith.constant 0 : i32
        %add3A_200 = arith.addi %sub3A_198, %add3A_199 : i32
        %add3A_201 = vector.broadcast %add3A_200 : i32 to vector<16xi32>
        %add3A_202 = arith.addi %add3A_201, %iota3A : vector<16xi32>
        %ge3A_203 = arith.constant 0 : i32
        %ge3A_204 = vector.broadcast %ge3A_203 : i32 to vector<16xi32>
        %ge3A_205 = arith.cmpi sge, %add3A_202, %ge3A_204 : vector<16xi32>
        %lt3A_206 = arith.constant 4096 : i32
        %lt3A_207 = vector.broadcast %lt3A_206 : i32 to vector<16xi32>
        %lt3A_208 = arith.cmpi slt, %add3A_202, %lt3A_207 : vector<16xi32>
        %and3A_209 = arith.andi %ge3A_205, %lt3A_208 : vector<16xi1>
        tpu.vector_store_idx %arg8[%broadcast_in_dim3A_185, %add3A_202], %gather3A masked %and3A_209 : memref<8x4096xi32, #tpu.memory_space<vmem>>[vector<16xi32>, vector<16xi32>], vector<16xi32>, vector<16xi1>
        %mul3A_210 = arith.constant 32 : i32
        %mul3A_211 = arith.muli %add3A_184, %mul3A_210 : i32
        %add3A_212 = arith.constant 16 : i32
        %add3A_213 = arith.addi %mul3A_211, %add3A_212 : i32
        %add3A_214 = vector.broadcast %add3A_213 : i32 to vector<16xi32>
        %add3A_215 = arith.addi %add3A_214, %iota3A : vector<16xi32>
        %shift_right_arithmetic3A_216 = arith.constant 7 : i32
        %shift_right_arithmetic3A_217 = vector.broadcast %shift_right_arithmetic3A_216 : i32 to vector<16xi32>
        %shift_right_arithmetic3A_218 = arith.shrsi %add3A_215, %shift_right_arithmetic3A_217 : vector<16xi32>
        %and3A_219 = arith.constant 127 : i32
        %and3A_220 = vector.broadcast %and3A_219 : i32 to vector<16xi32>
        %and3A_221 = arith.andi %add3A_215, %and3A_220 : vector<16xi32>
        %gather3A_222 = tpu.vector_load_idx %arg11[%shift_right_arithmetic3A_218, %and3A_221] : memref<32x128xi32, #tpu.memory_space<vmem>>[vector<16xi32>, vector<16xi32>], vector<16xi32>,
        %sub3A_223 = arith.constant 4096 : i32
        %sub3A_224 = arith.subi %reduce_max3A_181, %sub3A_223 : i32
        %add3A_225 = arith.constant 16 : i32
        %add3A_226 = arith.addi %sub3A_224, %add3A_225 : i32
        %add3A_227 = vector.broadcast %add3A_226 : i32 to vector<16xi32>
        %add3A_228 = arith.addi %add3A_227, %iota3A : vector<16xi32>
        %ge3A_229 = arith.constant 0 : i32
        %ge3A_230 = vector.broadcast %ge3A_229 : i32 to vector<16xi32>
        %ge3A_231 = arith.cmpi sge, %add3A_228, %ge3A_230 : vector<16xi32>
        %lt3A_232 = arith.constant 4096 : i32
        %lt3A_233 = vector.broadcast %lt3A_232 : i32 to vector<16xi32>
        %lt3A_234 = arith.cmpi slt, %add3A_228, %lt3A_233 : vector<16xi32>
        %and3A_235 = arith.andi %ge3A_231, %lt3A_234 : vector<16xi1>
        tpu.vector_store_idx %arg8[%broadcast_in_dim3A_185, %add3A_228], %gather3A_222 masked %and3A_235 : memref<8x4096xi32, #tpu.memory_space<vmem>>[vector<16xi32>, vector<16xi32>], vector<16xi32>, vector<16xi1>
        %jit3A_236 = arith.constant 0 : i64
        %convert_element_type3A_237 = arith.trunci %jit3A_236 : i64 to i32
        %broadcast_in_dim3A_238 = vector.broadcast %convert_element_type3A_237 : i32 to vector<16xi32>
        %select_n3A_239 = arith.select %eq3A_160, %broadcast_in_dim3A_238, %while3A_149 : vector<16xi1>, vector<16xi32>
        scf.yield %select_n3A_239 : vector<16xi32>
      }
    }
    %dma_start3A_50 = arith.constant 4096 : i32
    %dma_start3A_51 = tpu.memref_slice %arg6[%multiple_of3A, %dma_start3A_50] : memref<256x16384xi32, #tpu.memory_space<hbm>> -> memref<8x4096xi32, #tpu.memory_space<hbm>>
    %dma_start3A_52 = arith.constant 4096 : i32
    %dma_start3A_53 = tpu.memref_slice %arg6[%multiple_of3A, %dma_start3A_52] : memref<256x16384xi32, #tpu.memory_space<hbm>> -> memref<8x4096xi32, #tpu.memory_space<hbm>>
    tpu.enqueue_dma source(%arg8 : memref<8x4096xi32, #tpu.memory_space<vmem>>) target(%dma_start3A_53 : memref<8x4096xi32, #tpu.memory_space<hbm>>) target_semaphore(%arg15 : memref<!tpu.dma_semaphore, #tpu.memory_space<semaphore_mem>>)
    %dma_wait3A_54 = arith.constant 4096 : i32
    %dma_wait3A_55 = tpu.memref_slice %arg6[%multiple_of3A, %dma_wait3A_54] : memref<256x16384xi32, #tpu.memory_space<hbm>> -> memref<8x4096xi32, #tpu.memory_space<hbm>>
    %dma_wait3A_56 = arith.constant 4096 : i32
    %dma_wait3A_57 = tpu.memref_slice %arg6[%multiple_of3A, %dma_wait3A_56] : memref<256x16384xi32, #tpu.memory_space<hbm>> -> memref<8x4096xi32, #tpu.memory_space<hbm>>
    tpu.wait_dma2 semaphore(%arg15 : memref<!tpu.dma_semaphore, #tpu.memory_space<semaphore_mem>>) src(%arg8 : memref<8x4096xi32, #tpu.memory_space<vmem>>) dst(%dma_wait3A_57 : memref<8x4096xi32, #tpu.memory_space<hbm>>)
    %dma_start3A_58 = arith.constant 12288 : i32
    %dma_start3A_59 = tpu.memref_slice %arg2[%multiple_of3A, %dma_start3A_58] : memref<256x16384xi32, #tpu.memory_space<hbm>> -> memref<8x4096xi32, #tpu.memory_space<hbm>>
    %dma_start3A_60 = arith.constant 12288 : i32
    %dma_start3A_61 = tpu.memref_slice %arg2[%multiple_of3A, %dma_start3A_60] : memref<256x16384xi32, #tpu.memory_space<hbm>> -> memref<8x4096xi32, #tpu.memory_space<hbm>>
    tpu.enqueue_dma source(%dma_start3A_61 : memref<8x4096xi32, #tpu.memory_space<hbm>>) target(%arg8 : memref<8x4096xi32, #tpu.memory_space<vmem>>) target_semaphore(%arg13 : memref<!tpu.dma_semaphore, #tpu.memory_space<semaphore_mem>>)
    %dma_wait3A_62 = arith.constant 8192 : i32
    %dma_wait3A_63 = tpu.memref_slice %arg2[%multiple_of3A, %dma_wait3A_62] : memref<256x16384xi32, #tpu.memory_space<hbm>> -> memref<8x4096xi32, #tpu.memory_space<hbm>>
    %dma_wait3A_64 = arith.constant 8192 : i32
    %dma_wait3A_65 = tpu.memref_slice %arg2[%multiple_of3A, %dma_wait3A_64] : memref<256x16384xi32, #tpu.memory_space<hbm>> -> memref<8x4096xi32, #tpu.memory_space<hbm>>
    tpu.wait_dma2 semaphore(%arg12 : memref<!tpu.dma_semaphore, #tpu.memory_space<semaphore_mem>>) src(%dma_wait3A_65 : memref<8x4096xi32, #tpu.memory_space<hbm>>) dst(%arg7 : memref<8x4096xi32, #tpu.memory_space<vmem>>)
    %while3A_66 = arith.constant 0 : i32
    %while3A_67 = arith.constant 0 : i32
    %while3A_68 = arith.constant 8 : i32
    %while3A_69 = arith.subi %while3A_68, %while3A_67 : i32
    %while3A_70 = arith.addi %while3A_67, %while3A_69 : i32
    %while3A_71 = arith.constant 1 : i32
    %while3A_72 = arith.divsi %while3A_69, %while3A_71 : i32
    %while3A_73 = arith.muli %while3A_72, %while3A_71 : i32
    %while3A_74 = arith.addi %while3A_67, %while3A_73 : i32
    %while3A_75 = arith.constant 1 : i32
    scf.for %while3A_108 = %while3A_67 to %while3A_74 step %while3A_75  : i32 {
      %mul3A_109 = arith.constant 16 : i32
      %mul3A_110 = arith.muli %while3A_108, %mul3A_109 : i32
      %get3A = arith.index_cast %mul3A_110 : i32 to index
      %get3A_111 = tpu.vector_load %arg9[%get3A] {strides = array<i32>} : memref<128xi32, #tpu.memory_space<vmem>>, vector<16xi32>,
      %mul3A_112 = arith.constant 16 : i32
      %mul3A_113 = arith.muli %while3A_108, %mul3A_112 : i32
      %get3A_114 = arith.index_cast %mul3A_113 : i32 to index
      %get3A_115 = tpu.vector_load %arg10[%get3A_114] {strides = array<i32>} : memref<128xi32, #tpu.memory_space<vmem>>, vector<16xi32>,
      %ge3A = vector.broadcast %multiple_of3A : i32 to vector<16xi32>
      %ge3A_116 = arith.cmpi sge, %get3A_111, %ge3A : vector<16xi32>
      %add3A_117 = arith.constant 8 : i32
      %add3A_118 = arith.addi %multiple_of3A, %add3A_117 : i32
      %lt3A = vector.broadcast %add3A_118 : i32 to vector<16xi32>
      %lt3A_119 = arith.cmpi slt, %get3A_111, %lt3A : vector<16xi32>
      %and3A = arith.andi %ge3A_116, %lt3A_119 : vector<16xi1>
      %lt3A_120 = arith.constant 12288 : i32
      %lt3A_121 = vector.broadcast %lt3A_120 : i32 to vector<16xi32>
      %lt3A_122 = arith.cmpi slt, %get3A_115, %lt3A_121 : vector<16xi32>
      %and3A_123 = arith.andi %and3A, %lt3A_122 : vector<16xi1>
      %add3A_124 = arith.constant 32 : i32
      %add3A_125 = vector.broadcast %add3A_124 : i32 to vector<16xi32>
      %add3A_126 = arith.addi %get3A_115, %add3A_125 : vector<16xi32>
      %gt3A = arith.constant 8192 : i32
      %gt3A_127 = vector.broadcast %gt3A : i32 to vector<16xi32>
      %gt3A_128 = arith.cmpi sgt, %add3A_126, %gt3A_127 : vector<16xi32>
      %and3A_129 = arith.andi %and3A_123, %gt3A_128 : vector<16xi1>
      %all_reduce_population_count3A = tpu.all_reduce %and3A_129 {dim = 0 : i64, kind = #tpu.reduction_kind<sum>} : vector<16xi1> -> vector<16xi32>
      %reduce_max3A = arith.constant true
      %reduce_max3A_130 = vector.broadcast %reduce_max3A : i1 to vector<16xi1>
      %reduce_max3A_131 = arith.constant -2147483648 : i32
      %reduce_max3A_132 = vector.broadcast %reduce_max3A_131 : i32 to vector<16xi32>
      %reduce_max3A_133 = arith.xori %all_reduce_population_count3A, %reduce_max3A_132 : vector<16xi32>
      %reduce_max3A_134 = tpu.scan <max>, %reduce_max3A_133 masked %reduce_max3A_130 : vector<16xi32>, vector<16xi1> -> vector<16xi32>
      %reduce_max3A_135 = arith.xori %reduce_max3A_134, %reduce_max3A_132 : vector<16xi32>
      %reduce_max3A_136 = vector.extract %reduce_max3A_135[15] : i32 from vector<16xi32>
      %convert_element_type3A = arith.extui %and3A_129 : vector<16xi1> to vector<16xi32>
      %while3A_137 = arith.constant 0 : i32
      %while3A_138 = arith.subi %reduce_max3A_136, %while3A_137 : i32
      %while3A_139 = arith.addi %while3A_137, %while3A_138 : i32
      %while3A_140 = arith.constant 1 : i32
      %while3A_141 = arith.divsi %while3A_138, %while3A_140 : i32
      %while3A_142 = arith.muli %while3A_141, %while3A_140 : i32
      %while3A_143 = arith.addi %while3A_137, %while3A_142 : i32
      %while3A_144 = arith.constant 1 : i32
      %while3A_145 = scf.for %while3A_148 = %while3A_137 to %while3A_143 step %while3A_144 iter_args(%while3A_149 = %convert_element_type3A) -> (vector<16xi32>)  : i32 {
        %ne3A = arith.constant 0 : i32
        %ne3A_150 = vector.broadcast %ne3A : i32 to vector<16xi32>
        %ne3A_151 = arith.cmpi ne, %while3A_149, %ne3A_150 : vector<16xi32>
        %all_reduce_ffs3A = tpu.all_reduce %ne3A_151 {dim = 0 : i64, kind = #tpu.reduction_kind<find_first_set>} : vector<16xi1> -> vector<16xi32>
        %reduce_max3A_152 = arith.constant true
        %reduce_max3A_153 = vector.broadcast %reduce_max3A_152 : i1 to vector<16xi1>
        %reduce_max3A_154 = arith.constant -2147483648 : i32
        %reduce_max3A_155 = vector.broadcast %reduce_max3A_154 : i32 to vector<16xi32>
        %reduce_max3A_156 = arith.xori %all_reduce_ffs3A, %reduce_max3A_155 : vector<16xi32>
        %reduce_max3A_157 = tpu.scan <max>, %reduce_max3A_156 masked %reduce_max3A_153 : vector<16xi32>, vector<16xi1> -> vector<16xi32>
        %reduce_max3A_158 = arith.xori %reduce_max3A_157, %reduce_max3A_155 : vector<16xi32>
        %reduce_max3A_159 = vector.extract %reduce_max3A_158[15] : i32 from vector<16xi32>
        %eq3A = vector.broadcast %reduce_max3A_159 : i32 to vector<16xi32>
        %eq3A_160 = arith.cmpi eq, %iota3A, %eq3A : vector<16xi32>
        %jit3A = arith.constant 0 : i64
        %convert_element_type3A_161 = arith.trunci %jit3A : i64 to i32
        %broadcast_in_dim3A = vector.broadcast %convert_element_type3A_161 : i32 to vector<16xi32>
        %select_n3A = arith.select %eq3A_160, %get3A_111, %broadcast_in_dim3A : vector<16xi1>, vector<16xi32>
        %reduce_max3A_162 = arith.constant true
        %reduce_max3A_163 = vector.broadcast %reduce_max3A_162 : i1 to vector<16xi1>
        %reduce_max3A_164 = arith.constant -2147483648 : i32
        %reduce_max3A_165 = vector.broadcast %reduce_max3A_164 : i32 to vector<16xi32>
        %reduce_max3A_166 = arith.xori %select_n3A, %reduce_max3A_165 : vector<16xi32>
        %reduce_max3A_167 = tpu.scan <max>, %reduce_max3A_166 masked %reduce_max3A_163 : vector<16xi32>, vector<16xi1> -> vector<16xi32>
        %reduce_max3A_168 = arith.xori %reduce_max3A_167, %reduce_max3A_165 : vector<16xi32>
        %reduce_max3A_169 = vector.extract %reduce_max3A_168[15] : i32 from vector<16xi32>
        %jit3A_170 = arith.constant 0 : i64
        %convert_element_type3A_171 = arith.trunci %jit3A_170 : i64 to i32
        %broadcast_in_dim3A_172 = vector.broadcast %convert_element_type3A_171 : i32 to vector<16xi32>
        %select_n3A_173 = arith.select %eq3A_160, %get3A_115, %broadcast_in_dim3A_172 : vector<16xi1>, vector<16xi32>
        %reduce_max3A_174 = arith.constant true
        %reduce_max3A_175 = vector.broadcast %reduce_max3A_174 : i1 to vector<16xi1>
        %reduce_max3A_176 = arith.constant -2147483648 : i32
        %reduce_max3A_177 = vector.broadcast %reduce_max3A_176 : i32 to vector<16xi32>
        %reduce_max3A_178 = arith.xori %select_n3A_173, %reduce_max3A_177 : vector<16xi32>
        %reduce_max3A_179 = tpu.scan <max>, %reduce_max3A_178 masked %reduce_max3A_175 : vector<16xi32>, vector<16xi1> -> vector<16xi32>
        %reduce_max3A_180 = arith.xori %reduce_max3A_179, %reduce_max3A_177 : vector<16xi32>
        %reduce_max3A_181 = vector.extract %reduce_max3A_180[15] : i32 from vector<16xi32>
        %mul3A_182 = arith.constant 16 : i32
        %mul3A_183 = arith.muli %while3A_108, %mul3A_182 : i32
        %add3A_184 = arith.addi %mul3A_183, %reduce_max3A_159 : i32
        %sub3A = arith.subi %reduce_max3A_169, %multiple_of3A : i32
        %broadcast_in_dim3A_185 = vector.broadcast %sub3A : i32 to vector<16xi32>
        %mul3A_186 = arith.constant 32 : i32
        %mul3A_187 = arith.muli %add3A_184, %mul3A_186 : i32
        %add3A_188 = arith.constant 0 : i32
        %add3A_189 = arith.addi %mul3A_187, %add3A_188 : i32
        %add3A_190 = vector.broadcast %add3A_189 : i32 to vector<16xi32>
        %add3A_191 = arith.addi %add3A_190, %iota3A : vector<16xi32>
        %shift_right_arithmetic3A = arith.constant 7 : i32
        %shift_right_arithmetic3A_192 = vector.broadcast %shift_right_arithmetic3A : i32 to vector<16xi32>
        %shift_right_arithmetic3A_193 = arith.shrsi %add3A_191, %shift_right_arithmetic3A_192 : vector<16xi32>
        %and3A_194 = arith.constant 127 : i32
        %and3A_195 = vector.broadcast %and3A_194 : i32 to vector<16xi32>
        %and3A_196 = arith.andi %add3A_191, %and3A_195 : vector<16xi32>
        %gather3A = tpu.vector_load_idx %arg11[%shift_right_arithmetic3A_193, %and3A_196] : memref<32x128xi32, #tpu.memory_space<vmem>>[vector<16xi32>, vector<16xi32>], vector<16xi32>,
        %sub3A_197 = arith.constant 8192 : i32
        %sub3A_198 = arith.subi %reduce_max3A_181, %sub3A_197 : i32
        %add3A_199 = arith.constant 0 : i32
        %add3A_200 = arith.addi %sub3A_198, %add3A_199 : i32
        %add3A_201 = vector.broadcast %add3A_200 : i32 to vector<16xi32>
        %add3A_202 = arith.addi %add3A_201, %iota3A : vector<16xi32>
        %ge3A_203 = arith.constant 0 : i32
        %ge3A_204 = vector.broadcast %ge3A_203 : i32 to vector<16xi32>
        %ge3A_205 = arith.cmpi sge, %add3A_202, %ge3A_204 : vector<16xi32>
        %lt3A_206 = arith.constant 4096 : i32
        %lt3A_207 = vector.broadcast %lt3A_206 : i32 to vector<16xi32>
        %lt3A_208 = arith.cmpi slt, %add3A_202, %lt3A_207 : vector<16xi32>
        %and3A_209 = arith.andi %ge3A_205, %lt3A_208 : vector<16xi1>
        tpu.vector_store_idx %arg7[%broadcast_in_dim3A_185, %add3A_202], %gather3A masked %and3A_209 : memref<8x4096xi32, #tpu.memory_space<vmem>>[vector<16xi32>, vector<16xi32>], vector<16xi32>, vector<16xi1>
        %mul3A_210 = arith.constant 32 : i32
        %mul3A_211 = arith.muli %add3A_184, %mul3A_210 : i32
        %add3A_212 = arith.constant 16 : i32
        %add3A_213 = arith.addi %mul3A_211, %add3A_212 : i32
        %add3A_214 = vector.broadcast %add3A_213 : i32 to vector<16xi32>
        %add3A_215 = arith.addi %add3A_214, %iota3A : vector<16xi32>
        %shift_right_arithmetic3A_216 = arith.constant 7 : i32
        %shift_right_arithmetic3A_217 = vector.broadcast %shift_right_arithmetic3A_216 : i32 to vector<16xi32>
        %shift_right_arithmetic3A_218 = arith.shrsi %add3A_215, %shift_right_arithmetic3A_217 : vector<16xi32>
        %and3A_219 = arith.constant 127 : i32
        %and3A_220 = vector.broadcast %and3A_219 : i32 to vector<16xi32>
        %and3A_221 = arith.andi %add3A_215, %and3A_220 : vector<16xi32>
        %gather3A_222 = tpu.vector_load_idx %arg11[%shift_right_arithmetic3A_218, %and3A_221] : memref<32x128xi32, #tpu.memory_space<vmem>>[vector<16xi32>, vector<16xi32>], vector<16xi32>,
        %sub3A_223 = arith.constant 8192 : i32
        %sub3A_224 = arith.subi %reduce_max3A_181, %sub3A_223 : i32
        %add3A_225 = arith.constant 16 : i32
        %add3A_226 = arith.addi %sub3A_224, %add3A_225 : i32
        %add3A_227 = vector.broadcast %add3A_226 : i32 to vector<16xi32>
        %add3A_228 = arith.addi %add3A_227, %iota3A : vector<16xi32>
        %ge3A_229 = arith.constant 0 : i32
        %ge3A_230 = vector.broadcast %ge3A_229 : i32 to vector<16xi32>
        %ge3A_231 = arith.cmpi sge, %add3A_228, %ge3A_230 : vector<16xi32>
        %lt3A_232 = arith.constant 4096 : i32
        %lt3A_233 = vector.broadcast %lt3A_232 : i32 to vector<16xi32>
        %lt3A_234 = arith.cmpi slt, %add3A_228, %lt3A_233 : vector<16xi32>
        %and3A_235 = arith.andi %ge3A_231, %lt3A_234 : vector<16xi1>
        tpu.vector_store_idx %arg7[%broadcast_in_dim3A_185, %add3A_228], %gather3A_222 masked %and3A_235 : memref<8x4096xi32, #tpu.memory_space<vmem>>[vector<16xi32>, vector<16xi32>], vector<16xi32>, vector<16xi1>
        %jit3A_236 = arith.constant 0 : i64
        %convert_element_type3A_237 = arith.trunci %jit3A_236 : i64 to i32
        %broadcast_in_dim3A_238 = vector.broadcast %convert_element_type3A_237 : i32 to vector<16xi32>
        %select_n3A_239 = arith.select %eq3A_160, %broadcast_in_dim3A_238, %while3A_149 : vector<16xi1>, vector<16xi32>
        scf.yield %select_n3A_239 : vector<16xi32>
      }
      %while3A_146 = arith.constant 1 : i32
      %while3A_147 = scf.for %while3A_148 = %while3A_143 to %while3A_139 step %while3A_146 iter_args(%while3A_149 = %while3A_145) -> (vector<16xi32>)  : i32 {
        %ne3A = arith.constant 0 : i32
        %ne3A_150 = vector.broadcast %ne3A : i32 to vector<16xi32>
        %ne3A_151 = arith.cmpi ne, %while3A_149, %ne3A_150 : vector<16xi32>
        %all_reduce_ffs3A = tpu.all_reduce %ne3A_151 {dim = 0 : i64, kind = #tpu.reduction_kind<find_first_set>} : vector<16xi1> -> vector<16xi32>
        %reduce_max3A_152 = arith.constant true
        %reduce_max3A_153 = vector.broadcast %reduce_max3A_152 : i1 to vector<16xi1>
        %reduce_max3A_154 = arith.constant -2147483648 : i32
        %reduce_max3A_155 = vector.broadcast %reduce_max3A_154 : i32 to vector<16xi32>
        %reduce_max3A_156 = arith.xori %all_reduce_ffs3A, %reduce_max3A_155 : vector<16xi32>
        %reduce_max3A_157 = tpu.scan <max>, %reduce_max3A_156 masked %reduce_max3A_153 : vector<16xi32>, vector<16xi1> -> vector<16xi32>
        %reduce_max3A_158 = arith.xori %reduce_max3A_157, %reduce_max3A_155 : vector<16xi32>
        %reduce_max3A_159 = vector.extract %reduce_max3A_158[15] : i32 from vector<16xi32>
        %eq3A = vector.broadcast %reduce_max3A_159 : i32 to vector<16xi32>
        %eq3A_160 = arith.cmpi eq, %iota3A, %eq3A : vector<16xi32>
        %jit3A = arith.constant 0 : i64
        %convert_element_type3A_161 = arith.trunci %jit3A : i64 to i32
        %broadcast_in_dim3A = vector.broadcast %convert_element_type3A_161 : i32 to vector<16xi32>
        %select_n3A = arith.select %eq3A_160, %get3A_111, %broadcast_in_dim3A : vector<16xi1>, vector<16xi32>
        %reduce_max3A_162 = arith.constant true
        %reduce_max3A_163 = vector.broadcast %reduce_max3A_162 : i1 to vector<16xi1>
        %reduce_max3A_164 = arith.constant -2147483648 : i32
        %reduce_max3A_165 = vector.broadcast %reduce_max3A_164 : i32 to vector<16xi32>
        %reduce_max3A_166 = arith.xori %select_n3A, %reduce_max3A_165 : vector<16xi32>
        %reduce_max3A_167 = tpu.scan <max>, %reduce_max3A_166 masked %reduce_max3A_163 : vector<16xi32>, vector<16xi1> -> vector<16xi32>
        %reduce_max3A_168 = arith.xori %reduce_max3A_167, %reduce_max3A_165 : vector<16xi32>
        %reduce_max3A_169 = vector.extract %reduce_max3A_168[15] : i32 from vector<16xi32>
        %jit3A_170 = arith.constant 0 : i64
        %convert_element_type3A_171 = arith.trunci %jit3A_170 : i64 to i32
        %broadcast_in_dim3A_172 = vector.broadcast %convert_element_type3A_171 : i32 to vector<16xi32>
        %select_n3A_173 = arith.select %eq3A_160, %get3A_115, %broadcast_in_dim3A_172 : vector<16xi1>, vector<16xi32>
        %reduce_max3A_174 = arith.constant true
        %reduce_max3A_175 = vector.broadcast %reduce_max3A_174 : i1 to vector<16xi1>
        %reduce_max3A_176 = arith.constant -2147483648 : i32
        %reduce_max3A_177 = vector.broadcast %reduce_max3A_176 : i32 to vector<16xi32>
        %reduce_max3A_178 = arith.xori %select_n3A_173, %reduce_max3A_177 : vector<16xi32>
        %reduce_max3A_179 = tpu.scan <max>, %reduce_max3A_178 masked %reduce_max3A_175 : vector<16xi32>, vector<16xi1> -> vector<16xi32>
        %reduce_max3A_180 = arith.xori %reduce_max3A_179, %reduce_max3A_177 : vector<16xi32>
        %reduce_max3A_181 = vector.extract %reduce_max3A_180[15] : i32 from vector<16xi32>
        %mul3A_182 = arith.constant 16 : i32
        %mul3A_183 = arith.muli %while3A_108, %mul3A_182 : i32
        %add3A_184 = arith.addi %mul3A_183, %reduce_max3A_159 : i32
        %sub3A = arith.subi %reduce_max3A_169, %multiple_of3A : i32
        %broadcast_in_dim3A_185 = vector.broadcast %sub3A : i32 to vector<16xi32>
        %mul3A_186 = arith.constant 32 : i32
        %mul3A_187 = arith.muli %add3A_184, %mul3A_186 : i32
        %add3A_188 = arith.constant 0 : i32
        %add3A_189 = arith.addi %mul3A_187, %add3A_188 : i32
        %add3A_190 = vector.broadcast %add3A_189 : i32 to vector<16xi32>
        %add3A_191 = arith.addi %add3A_190, %iota3A : vector<16xi32>
        %shift_right_arithmetic3A = arith.constant 7 : i32
        %shift_right_arithmetic3A_192 = vector.broadcast %shift_right_arithmetic3A : i32 to vector<16xi32>
        %shift_right_arithmetic3A_193 = arith.shrsi %add3A_191, %shift_right_arithmetic3A_192 : vector<16xi32>
        %and3A_194 = arith.constant 127 : i32
        %and3A_195 = vector.broadcast %and3A_194 : i32 to vector<16xi32>
        %and3A_196 = arith.andi %add3A_191, %and3A_195 : vector<16xi32>
        %gather3A = tpu.vector_load_idx %arg11[%shift_right_arithmetic3A_193, %and3A_196] : memref<32x128xi32, #tpu.memory_space<vmem>>[vector<16xi32>, vector<16xi32>], vector<16xi32>,
        %sub3A_197 = arith.constant 8192 : i32
        %sub3A_198 = arith.subi %reduce_max3A_181, %sub3A_197 : i32
        %add3A_199 = arith.constant 0 : i32
        %add3A_200 = arith.addi %sub3A_198, %add3A_199 : i32
        %add3A_201 = vector.broadcast %add3A_200 : i32 to vector<16xi32>
        %add3A_202 = arith.addi %add3A_201, %iota3A : vector<16xi32>
        %ge3A_203 = arith.constant 0 : i32
        %ge3A_204 = vector.broadcast %ge3A_203 : i32 to vector<16xi32>
        %ge3A_205 = arith.cmpi sge, %add3A_202, %ge3A_204 : vector<16xi32>
        %lt3A_206 = arith.constant 4096 : i32
        %lt3A_207 = vector.broadcast %lt3A_206 : i32 to vector<16xi32>
        %lt3A_208 = arith.cmpi slt, %add3A_202, %lt3A_207 : vector<16xi32>
        %and3A_209 = arith.andi %ge3A_205, %lt3A_208 : vector<16xi1>
        tpu.vector_store_idx %arg7[%broadcast_in_dim3A_185, %add3A_202], %gather3A masked %and3A_209 : memref<8x4096xi32, #tpu.memory_space<vmem>>[vector<16xi32>, vector<16xi32>], vector<16xi32>, vector<16xi1>
        %mul3A_210 = arith.constant 32 : i32
        %mul3A_211 = arith.muli %add3A_184, %mul3A_210 : i32
        %add3A_212 = arith.constant 16 : i32
        %add3A_213 = arith.addi %mul3A_211, %add3A_212 : i32
        %add3A_214 = vector.broadcast %add3A_213 : i32 to vector<16xi32>
        %add3A_215 = arith.addi %add3A_214, %iota3A : vector<16xi32>
        %shift_right_arithmetic3A_216 = arith.constant 7 : i32
        %shift_right_arithmetic3A_217 = vector.broadcast %shift_right_arithmetic3A_216 : i32 to vector<16xi32>
        %shift_right_arithmetic3A_218 = arith.shrsi %add3A_215, %shift_right_arithmetic3A_217 : vector<16xi32>
        %and3A_219 = arith.constant 127 : i32
        %and3A_220 = vector.broadcast %and3A_219 : i32 to vector<16xi32>
        %and3A_221 = arith.andi %add3A_215, %and3A_220 : vector<16xi32>
        %gather3A_222 = tpu.vector_load_idx %arg11[%shift_right_arithmetic3A_218, %and3A_221] : memref<32x128xi32, #tpu.memory_space<vmem>>[vector<16xi32>, vector<16xi32>], vector<16xi32>,
        %sub3A_223 = arith.constant 8192 : i32
        %sub3A_224 = arith.subi %reduce_max3A_181, %sub3A_223 : i32
        %add3A_225 = arith.constant 16 : i32
        %add3A_226 = arith.addi %sub3A_224, %add3A_225 : i32
        %add3A_227 = vector.broadcast %add3A_226 : i32 to vector<16xi32>
        %add3A_228 = arith.addi %add3A_227, %iota3A : vector<16xi32>
        %ge3A_229 = arith.constant 0 : i32
        %ge3A_230 = vector.broadcast %ge3A_229 : i32 to vector<16xi32>
        %ge3A_231 = arith.cmpi sge, %add3A_228, %ge3A_230 : vector<16xi32>
        %lt3A_232 = arith.constant 4096 : i32
        %lt3A_233 = vector.broadcast %lt3A_232 : i32 to vector<16xi32>
        %lt3A_234 = arith.cmpi slt, %add3A_228, %lt3A_233 : vector<16xi32>
        %and3A_235 = arith.andi %ge3A_231, %lt3A_234 : vector<16xi1>
        tpu.vector_store_idx %arg7[%broadcast_in_dim3A_185, %add3A_228], %gather3A_222 masked %and3A_235 : memref<8x4096xi32, #tpu.memory_space<vmem>>[vector<16xi32>, vector<16xi32>], vector<16xi32>, vector<16xi1>
        %jit3A_236 = arith.constant 0 : i64
        %convert_element_type3A_237 = arith.trunci %jit3A_236 : i64 to i32
        %broadcast_in_dim3A_238 = vector.broadcast %convert_element_type3A_237 : i32 to vector<16xi32>
        %select_n3A_239 = arith.select %eq3A_160, %broadcast_in_dim3A_238, %while3A_149 : vector<16xi1>, vector<16xi32>
        scf.yield %select_n3A_239 : vector<16xi32>
      }
    }
    %while3A_76 = arith.constant 1 : i32
    scf.for %while3A_108 = %while3A_74 to %while3A_70 step %while3A_76  : i32 {
      %mul3A_109 = arith.constant 16 : i32
      %mul3A_110 = arith.muli %while3A_108, %mul3A_109 : i32
      %get3A = arith.index_cast %mul3A_110 : i32 to index
      %get3A_111 = tpu.vector_load %arg9[%get3A] {strides = array<i32>} : memref<128xi32, #tpu.memory_space<vmem>>, vector<16xi32>,
      %mul3A_112 = arith.constant 16 : i32
      %mul3A_113 = arith.muli %while3A_108, %mul3A_112 : i32
      %get3A_114 = arith.index_cast %mul3A_113 : i32 to index
      %get3A_115 = tpu.vector_load %arg10[%get3A_114] {strides = array<i32>} : memref<128xi32, #tpu.memory_space<vmem>>, vector<16xi32>,
      %ge3A = vector.broadcast %multiple_of3A : i32 to vector<16xi32>
      %ge3A_116 = arith.cmpi sge, %get3A_111, %ge3A : vector<16xi32>
      %add3A_117 = arith.constant 8 : i32
      %add3A_118 = arith.addi %multiple_of3A, %add3A_117 : i32
      %lt3A = vector.broadcast %add3A_118 : i32 to vector<16xi32>
      %lt3A_119 = arith.cmpi slt, %get3A_111, %lt3A : vector<16xi32>
      %and3A = arith.andi %ge3A_116, %lt3A_119 : vector<16xi1>
      %lt3A_120 = arith.constant 12288 : i32
      %lt3A_121 = vector.broadcast %lt3A_120 : i32 to vector<16xi32>
      %lt3A_122 = arith.cmpi slt, %get3A_115, %lt3A_121 : vector<16xi32>
      %and3A_123 = arith.andi %and3A, %lt3A_122 : vector<16xi1>
      %add3A_124 = arith.constant 32 : i32
      %add3A_125 = vector.broadcast %add3A_124 : i32 to vector<16xi32>
      %add3A_126 = arith.addi %get3A_115, %add3A_125 : vector<16xi32>
      %gt3A = arith.constant 8192 : i32
      %gt3A_127 = vector.broadcast %gt3A : i32 to vector<16xi32>
      %gt3A_128 = arith.cmpi sgt, %add3A_126, %gt3A_127 : vector<16xi32>
      %and3A_129 = arith.andi %and3A_123, %gt3A_128 : vector<16xi1>
      %all_reduce_population_count3A = tpu.all_reduce %and3A_129 {dim = 0 : i64, kind = #tpu.reduction_kind<sum>} : vector<16xi1> -> vector<16xi32>
      %reduce_max3A = arith.constant true
      %reduce_max3A_130 = vector.broadcast %reduce_max3A : i1 to vector<16xi1>
      %reduce_max3A_131 = arith.constant -2147483648 : i32
      %reduce_max3A_132 = vector.broadcast %reduce_max3A_131 : i32 to vector<16xi32>
      %reduce_max3A_133 = arith.xori %all_reduce_population_count3A, %reduce_max3A_132 : vector<16xi32>
      %reduce_max3A_134 = tpu.scan <max>, %reduce_max3A_133 masked %reduce_max3A_130 : vector<16xi32>, vector<16xi1> -> vector<16xi32>
      %reduce_max3A_135 = arith.xori %reduce_max3A_134, %reduce_max3A_132 : vector<16xi32>
      %reduce_max3A_136 = vector.extract %reduce_max3A_135[15] : i32 from vector<16xi32>
      %convert_element_type3A = arith.extui %and3A_129 : vector<16xi1> to vector<16xi32>
      %while3A_137 = arith.constant 0 : i32
      %while3A_138 = arith.subi %reduce_max3A_136, %while3A_137 : i32
      %while3A_139 = arith.addi %while3A_137, %while3A_138 : i32
      %while3A_140 = arith.constant 1 : i32
      %while3A_141 = arith.divsi %while3A_138, %while3A_140 : i32
      %while3A_142 = arith.muli %while3A_141, %while3A_140 : i32
      %while3A_143 = arith.addi %while3A_137, %while3A_142 : i32
      %while3A_144 = arith.constant 1 : i32
      %while3A_145 = scf.for %while3A_148 = %while3A_137 to %while3A_143 step %while3A_144 iter_args(%while3A_149 = %convert_element_type3A) -> (vector<16xi32>)  : i32 {
        %ne3A = arith.constant 0 : i32
        %ne3A_150 = vector.broadcast %ne3A : i32 to vector<16xi32>
        %ne3A_151 = arith.cmpi ne, %while3A_149, %ne3A_150 : vector<16xi32>
        %all_reduce_ffs3A = tpu.all_reduce %ne3A_151 {dim = 0 : i64, kind = #tpu.reduction_kind<find_first_set>} : vector<16xi1> -> vector<16xi32>
        %reduce_max3A_152 = arith.constant true
        %reduce_max3A_153 = vector.broadcast %reduce_max3A_152 : i1 to vector<16xi1>
        %reduce_max3A_154 = arith.constant -2147483648 : i32
        %reduce_max3A_155 = vector.broadcast %reduce_max3A_154 : i32 to vector<16xi32>
        %reduce_max3A_156 = arith.xori %all_reduce_ffs3A, %reduce_max3A_155 : vector<16xi32>
        %reduce_max3A_157 = tpu.scan <max>, %reduce_max3A_156 masked %reduce_max3A_153 : vector<16xi32>, vector<16xi1> -> vector<16xi32>
        %reduce_max3A_158 = arith.xori %reduce_max3A_157, %reduce_max3A_155 : vector<16xi32>
        %reduce_max3A_159 = vector.extract %reduce_max3A_158[15] : i32 from vector<16xi32>
        %eq3A = vector.broadcast %reduce_max3A_159 : i32 to vector<16xi32>
        %eq3A_160 = arith.cmpi eq, %iota3A, %eq3A : vector<16xi32>
        %jit3A = arith.constant 0 : i64
        %convert_element_type3A_161 = arith.trunci %jit3A : i64 to i32
        %broadcast_in_dim3A = vector.broadcast %convert_element_type3A_161 : i32 to vector<16xi32>
        %select_n3A = arith.select %eq3A_160, %get3A_111, %broadcast_in_dim3A : vector<16xi1>, vector<16xi32>
        %reduce_max3A_162 = arith.constant true
        %reduce_max3A_163 = vector.broadcast %reduce_max3A_162 : i1 to vector<16xi1>
        %reduce_max3A_164 = arith.constant -2147483648 : i32
        %reduce_max3A_165 = vector.broadcast %reduce_max3A_164 : i32 to vector<16xi32>
        %reduce_max3A_166 = arith.xori %select_n3A, %reduce_max3A_165 : vector<16xi32>
        %reduce_max3A_167 = tpu.scan <max>, %reduce_max3A_166 masked %reduce_max3A_163 : vector<16xi32>, vector<16xi1> -> vector<16xi32>
        %reduce_max3A_168 = arith.xori %reduce_max3A_167, %reduce_max3A_165 : vector<16xi32>
        %reduce_max3A_169 = vector.extract %reduce_max3A_168[15] : i32 from vector<16xi32>
        %jit3A_170 = arith.constant 0 : i64
        %convert_element_type3A_171 = arith.trunci %jit3A_170 : i64 to i32
        %broadcast_in_dim3A_172 = vector.broadcast %convert_element_type3A_171 : i32 to vector<16xi32>
        %select_n3A_173 = arith.select %eq3A_160, %get3A_115, %broadcast_in_dim3A_172 : vector<16xi1>, vector<16xi32>
        %reduce_max3A_174 = arith.constant true
        %reduce_max3A_175 = vector.broadcast %reduce_max3A_174 : i1 to vector<16xi1>
        %reduce_max3A_176 = arith.constant -2147483648 : i32
        %reduce_max3A_177 = vector.broadcast %reduce_max3A_176 : i32 to vector<16xi32>
        %reduce_max3A_178 = arith.xori %select_n3A_173, %reduce_max3A_177 : vector<16xi32>
        %reduce_max3A_179 = tpu.scan <max>, %reduce_max3A_178 masked %reduce_max3A_175 : vector<16xi32>, vector<16xi1> -> vector<16xi32>
        %reduce_max3A_180 = arith.xori %reduce_max3A_179, %reduce_max3A_177 : vector<16xi32>
        %reduce_max3A_181 = vector.extract %reduce_max3A_180[15] : i32 from vector<16xi32>
        %mul3A_182 = arith.constant 16 : i32
        %mul3A_183 = arith.muli %while3A_108, %mul3A_182 : i32
        %add3A_184 = arith.addi %mul3A_183, %reduce_max3A_159 : i32
        %sub3A = arith.subi %reduce_max3A_169, %multiple_of3A : i32
        %broadcast_in_dim3A_185 = vector.broadcast %sub3A : i32 to vector<16xi32>
        %mul3A_186 = arith.constant 32 : i32
        %mul3A_187 = arith.muli %add3A_184, %mul3A_186 : i32
        %add3A_188 = arith.constant 0 : i32
        %add3A_189 = arith.addi %mul3A_187, %add3A_188 : i32
        %add3A_190 = vector.broadcast %add3A_189 : i32 to vector<16xi32>
        %add3A_191 = arith.addi %add3A_190, %iota3A : vector<16xi32>
        %shift_right_arithmetic3A = arith.constant 7 : i32
        %shift_right_arithmetic3A_192 = vector.broadcast %shift_right_arithmetic3A : i32 to vector<16xi32>
        %shift_right_arithmetic3A_193 = arith.shrsi %add3A_191, %shift_right_arithmetic3A_192 : vector<16xi32>
        %and3A_194 = arith.constant 127 : i32
        %and3A_195 = vector.broadcast %and3A_194 : i32 to vector<16xi32>
        %and3A_196 = arith.andi %add3A_191, %and3A_195 : vector<16xi32>
        %gather3A = tpu.vector_load_idx %arg11[%shift_right_arithmetic3A_193, %and3A_196] : memref<32x128xi32, #tpu.memory_space<vmem>>[vector<16xi32>, vector<16xi32>], vector<16xi32>,
        %sub3A_197 = arith.constant 8192 : i32
        %sub3A_198 = arith.subi %reduce_max3A_181, %sub3A_197 : i32
        %add3A_199 = arith.constant 0 : i32
        %add3A_200 = arith.addi %sub3A_198, %add3A_199 : i32
        %add3A_201 = vector.broadcast %add3A_200 : i32 to vector<16xi32>
        %add3A_202 = arith.addi %add3A_201, %iota3A : vector<16xi32>
        %ge3A_203 = arith.constant 0 : i32
        %ge3A_204 = vector.broadcast %ge3A_203 : i32 to vector<16xi32>
        %ge3A_205 = arith.cmpi sge, %add3A_202, %ge3A_204 : vector<16xi32>
        %lt3A_206 = arith.constant 4096 : i32
        %lt3A_207 = vector.broadcast %lt3A_206 : i32 to vector<16xi32>
        %lt3A_208 = arith.cmpi slt, %add3A_202, %lt3A_207 : vector<16xi32>
        %and3A_209 = arith.andi %ge3A_205, %lt3A_208 : vector<16xi1>
        tpu.vector_store_idx %arg7[%broadcast_in_dim3A_185, %add3A_202], %gather3A masked %and3A_209 : memref<8x4096xi32, #tpu.memory_space<vmem>>[vector<16xi32>, vector<16xi32>], vector<16xi32>, vector<16xi1>
        %mul3A_210 = arith.constant 32 : i32
        %mul3A_211 = arith.muli %add3A_184, %mul3A_210 : i32
        %add3A_212 = arith.constant 16 : i32
        %add3A_213 = arith.addi %mul3A_211, %add3A_212 : i32
        %add3A_214 = vector.broadcast %add3A_213 : i32 to vector<16xi32>
        %add3A_215 = arith.addi %add3A_214, %iota3A : vector<16xi32>
        %shift_right_arithmetic3A_216 = arith.constant 7 : i32
        %shift_right_arithmetic3A_217 = vector.broadcast %shift_right_arithmetic3A_216 : i32 to vector<16xi32>
        %shift_right_arithmetic3A_218 = arith.shrsi %add3A_215, %shift_right_arithmetic3A_217 : vector<16xi32>
        %and3A_219 = arith.constant 127 : i32
        %and3A_220 = vector.broadcast %and3A_219 : i32 to vector<16xi32>
        %and3A_221 = arith.andi %add3A_215, %and3A_220 : vector<16xi32>
        %gather3A_222 = tpu.vector_load_idx %arg11[%shift_right_arithmetic3A_218, %and3A_221] : memref<32x128xi32, #tpu.memory_space<vmem>>[vector<16xi32>, vector<16xi32>], vector<16xi32>,
        %sub3A_223 = arith.constant 8192 : i32
        %sub3A_224 = arith.subi %reduce_max3A_181, %sub3A_223 : i32
        %add3A_225 = arith.constant 16 : i32
        %add3A_226 = arith.addi %sub3A_224, %add3A_225 : i32
        %add3A_227 = vector.broadcast %add3A_226 : i32 to vector<16xi32>
        %add3A_228 = arith.addi %add3A_227, %iota3A : vector<16xi32>
        %ge3A_229 = arith.constant 0 : i32
        %ge3A_230 = vector.broadcast %ge3A_229 : i32 to vector<16xi32>
        %ge3A_231 = arith.cmpi sge, %add3A_228, %ge3A_230 : vector<16xi32>
        %lt3A_232 = arith.constant 4096 : i32
        %lt3A_233 = vector.broadcast %lt3A_232 : i32 to vector<16xi32>
        %lt3A_234 = arith.cmpi slt, %add3A_228, %lt3A_233 : vector<16xi32>
        %and3A_235 = arith.andi %ge3A_231, %lt3A_234 : vector<16xi1>
        tpu.vector_store_idx %arg7[%broadcast_in_dim3A_185, %add3A_228], %gather3A_222 masked %and3A_235 : memref<8x4096xi32, #tpu.memory_space<vmem>>[vector<16xi32>, vector<16xi32>], vector<16xi32>, vector<16xi1>
        %jit3A_236 = arith.constant 0 : i64
        %convert_element_type3A_237 = arith.trunci %jit3A_236 : i64 to i32
        %broadcast_in_dim3A_238 = vector.broadcast %convert_element_type3A_237 : i32 to vector<16xi32>
        %select_n3A_239 = arith.select %eq3A_160, %broadcast_in_dim3A_238, %while3A_149 : vector<16xi1>, vector<16xi32>
        scf.yield %select_n3A_239 : vector<16xi32>
      }
      %while3A_146 = arith.constant 1 : i32
      %while3A_147 = scf.for %while3A_148 = %while3A_143 to %while3A_139 step %while3A_146 iter_args(%while3A_149 = %while3A_145) -> (vector<16xi32>)  : i32 {
        %ne3A = arith.constant 0 : i32
        %ne3A_150 = vector.broadcast %ne3A : i32 to vector<16xi32>
        %ne3A_151 = arith.cmpi ne, %while3A_149, %ne3A_150 : vector<16xi32>
        %all_reduce_ffs3A = tpu.all_reduce %ne3A_151 {dim = 0 : i64, kind = #tpu.reduction_kind<find_first_set>} : vector<16xi1> -> vector<16xi32>
        %reduce_max3A_152 = arith.constant true
        %reduce_max3A_153 = vector.broadcast %reduce_max3A_152 : i1 to vector<16xi1>
        %reduce_max3A_154 = arith.constant -2147483648 : i32
        %reduce_max3A_155 = vector.broadcast %reduce_max3A_154 : i32 to vector<16xi32>
        %reduce_max3A_156 = arith.xori %all_reduce_ffs3A, %reduce_max3A_155 : vector<16xi32>
        %reduce_max3A_157 = tpu.scan <max>, %reduce_max3A_156 masked %reduce_max3A_153 : vector<16xi32>, vector<16xi1> -> vector<16xi32>
        %reduce_max3A_158 = arith.xori %reduce_max3A_157, %reduce_max3A_155 : vector<16xi32>
        %reduce_max3A_159 = vector.extract %reduce_max3A_158[15] : i32 from vector<16xi32>
        %eq3A = vector.broadcast %reduce_max3A_159 : i32 to vector<16xi32>
        %eq3A_160 = arith.cmpi eq, %iota3A, %eq3A : vector<16xi32>
        %jit3A = arith.constant 0 : i64
        %convert_element_type3A_161 = arith.trunci %jit3A : i64 to i32
        %broadcast_in_dim3A = vector.broadcast %convert_element_type3A_161 : i32 to vector<16xi32>
        %select_n3A = arith.select %eq3A_160, %get3A_111, %broadcast_in_dim3A : vector<16xi1>, vector<16xi32>
        %reduce_max3A_162 = arith.constant true
        %reduce_max3A_163 = vector.broadcast %reduce_max3A_162 : i1 to vector<16xi1>
        %reduce_max3A_164 = arith.constant -2147483648 : i32
        %reduce_max3A_165 = vector.broadcast %reduce_max3A_164 : i32 to vector<16xi32>
        %reduce_max3A_166 = arith.xori %select_n3A, %reduce_max3A_165 : vector<16xi32>
        %reduce_max3A_167 = tpu.scan <max>, %reduce_max3A_166 masked %reduce_max3A_163 : vector<16xi32>, vector<16xi1> -> vector<16xi32>
        %reduce_max3A_168 = arith.xori %reduce_max3A_167, %reduce_max3A_165 : vector<16xi32>
        %reduce_max3A_169 = vector.extract %reduce_max3A_168[15] : i32 from vector<16xi32>
        %jit3A_170 = arith.constant 0 : i64
        %convert_element_type3A_171 = arith.trunci %jit3A_170 : i64 to i32
        %broadcast_in_dim3A_172 = vector.broadcast %convert_element_type3A_171 : i32 to vector<16xi32>
        %select_n3A_173 = arith.select %eq3A_160, %get3A_115, %broadcast_in_dim3A_172 : vector<16xi1>, vector<16xi32>
        %reduce_max3A_174 = arith.constant true
        %reduce_max3A_175 = vector.broadcast %reduce_max3A_174 : i1 to vector<16xi1>
        %reduce_max3A_176 = arith.constant -2147483648 : i32
        %reduce_max3A_177 = vector.broadcast %reduce_max3A_176 : i32 to vector<16xi32>
        %reduce_max3A_178 = arith.xori %select_n3A_173, %reduce_max3A_177 : vector<16xi32>
        %reduce_max3A_179 = tpu.scan <max>, %reduce_max3A_178 masked %reduce_max3A_175 : vector<16xi32>, vector<16xi1> -> vector<16xi32>
        %reduce_max3A_180 = arith.xori %reduce_max3A_179, %reduce_max3A_177 : vector<16xi32>
        %reduce_max3A_181 = vector.extract %reduce_max3A_180[15] : i32 from vector<16xi32>
        %mul3A_182 = arith.constant 16 : i32
        %mul3A_183 = arith.muli %while3A_108, %mul3A_182 : i32
        %add3A_184 = arith.addi %mul3A_183, %reduce_max3A_159 : i32
        %sub3A = arith.subi %reduce_max3A_169, %multiple_of3A : i32
        %broadcast_in_dim3A_185 = vector.broadcast %sub3A : i32 to vector<16xi32>
        %mul3A_186 = arith.constant 32 : i32
        %mul3A_187 = arith.muli %add3A_184, %mul3A_186 : i32
        %add3A_188 = arith.constant 0 : i32
        %add3A_189 = arith.addi %mul3A_187, %add3A_188 : i32
        %add3A_190 = vector.broadcast %add3A_189 : i32 to vector<16xi32>
        %add3A_191 = arith.addi %add3A_190, %iota3A : vector<16xi32>
        %shift_right_arithmetic3A = arith.constant 7 : i32
        %shift_right_arithmetic3A_192 = vector.broadcast %shift_right_arithmetic3A : i32 to vector<16xi32>
        %shift_right_arithmetic3A_193 = arith.shrsi %add3A_191, %shift_right_arithmetic3A_192 : vector<16xi32>
        %and3A_194 = arith.constant 127 : i32
        %and3A_195 = vector.broadcast %and3A_194 : i32 to vector<16xi32>
        %and3A_196 = arith.andi %add3A_191, %and3A_195 : vector<16xi32>
        %gather3A = tpu.vector_load_idx %arg11[%shift_right_arithmetic3A_193, %and3A_196] : memref<32x128xi32, #tpu.memory_space<vmem>>[vector<16xi32>, vector<16xi32>], vector<16xi32>,
        %sub3A_197 = arith.constant 8192 : i32
        %sub3A_198 = arith.subi %reduce_max3A_181, %sub3A_197 : i32
        %add3A_199 = arith.constant 0 : i32
        %add3A_200 = arith.addi %sub3A_198, %add3A_199 : i32
        %add3A_201 = vector.broadcast %add3A_200 : i32 to vector<16xi32>
        %add3A_202 = arith.addi %add3A_201, %iota3A : vector<16xi32>
        %ge3A_203 = arith.constant 0 : i32
        %ge3A_204 = vector.broadcast %ge3A_203 : i32 to vector<16xi32>
        %ge3A_205 = arith.cmpi sge, %add3A_202, %ge3A_204 : vector<16xi32>
        %lt3A_206 = arith.constant 4096 : i32
        %lt3A_207 = vector.broadcast %lt3A_206 : i32 to vector<16xi32>
        %lt3A_208 = arith.cmpi slt, %add3A_202, %lt3A_207 : vector<16xi32>
        %and3A_209 = arith.andi %ge3A_205, %lt3A_208 : vector<16xi1>
        tpu.vector_store_idx %arg7[%broadcast_in_dim3A_185, %add3A_202], %gather3A masked %and3A_209 : memref<8x4096xi32, #tpu.memory_space<vmem>>[vector<16xi32>, vector<16xi32>], vector<16xi32>, vector<16xi1>
        %mul3A_210 = arith.constant 32 : i32
        %mul3A_211 = arith.muli %add3A_184, %mul3A_210 : i32
        %add3A_212 = arith.constant 16 : i32
        %add3A_213 = arith.addi %mul3A_211, %add3A_212 : i32
        %add3A_214 = vector.broadcast %add3A_213 : i32 to vector<16xi32>
        %add3A_215 = arith.addi %add3A_214, %iota3A : vector<16xi32>
        %shift_right_arithmetic3A_216 = arith.constant 7 : i32
        %shift_right_arithmetic3A_217 = vector.broadcast %shift_right_arithmetic3A_216 : i32 to vector<16xi32>
        %shift_right_arithmetic3A_218 = arith.shrsi %add3A_215, %shift_right_arithmetic3A_217 : vector<16xi32>
        %and3A_219 = arith.constant 127 : i32
        %and3A_220 = vector.broadcast %and3A_219 : i32 to vector<16xi32>
        %and3A_221 = arith.andi %add3A_215, %and3A_220 : vector<16xi32>
        %gather3A_222 = tpu.vector_load_idx %arg11[%shift_right_arithmetic3A_218, %and3A_221] : memref<32x128xi32, #tpu.memory_space<vmem>>[vector<16xi32>, vector<16xi32>], vector<16xi32>,
        %sub3A_223 = arith.constant 8192 : i32
        %sub3A_224 = arith.subi %reduce_max3A_181, %sub3A_223 : i32
        %add3A_225 = arith.constant 16 : i32
        %add3A_226 = arith.addi %sub3A_224, %add3A_225 : i32
        %add3A_227 = vector.broadcast %add3A_226 : i32 to vector<16xi32>
        %add3A_228 = arith.addi %add3A_227, %iota3A : vector<16xi32>
        %ge3A_229 = arith.constant 0 : i32
        %ge3A_230 = vector.broadcast %ge3A_229 : i32 to vector<16xi32>
        %ge3A_231 = arith.cmpi sge, %add3A_228, %ge3A_230 : vector<16xi32>
        %lt3A_232 = arith.constant 4096 : i32
        %lt3A_233 = vector.broadcast %lt3A_232 : i32 to vector<16xi32>
        %lt3A_234 = arith.cmpi slt, %add3A_228, %lt3A_233 : vector<16xi32>
        %and3A_235 = arith.andi %ge3A_231, %lt3A_234 : vector<16xi1>
        tpu.vector_store_idx %arg7[%broadcast_in_dim3A_185, %add3A_228], %gather3A_222 masked %and3A_235 : memref<8x4096xi32, #tpu.memory_space<vmem>>[vector<16xi32>, vector<16xi32>], vector<16xi32>, vector<16xi1>
        %jit3A_236 = arith.constant 0 : i64
        %convert_element_type3A_237 = arith.trunci %jit3A_236 : i64 to i32
        %broadcast_in_dim3A_238 = vector.broadcast %convert_element_type3A_237 : i32 to vector<16xi32>
        %select_n3A_239 = arith.select %eq3A_160, %broadcast_in_dim3A_238, %while3A_149 : vector<16xi1>, vector<16xi32>
        scf.yield %select_n3A_239 : vector<16xi32>
      }
    }
    %dma_start3A_77 = arith.constant 8192 : i32
    %dma_start3A_78 = tpu.memref_slice %arg6[%multiple_of3A, %dma_start3A_77] : memref<256x16384xi32, #tpu.memory_space<hbm>> -> memref<8x4096xi32, #tpu.memory_space<hbm>>
    %dma_start3A_79 = arith.constant 8192 : i32
    %dma_start3A_80 = tpu.memref_slice %arg6[%multiple_of3A, %dma_start3A_79] : memref<256x16384xi32, #tpu.memory_space<hbm>> -> memref<8x4096xi32, #tpu.memory_space<hbm>>
    tpu.enqueue_dma source(%arg7 : memref<8x4096xi32, #tpu.memory_space<vmem>>) target(%dma_start3A_80 : memref<8x4096xi32, #tpu.memory_space<hbm>>) target_semaphore(%arg14 : memref<!tpu.dma_semaphore, #tpu.memory_space<semaphore_mem>>)
    %dma_wait3A_81 = arith.constant 12288 : i32
    %dma_wait3A_82 = tpu.memref_slice %arg2[%multiple_of3A, %dma_wait3A_81] : memref<256x16384xi32, #tpu.memory_space<hbm>> -> memref<8x4096xi32, #tpu.memory_space<hbm>>
    %dma_wait3A_83 = arith.constant 12288 : i32
    %dma_wait3A_84 = tpu.memref_slice %arg2[%multiple_of3A, %dma_wait3A_83] : memref<256x16384xi32, #tpu.memory_space<hbm>> -> memref<8x4096xi32, #tpu.memory_space<hbm>>
    tpu.wait_dma2 semaphore(%arg13 : memref<!tpu.dma_semaphore, #tpu.memory_space<semaphore_mem>>) src(%dma_wait3A_84 : memref<8x4096xi32, #tpu.memory_space<hbm>>) dst(%arg8 : memref<8x4096xi32, #tpu.memory_space<vmem>>)
    %while3A_85 = arith.constant 0 : i32
    %while3A_86 = arith.constant 0 : i32
    %while3A_87 = arith.constant 8 : i32
    %while3A_88 = arith.subi %while3A_87, %while3A_86 : i32
    %while3A_89 = arith.addi %while3A_86, %while3A_88 : i32
    %while3A_90 = arith.constant 1 : i32
    %while3A_91 = arith.divsi %while3A_88, %while3A_90 : i32
    %while3A_92 = arith.muli %while3A_91, %while3A_90 : i32
    %while3A_93 = arith.addi %while3A_86, %while3A_92 : i32
    %while3A_94 = arith.constant 1 : i32
    scf.for %while3A_108 = %while3A_86 to %while3A_93 step %while3A_94  : i32 {
      %mul3A_109 = arith.constant 16 : i32
      %mul3A_110 = arith.muli %while3A_108, %mul3A_109 : i32
      %get3A = arith.index_cast %mul3A_110 : i32 to index
      %get3A_111 = tpu.vector_load %arg9[%get3A] {strides = array<i32>} : memref<128xi32, #tpu.memory_space<vmem>>, vector<16xi32>,
      %mul3A_112 = arith.constant 16 : i32
      %mul3A_113 = arith.muli %while3A_108, %mul3A_112 : i32
      %get3A_114 = arith.index_cast %mul3A_113 : i32 to index
      %get3A_115 = tpu.vector_load %arg10[%get3A_114] {strides = array<i32>} : memref<128xi32, #tpu.memory_space<vmem>>, vector<16xi32>,
      %ge3A = vector.broadcast %multiple_of3A : i32 to vector<16xi32>
      %ge3A_116 = arith.cmpi sge, %get3A_111, %ge3A : vector<16xi32>
      %add3A_117 = arith.constant 8 : i32
      %add3A_118 = arith.addi %multiple_of3A, %add3A_117 : i32
      %lt3A = vector.broadcast %add3A_118 : i32 to vector<16xi32>
      %lt3A_119 = arith.cmpi slt, %get3A_111, %lt3A : vector<16xi32>
      %and3A = arith.andi %ge3A_116, %lt3A_119 : vector<16xi1>
      %lt3A_120 = arith.constant 16384 : i32
      %lt3A_121 = vector.broadcast %lt3A_120 : i32 to vector<16xi32>
      %lt3A_122 = arith.cmpi slt, %get3A_115, %lt3A_121 : vector<16xi32>
      %and3A_123 = arith.andi %and3A, %lt3A_122 : vector<16xi1>
      %add3A_124 = arith.constant 32 : i32
      %add3A_125 = vector.broadcast %add3A_124 : i32 to vector<16xi32>
      %add3A_126 = arith.addi %get3A_115, %add3A_125 : vector<16xi32>
      %gt3A = arith.constant 12288 : i32
      %gt3A_127 = vector.broadcast %gt3A : i32 to vector<16xi32>
      %gt3A_128 = arith.cmpi sgt, %add3A_126, %gt3A_127 : vector<16xi32>
      %and3A_129 = arith.andi %and3A_123, %gt3A_128 : vector<16xi1>
      %all_reduce_population_count3A = tpu.all_reduce %and3A_129 {dim = 0 : i64, kind = #tpu.reduction_kind<sum>} : vector<16xi1> -> vector<16xi32>
      %reduce_max3A = arith.constant true
      %reduce_max3A_130 = vector.broadcast %reduce_max3A : i1 to vector<16xi1>
      %reduce_max3A_131 = arith.constant -2147483648 : i32
      %reduce_max3A_132 = vector.broadcast %reduce_max3A_131 : i32 to vector<16xi32>
      %reduce_max3A_133 = arith.xori %all_reduce_population_count3A, %reduce_max3A_132 : vector<16xi32>
      %reduce_max3A_134 = tpu.scan <max>, %reduce_max3A_133 masked %reduce_max3A_130 : vector<16xi32>, vector<16xi1> -> vector<16xi32>
      %reduce_max3A_135 = arith.xori %reduce_max3A_134, %reduce_max3A_132 : vector<16xi32>
      %reduce_max3A_136 = vector.extract %reduce_max3A_135[15] : i32 from vector<16xi32>
      %convert_element_type3A = arith.extui %and3A_129 : vector<16xi1> to vector<16xi32>
      %while3A_137 = arith.constant 0 : i32
      %while3A_138 = arith.subi %reduce_max3A_136, %while3A_137 : i32
      %while3A_139 = arith.addi %while3A_137, %while3A_138 : i32
      %while3A_140 = arith.constant 1 : i32
      %while3A_141 = arith.divsi %while3A_138, %while3A_140 : i32
      %while3A_142 = arith.muli %while3A_141, %while3A_140 : i32
      %while3A_143 = arith.addi %while3A_137, %while3A_142 : i32
      %while3A_144 = arith.constant 1 : i32
      %while3A_145 = scf.for %while3A_148 = %while3A_137 to %while3A_143 step %while3A_144 iter_args(%while3A_149 = %convert_element_type3A) -> (vector<16xi32>)  : i32 {
        %ne3A = arith.constant 0 : i32
        %ne3A_150 = vector.broadcast %ne3A : i32 to vector<16xi32>
        %ne3A_151 = arith.cmpi ne, %while3A_149, %ne3A_150 : vector<16xi32>
        %all_reduce_ffs3A = tpu.all_reduce %ne3A_151 {dim = 0 : i64, kind = #tpu.reduction_kind<find_first_set>} : vector<16xi1> -> vector<16xi32>
        %reduce_max3A_152 = arith.constant true
        %reduce_max3A_153 = vector.broadcast %reduce_max3A_152 : i1 to vector<16xi1>
        %reduce_max3A_154 = arith.constant -2147483648 : i32
        %reduce_max3A_155 = vector.broadcast %reduce_max3A_154 : i32 to vector<16xi32>
        %reduce_max3A_156 = arith.xori %all_reduce_ffs3A, %reduce_max3A_155 : vector<16xi32>
        %reduce_max3A_157 = tpu.scan <max>, %reduce_max3A_156 masked %reduce_max3A_153 : vector<16xi32>, vector<16xi1> -> vector<16xi32>
        %reduce_max3A_158 = arith.xori %reduce_max3A_157, %reduce_max3A_155 : vector<16xi32>
        %reduce_max3A_159 = vector.extract %reduce_max3A_158[15] : i32 from vector<16xi32>
        %eq3A = vector.broadcast %reduce_max3A_159 : i32 to vector<16xi32>
        %eq3A_160 = arith.cmpi eq, %iota3A, %eq3A : vector<16xi32>
        %jit3A = arith.constant 0 : i64
        %convert_element_type3A_161 = arith.trunci %jit3A : i64 to i32
        %broadcast_in_dim3A = vector.broadcast %convert_element_type3A_161 : i32 to vector<16xi32>
        %select_n3A = arith.select %eq3A_160, %get3A_111, %broadcast_in_dim3A : vector<16xi1>, vector<16xi32>
        %reduce_max3A_162 = arith.constant true
        %reduce_max3A_163 = vector.broadcast %reduce_max3A_162 : i1 to vector<16xi1>
        %reduce_max3A_164 = arith.constant -2147483648 : i32
        %reduce_max3A_165 = vector.broadcast %reduce_max3A_164 : i32 to vector<16xi32>
        %reduce_max3A_166 = arith.xori %select_n3A, %reduce_max3A_165 : vector<16xi32>
        %reduce_max3A_167 = tpu.scan <max>, %reduce_max3A_166 masked %reduce_max3A_163 : vector<16xi32>, vector<16xi1> -> vector<16xi32>
        %reduce_max3A_168 = arith.xori %reduce_max3A_167, %reduce_max3A_165 : vector<16xi32>
        %reduce_max3A_169 = vector.extract %reduce_max3A_168[15] : i32 from vector<16xi32>
        %jit3A_170 = arith.constant 0 : i64
        %convert_element_type3A_171 = arith.trunci %jit3A_170 : i64 to i32
        %broadcast_in_dim3A_172 = vector.broadcast %convert_element_type3A_171 : i32 to vector<16xi32>
        %select_n3A_173 = arith.select %eq3A_160, %get3A_115, %broadcast_in_dim3A_172 : vector<16xi1>, vector<16xi32>
        %reduce_max3A_174 = arith.constant true
        %reduce_max3A_175 = vector.broadcast %reduce_max3A_174 : i1 to vector<16xi1>
        %reduce_max3A_176 = arith.constant -2147483648 : i32
        %reduce_max3A_177 = vector.broadcast %reduce_max3A_176 : i32 to vector<16xi32>
        %reduce_max3A_178 = arith.xori %select_n3A_173, %reduce_max3A_177 : vector<16xi32>
        %reduce_max3A_179 = tpu.scan <max>, %reduce_max3A_178 masked %reduce_max3A_175 : vector<16xi32>, vector<16xi1> -> vector<16xi32>
        %reduce_max3A_180 = arith.xori %reduce_max3A_179, %reduce_max3A_177 : vector<16xi32>
        %reduce_max3A_181 = vector.extract %reduce_max3A_180[15] : i32 from vector<16xi32>
        %mul3A_182 = arith.constant 16 : i32
        %mul3A_183 = arith.muli %while3A_108, %mul3A_182 : i32
        %add3A_184 = arith.addi %mul3A_183, %reduce_max3A_159 : i32
        %sub3A = arith.subi %reduce_max3A_169, %multiple_of3A : i32
        %broadcast_in_dim3A_185 = vector.broadcast %sub3A : i32 to vector<16xi32>
        %mul3A_186 = arith.constant 32 : i32
        %mul3A_187 = arith.muli %add3A_184, %mul3A_186 : i32
        %add3A_188 = arith.constant 0 : i32
        %add3A_189 = arith.addi %mul3A_187, %add3A_188 : i32
        %add3A_190 = vector.broadcast %add3A_189 : i32 to vector<16xi32>
        %add3A_191 = arith.addi %add3A_190, %iota3A : vector<16xi32>
        %shift_right_arithmetic3A = arith.constant 7 : i32
        %shift_right_arithmetic3A_192 = vector.broadcast %shift_right_arithmetic3A : i32 to vector<16xi32>
        %shift_right_arithmetic3A_193 = arith.shrsi %add3A_191, %shift_right_arithmetic3A_192 : vector<16xi32>
        %and3A_194 = arith.constant 127 : i32
        %and3A_195 = vector.broadcast %and3A_194 : i32 to vector<16xi32>
        %and3A_196 = arith.andi %add3A_191, %and3A_195 : vector<16xi32>
        %gather3A = tpu.vector_load_idx %arg11[%shift_right_arithmetic3A_193, %and3A_196] : memref<32x128xi32, #tpu.memory_space<vmem>>[vector<16xi32>, vector<16xi32>], vector<16xi32>,
        %sub3A_197 = arith.constant 12288 : i32
        %sub3A_198 = arith.subi %reduce_max3A_181, %sub3A_197 : i32
        %add3A_199 = arith.constant 0 : i32
        %add3A_200 = arith.addi %sub3A_198, %add3A_199 : i32
        %add3A_201 = vector.broadcast %add3A_200 : i32 to vector<16xi32>
        %add3A_202 = arith.addi %add3A_201, %iota3A : vector<16xi32>
        %ge3A_203 = arith.constant 0 : i32
        %ge3A_204 = vector.broadcast %ge3A_203 : i32 to vector<16xi32>
        %ge3A_205 = arith.cmpi sge, %add3A_202, %ge3A_204 : vector<16xi32>
        %lt3A_206 = arith.constant 4096 : i32
        %lt3A_207 = vector.broadcast %lt3A_206 : i32 to vector<16xi32>
        %lt3A_208 = arith.cmpi slt, %add3A_202, %lt3A_207 : vector<16xi32>
        %and3A_209 = arith.andi %ge3A_205, %lt3A_208 : vector<16xi1>
        tpu.vector_store_idx %arg8[%broadcast_in_dim3A_185, %add3A_202], %gather3A masked %and3A_209 : memref<8x4096xi32, #tpu.memory_space<vmem>>[vector<16xi32>, vector<16xi32>], vector<16xi32>, vector<16xi1>
        %mul3A_210 = arith.constant 32 : i32
        %mul3A_211 = arith.muli %add3A_184, %mul3A_210 : i32
        %add3A_212 = arith.constant 16 : i32
        %add3A_213 = arith.addi %mul3A_211, %add3A_212 : i32
        %add3A_214 = vector.broadcast %add3A_213 : i32 to vector<16xi32>
        %add3A_215 = arith.addi %add3A_214, %iota3A : vector<16xi32>
        %shift_right_arithmetic3A_216 = arith.constant 7 : i32
        %shift_right_arithmetic3A_217 = vector.broadcast %shift_right_arithmetic3A_216 : i32 to vector<16xi32>
        %shift_right_arithmetic3A_218 = arith.shrsi %add3A_215, %shift_right_arithmetic3A_217 : vector<16xi32>
        %and3A_219 = arith.constant 127 : i32
        %and3A_220 = vector.broadcast %and3A_219 : i32 to vector<16xi32>
        %and3A_221 = arith.andi %add3A_215, %and3A_220 : vector<16xi32>
        %gather3A_222 = tpu.vector_load_idx %arg11[%shift_right_arithmetic3A_218, %and3A_221] : memref<32x128xi32, #tpu.memory_space<vmem>>[vector<16xi32>, vector<16xi32>], vector<16xi32>,
        %sub3A_223 = arith.constant 12288 : i32
        %sub3A_224 = arith.subi %reduce_max3A_181, %sub3A_223 : i32
        %add3A_225 = arith.constant 16 : i32
        %add3A_226 = arith.addi %sub3A_224, %add3A_225 : i32
        %add3A_227 = vector.broadcast %add3A_226 : i32 to vector<16xi32>
        %add3A_228 = arith.addi %add3A_227, %iota3A : vector<16xi32>
        %ge3A_229 = arith.constant 0 : i32
        %ge3A_230 = vector.broadcast %ge3A_229 : i32 to vector<16xi32>
        %ge3A_231 = arith.cmpi sge, %add3A_228, %ge3A_230 : vector<16xi32>
        %lt3A_232 = arith.constant 4096 : i32
        %lt3A_233 = vector.broadcast %lt3A_232 : i32 to vector<16xi32>
        %lt3A_234 = arith.cmpi slt, %add3A_228, %lt3A_233 : vector<16xi32>
        %and3A_235 = arith.andi %ge3A_231, %lt3A_234 : vector<16xi1>
        tpu.vector_store_idx %arg8[%broadcast_in_dim3A_185, %add3A_228], %gather3A_222 masked %and3A_235 : memref<8x4096xi32, #tpu.memory_space<vmem>>[vector<16xi32>, vector<16xi32>], vector<16xi32>, vector<16xi1>
        %jit3A_236 = arith.constant 0 : i64
        %convert_element_type3A_237 = arith.trunci %jit3A_236 : i64 to i32
        %broadcast_in_dim3A_238 = vector.broadcast %convert_element_type3A_237 : i32 to vector<16xi32>
        %select_n3A_239 = arith.select %eq3A_160, %broadcast_in_dim3A_238, %while3A_149 : vector<16xi1>, vector<16xi32>
        scf.yield %select_n3A_239 : vector<16xi32>
      }
      %while3A_146 = arith.constant 1 : i32
      %while3A_147 = scf.for %while3A_148 = %while3A_143 to %while3A_139 step %while3A_146 iter_args(%while3A_149 = %while3A_145) -> (vector<16xi32>)  : i32 {
        %ne3A = arith.constant 0 : i32
        %ne3A_150 = vector.broadcast %ne3A : i32 to vector<16xi32>
        %ne3A_151 = arith.cmpi ne, %while3A_149, %ne3A_150 : vector<16xi32>
        %all_reduce_ffs3A = tpu.all_reduce %ne3A_151 {dim = 0 : i64, kind = #tpu.reduction_kind<find_first_set>} : vector<16xi1> -> vector<16xi32>
        %reduce_max3A_152 = arith.constant true
        %reduce_max3A_153 = vector.broadcast %reduce_max3A_152 : i1 to vector<16xi1>
        %reduce_max3A_154 = arith.constant -2147483648 : i32
        %reduce_max3A_155 = vector.broadcast %reduce_max3A_154 : i32 to vector<16xi32>
        %reduce_max3A_156 = arith.xori %all_reduce_ffs3A, %reduce_max3A_155 : vector<16xi32>
        %reduce_max3A_157 = tpu.scan <max>, %reduce_max3A_156 masked %reduce_max3A_153 : vector<16xi32>, vector<16xi1> -> vector<16xi32>
        %reduce_max3A_158 = arith.xori %reduce_max3A_157, %reduce_max3A_155 : vector<16xi32>
        %reduce_max3A_159 = vector.extract %reduce_max3A_158[15] : i32 from vector<16xi32>
        %eq3A = vector.broadcast %reduce_max3A_159 : i32 to vector<16xi32>
        %eq3A_160 = arith.cmpi eq, %iota3A, %eq3A : vector<16xi32>
        %jit3A = arith.constant 0 : i64
        %convert_element_type3A_161 = arith.trunci %jit3A : i64 to i32
        %broadcast_in_dim3A = vector.broadcast %convert_element_type3A_161 : i32 to vector<16xi32>
        %select_n3A = arith.select %eq3A_160, %get3A_111, %broadcast_in_dim3A : vector<16xi1>, vector<16xi32>
        %reduce_max3A_162 = arith.constant true
        %reduce_max3A_163 = vector.broadcast %reduce_max3A_162 : i1 to vector<16xi1>
        %reduce_max3A_164 = arith.constant -2147483648 : i32
        %reduce_max3A_165 = vector.broadcast %reduce_max3A_164 : i32 to vector<16xi32>
        %reduce_max3A_166 = arith.xori %select_n3A, %reduce_max3A_165 : vector<16xi32>
        %reduce_max3A_167 = tpu.scan <max>, %reduce_max3A_166 masked %reduce_max3A_163 : vector<16xi32>, vector<16xi1> -> vector<16xi32>
        %reduce_max3A_168 = arith.xori %reduce_max3A_167, %reduce_max3A_165 : vector<16xi32>
        %reduce_max3A_169 = vector.extract %reduce_max3A_168[15] : i32 from vector<16xi32>
        %jit3A_170 = arith.constant 0 : i64
        %convert_element_type3A_171 = arith.trunci %jit3A_170 : i64 to i32
        %broadcast_in_dim3A_172 = vector.broadcast %convert_element_type3A_171 : i32 to vector<16xi32>
        %select_n3A_173 = arith.select %eq3A_160, %get3A_115, %broadcast_in_dim3A_172 : vector<16xi1>, vector<16xi32>
        %reduce_max3A_174 = arith.constant true
        %reduce_max3A_175 = vector.broadcast %reduce_max3A_174 : i1 to vector<16xi1>
        %reduce_max3A_176 = arith.constant -2147483648 : i32
        %reduce_max3A_177 = vector.broadcast %reduce_max3A_176 : i32 to vector<16xi32>
        %reduce_max3A_178 = arith.xori %select_n3A_173, %reduce_max3A_177 : vector<16xi32>
        %reduce_max3A_179 = tpu.scan <max>, %reduce_max3A_178 masked %reduce_max3A_175 : vector<16xi32>, vector<16xi1> -> vector<16xi32>
        %reduce_max3A_180 = arith.xori %reduce_max3A_179, %reduce_max3A_177 : vector<16xi32>
        %reduce_max3A_181 = vector.extract %reduce_max3A_180[15] : i32 from vector<16xi32>
        %mul3A_182 = arith.constant 16 : i32
        %mul3A_183 = arith.muli %while3A_108, %mul3A_182 : i32
        %add3A_184 = arith.addi %mul3A_183, %reduce_max3A_159 : i32
        %sub3A = arith.subi %reduce_max3A_169, %multiple_of3A : i32
        %broadcast_in_dim3A_185 = vector.broadcast %sub3A : i32 to vector<16xi32>
        %mul3A_186 = arith.constant 32 : i32
        %mul3A_187 = arith.muli %add3A_184, %mul3A_186 : i32
        %add3A_188 = arith.constant 0 : i32
        %add3A_189 = arith.addi %mul3A_187, %add3A_188 : i32
        %add3A_190 = vector.broadcast %add3A_189 : i32 to vector<16xi32>
        %add3A_191 = arith.addi %add3A_190, %iota3A : vector<16xi32>
        %shift_right_arithmetic3A = arith.constant 7 : i32
        %shift_right_arithmetic3A_192 = vector.broadcast %shift_right_arithmetic3A : i32 to vector<16xi32>
        %shift_right_arithmetic3A_193 = arith.shrsi %add3A_191, %shift_right_arithmetic3A_192 : vector<16xi32>
        %and3A_194 = arith.constant 127 : i32
        %and3A_195 = vector.broadcast %and3A_194 : i32 to vector<16xi32>
        %and3A_196 = arith.andi %add3A_191, %and3A_195 : vector<16xi32>
        %gather3A = tpu.vector_load_idx %arg11[%shift_right_arithmetic3A_193, %and3A_196] : memref<32x128xi32, #tpu.memory_space<vmem>>[vector<16xi32>, vector<16xi32>], vector<16xi32>,
        %sub3A_197 = arith.constant 12288 : i32
        %sub3A_198 = arith.subi %reduce_max3A_181, %sub3A_197 : i32
        %add3A_199 = arith.constant 0 : i32
        %add3A_200 = arith.addi %sub3A_198, %add3A_199 : i32
        %add3A_201 = vector.broadcast %add3A_200 : i32 to vector<16xi32>
        %add3A_202 = arith.addi %add3A_201, %iota3A : vector<16xi32>
        %ge3A_203 = arith.constant 0 : i32
        %ge3A_204 = vector.broadcast %ge3A_203 : i32 to vector<16xi32>
        %ge3A_205 = arith.cmpi sge, %add3A_202, %ge3A_204 : vector<16xi32>
        %lt3A_206 = arith.constant 4096 : i32
        %lt3A_207 = vector.broadcast %lt3A_206 : i32 to vector<16xi32>
        %lt3A_208 = arith.cmpi slt, %add3A_202, %lt3A_207 : vector<16xi32>
        %and3A_209 = arith.andi %ge3A_205, %lt3A_208 : vector<16xi1>
        tpu.vector_store_idx %arg8[%broadcast_in_dim3A_185, %add3A_202], %gather3A masked %and3A_209 : memref<8x4096xi32, #tpu.memory_space<vmem>>[vector<16xi32>, vector<16xi32>], vector<16xi32>, vector<16xi1>
        %mul3A_210 = arith.constant 32 : i32
        %mul3A_211 = arith.muli %add3A_184, %mul3A_210 : i32
        %add3A_212 = arith.constant 16 : i32
        %add3A_213 = arith.addi %mul3A_211, %add3A_212 : i32
        %add3A_214 = vector.broadcast %add3A_213 : i32 to vector<16xi32>
        %add3A_215 = arith.addi %add3A_214, %iota3A : vector<16xi32>
        %shift_right_arithmetic3A_216 = arith.constant 7 : i32
        %shift_right_arithmetic3A_217 = vector.broadcast %shift_right_arithmetic3A_216 : i32 to vector<16xi32>
        %shift_right_arithmetic3A_218 = arith.shrsi %add3A_215, %shift_right_arithmetic3A_217 : vector<16xi32>
        %and3A_219 = arith.constant 127 : i32
        %and3A_220 = vector.broadcast %and3A_219 : i32 to vector<16xi32>
        %and3A_221 = arith.andi %add3A_215, %and3A_220 : vector<16xi32>
        %gather3A_222 = tpu.vector_load_idx %arg11[%shift_right_arithmetic3A_218, %and3A_221] : memref<32x128xi32, #tpu.memory_space<vmem>>[vector<16xi32>, vector<16xi32>], vector<16xi32>,
        %sub3A_223 = arith.constant 12288 : i32
        %sub3A_224 = arith.subi %reduce_max3A_181, %sub3A_223 : i32
        %add3A_225 = arith.constant 16 : i32
        %add3A_226 = arith.addi %sub3A_224, %add3A_225 : i32
        %add3A_227 = vector.broadcast %add3A_226 : i32 to vector<16xi32>
        %add3A_228 = arith.addi %add3A_227, %iota3A : vector<16xi32>
        %ge3A_229 = arith.constant 0 : i32
        %ge3A_230 = vector.broadcast %ge3A_229 : i32 to vector<16xi32>
        %ge3A_231 = arith.cmpi sge, %add3A_228, %ge3A_230 : vector<16xi32>
        %lt3A_232 = arith.constant 4096 : i32
        %lt3A_233 = vector.broadcast %lt3A_232 : i32 to vector<16xi32>
        %lt3A_234 = arith.cmpi slt, %add3A_228, %lt3A_233 : vector<16xi32>
        %and3A_235 = arith.andi %ge3A_231, %lt3A_234 : vector<16xi1>
        tpu.vector_store_idx %arg8[%broadcast_in_dim3A_185, %add3A_228], %gather3A_222 masked %and3A_235 : memref<8x4096xi32, #tpu.memory_space<vmem>>[vector<16xi32>, vector<16xi32>], vector<16xi32>, vector<16xi1>
        %jit3A_236 = arith.constant 0 : i64
        %convert_element_type3A_237 = arith.trunci %jit3A_236 : i64 to i32
        %broadcast_in_dim3A_238 = vector.broadcast %convert_element_type3A_237 : i32 to vector<16xi32>
        %select_n3A_239 = arith.select %eq3A_160, %broadcast_in_dim3A_238, %while3A_149 : vector<16xi1>, vector<16xi32>
        scf.yield %select_n3A_239 : vector<16xi32>
      }
    }
    %while3A_95 = arith.constant 1 : i32
    scf.for %while3A_108 = %while3A_93 to %while3A_89 step %while3A_95  : i32 {
      %mul3A_109 = arith.constant 16 : i32
      %mul3A_110 = arith.muli %while3A_108, %mul3A_109 : i32
      %get3A = arith.index_cast %mul3A_110 : i32 to index
      %get3A_111 = tpu.vector_load %arg9[%get3A] {strides = array<i32>} : memref<128xi32, #tpu.memory_space<vmem>>, vector<16xi32>,
      %mul3A_112 = arith.constant 16 : i32
      %mul3A_113 = arith.muli %while3A_108, %mul3A_112 : i32
      %get3A_114 = arith.index_cast %mul3A_113 : i32 to index
      %get3A_115 = tpu.vector_load %arg10[%get3A_114] {strides = array<i32>} : memref<128xi32, #tpu.memory_space<vmem>>, vector<16xi32>,
      %ge3A = vector.broadcast %multiple_of3A : i32 to vector<16xi32>
      %ge3A_116 = arith.cmpi sge, %get3A_111, %ge3A : vector<16xi32>
      %add3A_117 = arith.constant 8 : i32
      %add3A_118 = arith.addi %multiple_of3A, %add3A_117 : i32
      %lt3A = vector.broadcast %add3A_118 : i32 to vector<16xi32>
      %lt3A_119 = arith.cmpi slt, %get3A_111, %lt3A : vector<16xi32>
      %and3A = arith.andi %ge3A_116, %lt3A_119 : vector<16xi1>
      %lt3A_120 = arith.constant 16384 : i32
      %lt3A_121 = vector.broadcast %lt3A_120 : i32 to vector<16xi32>
      %lt3A_122 = arith.cmpi slt, %get3A_115, %lt3A_121 : vector<16xi32>
      %and3A_123 = arith.andi %and3A, %lt3A_122 : vector<16xi1>
      %add3A_124 = arith.constant 32 : i32
      %add3A_125 = vector.broadcast %add3A_124 : i32 to vector<16xi32>
      %add3A_126 = arith.addi %get3A_115, %add3A_125 : vector<16xi32>
      %gt3A = arith.constant 12288 : i32
      %gt3A_127 = vector.broadcast %gt3A : i32 to vector<16xi32>
      %gt3A_128 = arith.cmpi sgt, %add3A_126, %gt3A_127 : vector<16xi32>
      %and3A_129 = arith.andi %and3A_123, %gt3A_128 : vector<16xi1>
      %all_reduce_population_count3A = tpu.all_reduce %and3A_129 {dim = 0 : i64, kind = #tpu.reduction_kind<sum>} : vector<16xi1> -> vector<16xi32>
      %reduce_max3A = arith.constant true
      %reduce_max3A_130 = vector.broadcast %reduce_max3A : i1 to vector<16xi1>
      %reduce_max3A_131 = arith.constant -2147483648 : i32
      %reduce_max3A_132 = vector.broadcast %reduce_max3A_131 : i32 to vector<16xi32>
      %reduce_max3A_133 = arith.xori %all_reduce_population_count3A, %reduce_max3A_132 : vector<16xi32>
      %reduce_max3A_134 = tpu.scan <max>, %reduce_max3A_133 masked %reduce_max3A_130 : vector<16xi32>, vector<16xi1> -> vector<16xi32>
      %reduce_max3A_135 = arith.xori %reduce_max3A_134, %reduce_max3A_132 : vector<16xi32>
      %reduce_max3A_136 = vector.extract %reduce_max3A_135[15] : i32 from vector<16xi32>
      %convert_element_type3A = arith.extui %and3A_129 : vector<16xi1> to vector<16xi32>
      %while3A_137 = arith.constant 0 : i32
      %while3A_138 = arith.subi %reduce_max3A_136, %while3A_137 : i32
      %while3A_139 = arith.addi %while3A_137, %while3A_138 : i32
      %while3A_140 = arith.constant 1 : i32
      %while3A_141 = arith.divsi %while3A_138, %while3A_140 : i32
      %while3A_142 = arith.muli %while3A_141, %while3A_140 : i32
      %while3A_143 = arith.addi %while3A_137, %while3A_142 : i32
      %while3A_144 = arith.constant 1 : i32
      %while3A_145 = scf.for %while3A_148 = %while3A_137 to %while3A_143 step %while3A_144 iter_args(%while3A_149 = %convert_element_type3A) -> (vector<16xi32>)  : i32 {
        %ne3A = arith.constant 0 : i32
        %ne3A_150 = vector.broadcast %ne3A : i32 to vector<16xi32>
        %ne3A_151 = arith.cmpi ne, %while3A_149, %ne3A_150 : vector<16xi32>
        %all_reduce_ffs3A = tpu.all_reduce %ne3A_151 {dim = 0 : i64, kind = #tpu.reduction_kind<find_first_set>} : vector<16xi1> -> vector<16xi32>
        %reduce_max3A_152 = arith.constant true
        %reduce_max3A_153 = vector.broadcast %reduce_max3A_152 : i1 to vector<16xi1>
        %reduce_max3A_154 = arith.constant -2147483648 : i32
        %reduce_max3A_155 = vector.broadcast %reduce_max3A_154 : i32 to vector<16xi32>
        %reduce_max3A_156 = arith.xori %all_reduce_ffs3A, %reduce_max3A_155 : vector<16xi32>
        %reduce_max3A_157 = tpu.scan <max>, %reduce_max3A_156 masked %reduce_max3A_153 : vector<16xi32>, vector<16xi1> -> vector<16xi32>
        %reduce_max3A_158 = arith.xori %reduce_max3A_157, %reduce_max3A_155 : vector<16xi32>
        %reduce_max3A_159 = vector.extract %reduce_max3A_158[15] : i32 from vector<16xi32>
        %eq3A = vector.broadcast %reduce_max3A_159 : i32 to vector<16xi32>
        %eq3A_160 = arith.cmpi eq, %iota3A, %eq3A : vector<16xi32>
        %jit3A = arith.constant 0 : i64
        %convert_element_type3A_161 = arith.trunci %jit3A : i64 to i32
        %broadcast_in_dim3A = vector.broadcast %convert_element_type3A_161 : i32 to vector<16xi32>
        %select_n3A = arith.select %eq3A_160, %get3A_111, %broadcast_in_dim3A : vector<16xi1>, vector<16xi32>
        %reduce_max3A_162 = arith.constant true
        %reduce_max3A_163 = vector.broadcast %reduce_max3A_162 : i1 to vector<16xi1>
        %reduce_max3A_164 = arith.constant -2147483648 : i32
        %reduce_max3A_165 = vector.broadcast %reduce_max3A_164 : i32 to vector<16xi32>
        %reduce_max3A_166 = arith.xori %select_n3A, %reduce_max3A_165 : vector<16xi32>
        %reduce_max3A_167 = tpu.scan <max>, %reduce_max3A_166 masked %reduce_max3A_163 : vector<16xi32>, vector<16xi1> -> vector<16xi32>
        %reduce_max3A_168 = arith.xori %reduce_max3A_167, %reduce_max3A_165 : vector<16xi32>
        %reduce_max3A_169 = vector.extract %reduce_max3A_168[15] : i32 from vector<16xi32>
        %jit3A_170 = arith.constant 0 : i64
        %convert_element_type3A_171 = arith.trunci %jit3A_170 : i64 to i32
        %broadcast_in_dim3A_172 = vector.broadcast %convert_element_type3A_171 : i32 to vector<16xi32>
        %select_n3A_173 = arith.select %eq3A_160, %get3A_115, %broadcast_in_dim3A_172 : vector<16xi1>, vector<16xi32>
        %reduce_max3A_174 = arith.constant true
        %reduce_max3A_175 = vector.broadcast %reduce_max3A_174 : i1 to vector<16xi1>
        %reduce_max3A_176 = arith.constant -2147483648 : i32
        %reduce_max3A_177 = vector.broadcast %reduce_max3A_176 : i32 to vector<16xi32>
        %reduce_max3A_178 = arith.xori %select_n3A_173, %reduce_max3A_177 : vector<16xi32>
        %reduce_max3A_179 = tpu.scan <max>, %reduce_max3A_178 masked %reduce_max3A_175 : vector<16xi32>, vector<16xi1> -> vector<16xi32>
        %reduce_max3A_180 = arith.xori %reduce_max3A_179, %reduce_max3A_177 : vector<16xi32>
        %reduce_max3A_181 = vector.extract %reduce_max3A_180[15] : i32 from vector<16xi32>
        %mul3A_182 = arith.constant 16 : i32
        %mul3A_183 = arith.muli %while3A_108, %mul3A_182 : i32
        %add3A_184 = arith.addi %mul3A_183, %reduce_max3A_159 : i32
        %sub3A = arith.subi %reduce_max3A_169, %multiple_of3A : i32
        %broadcast_in_dim3A_185 = vector.broadcast %sub3A : i32 to vector<16xi32>
        %mul3A_186 = arith.constant 32 : i32
        %mul3A_187 = arith.muli %add3A_184, %mul3A_186 : i32
        %add3A_188 = arith.constant 0 : i32
        %add3A_189 = arith.addi %mul3A_187, %add3A_188 : i32
        %add3A_190 = vector.broadcast %add3A_189 : i32 to vector<16xi32>
        %add3A_191 = arith.addi %add3A_190, %iota3A : vector<16xi32>
        %shift_right_arithmetic3A = arith.constant 7 : i32
        %shift_right_arithmetic3A_192 = vector.broadcast %shift_right_arithmetic3A : i32 to vector<16xi32>
        %shift_right_arithmetic3A_193 = arith.shrsi %add3A_191, %shift_right_arithmetic3A_192 : vector<16xi32>
        %and3A_194 = arith.constant 127 : i32
        %and3A_195 = vector.broadcast %and3A_194 : i32 to vector<16xi32>
        %and3A_196 = arith.andi %add3A_191, %and3A_195 : vector<16xi32>
        %gather3A = tpu.vector_load_idx %arg11[%shift_right_arithmetic3A_193, %and3A_196] : memref<32x128xi32, #tpu.memory_space<vmem>>[vector<16xi32>, vector<16xi32>], vector<16xi32>,
        %sub3A_197 = arith.constant 12288 : i32
        %sub3A_198 = arith.subi %reduce_max3A_181, %sub3A_197 : i32
        %add3A_199 = arith.constant 0 : i32
        %add3A_200 = arith.addi %sub3A_198, %add3A_199 : i32
        %add3A_201 = vector.broadcast %add3A_200 : i32 to vector<16xi32>
        %add3A_202 = arith.addi %add3A_201, %iota3A : vector<16xi32>
        %ge3A_203 = arith.constant 0 : i32
        %ge3A_204 = vector.broadcast %ge3A_203 : i32 to vector<16xi32>
        %ge3A_205 = arith.cmpi sge, %add3A_202, %ge3A_204 : vector<16xi32>
        %lt3A_206 = arith.constant 4096 : i32
        %lt3A_207 = vector.broadcast %lt3A_206 : i32 to vector<16xi32>
        %lt3A_208 = arith.cmpi slt, %add3A_202, %lt3A_207 : vector<16xi32>
        %and3A_209 = arith.andi %ge3A_205, %lt3A_208 : vector<16xi1>
        tpu.vector_store_idx %arg8[%broadcast_in_dim3A_185, %add3A_202], %gather3A masked %and3A_209 : memref<8x4096xi32, #tpu.memory_space<vmem>>[vector<16xi32>, vector<16xi32>], vector<16xi32>, vector<16xi1>
        %mul3A_210 = arith.constant 32 : i32
        %mul3A_211 = arith.muli %add3A_184, %mul3A_210 : i32
        %add3A_212 = arith.constant 16 : i32
        %add3A_213 = arith.addi %mul3A_211, %add3A_212 : i32
        %add3A_214 = vector.broadcast %add3A_213 : i32 to vector<16xi32>
        %add3A_215 = arith.addi %add3A_214, %iota3A : vector<16xi32>
        %shift_right_arithmetic3A_216 = arith.constant 7 : i32
        %shift_right_arithmetic3A_217 = vector.broadcast %shift_right_arithmetic3A_216 : i32 to vector<16xi32>
        %shift_right_arithmetic3A_218 = arith.shrsi %add3A_215, %shift_right_arithmetic3A_217 : vector<16xi32>
        %and3A_219 = arith.constant 127 : i32
        %and3A_220 = vector.broadcast %and3A_219 : i32 to vector<16xi32>
        %and3A_221 = arith.andi %add3A_215, %and3A_220 : vector<16xi32>
        %gather3A_222 = tpu.vector_load_idx %arg11[%shift_right_arithmetic3A_218, %and3A_221] : memref<32x128xi32, #tpu.memory_space<vmem>>[vector<16xi32>, vector<16xi32>], vector<16xi32>,
        %sub3A_223 = arith.constant 12288 : i32
        %sub3A_224 = arith.subi %reduce_max3A_181, %sub3A_223 : i32
        %add3A_225 = arith.constant 16 : i32
        %add3A_226 = arith.addi %sub3A_224, %add3A_225 : i32
        %add3A_227 = vector.broadcast %add3A_226 : i32 to vector<16xi32>
        %add3A_228 = arith.addi %add3A_227, %iota3A : vector<16xi32>
        %ge3A_229 = arith.constant 0 : i32
        %ge3A_230 = vector.broadcast %ge3A_229 : i32 to vector<16xi32>
        %ge3A_231 = arith.cmpi sge, %add3A_228, %ge3A_230 : vector<16xi32>
        %lt3A_232 = arith.constant 4096 : i32
        %lt3A_233 = vector.broadcast %lt3A_232 : i32 to vector<16xi32>
        %lt3A_234 = arith.cmpi slt, %add3A_228, %lt3A_233 : vector<16xi32>
        %and3A_235 = arith.andi %ge3A_231, %lt3A_234 : vector<16xi1>
        tpu.vector_store_idx %arg8[%broadcast_in_dim3A_185, %add3A_228], %gather3A_222 masked %and3A_235 : memref<8x4096xi32, #tpu.memory_space<vmem>>[vector<16xi32>, vector<16xi32>], vector<16xi32>, vector<16xi1>
        %jit3A_236 = arith.constant 0 : i64
        %convert_element_type3A_237 = arith.trunci %jit3A_236 : i64 to i32
        %broadcast_in_dim3A_238 = vector.broadcast %convert_element_type3A_237 : i32 to vector<16xi32>
        %select_n3A_239 = arith.select %eq3A_160, %broadcast_in_dim3A_238, %while3A_149 : vector<16xi1>, vector<16xi32>
        scf.yield %select_n3A_239 : vector<16xi32>
      }
      %while3A_146 = arith.constant 1 : i32
      %while3A_147 = scf.for %while3A_148 = %while3A_143 to %while3A_139 step %while3A_146 iter_args(%while3A_149 = %while3A_145) -> (vector<16xi32>)  : i32 {
        %ne3A = arith.constant 0 : i32
        %ne3A_150 = vector.broadcast %ne3A : i32 to vector<16xi32>
        %ne3A_151 = arith.cmpi ne, %while3A_149, %ne3A_150 : vector<16xi32>
        %all_reduce_ffs3A = tpu.all_reduce %ne3A_151 {dim = 0 : i64, kind = #tpu.reduction_kind<find_first_set>} : vector<16xi1> -> vector<16xi32>
        %reduce_max3A_152 = arith.constant true
        %reduce_max3A_153 = vector.broadcast %reduce_max3A_152 : i1 to vector<16xi1>
        %reduce_max3A_154 = arith.constant -2147483648 : i32
        %reduce_max3A_155 = vector.broadcast %reduce_max3A_154 : i32 to vector<16xi32>
        %reduce_max3A_156 = arith.xori %all_reduce_ffs3A, %reduce_max3A_155 : vector<16xi32>
        %reduce_max3A_157 = tpu.scan <max>, %reduce_max3A_156 masked %reduce_max3A_153 : vector<16xi32>, vector<16xi1> -> vector<16xi32>
        %reduce_max3A_158 = arith.xori %reduce_max3A_157, %reduce_max3A_155 : vector<16xi32>
        %reduce_max3A_159 = vector.extract %reduce_max3A_158[15] : i32 from vector<16xi32>
        %eq3A = vector.broadcast %reduce_max3A_159 : i32 to vector<16xi32>
        %eq3A_160 = arith.cmpi eq, %iota3A, %eq3A : vector<16xi32>
        %jit3A = arith.constant 0 : i64
        %convert_element_type3A_161 = arith.trunci %jit3A : i64 to i32
        %broadcast_in_dim3A = vector.broadcast %convert_element_type3A_161 : i32 to vector<16xi32>
        %select_n3A = arith.select %eq3A_160, %get3A_111, %broadcast_in_dim3A : vector<16xi1>, vector<16xi32>
        %reduce_max3A_162 = arith.constant true
        %reduce_max3A_163 = vector.broadcast %reduce_max3A_162 : i1 to vector<16xi1>
        %reduce_max3A_164 = arith.constant -2147483648 : i32
        %reduce_max3A_165 = vector.broadcast %reduce_max3A_164 : i32 to vector<16xi32>
        %reduce_max3A_166 = arith.xori %select_n3A, %reduce_max3A_165 : vector<16xi32>
        %reduce_max3A_167 = tpu.scan <max>, %reduce_max3A_166 masked %reduce_max3A_163 : vector<16xi32>, vector<16xi1> -> vector<16xi32>
        %reduce_max3A_168 = arith.xori %reduce_max3A_167, %reduce_max3A_165 : vector<16xi32>
        %reduce_max3A_169 = vector.extract %reduce_max3A_168[15] : i32 from vector<16xi32>
        %jit3A_170 = arith.constant 0 : i64
        %convert_element_type3A_171 = arith.trunci %jit3A_170 : i64 to i32
        %broadcast_in_dim3A_172 = vector.broadcast %convert_element_type3A_171 : i32 to vector<16xi32>
        %select_n3A_173 = arith.select %eq3A_160, %get3A_115, %broadcast_in_dim3A_172 : vector<16xi1>, vector<16xi32>
        %reduce_max3A_174 = arith.constant true
        %reduce_max3A_175 = vector.broadcast %reduce_max3A_174 : i1 to vector<16xi1>
        %reduce_max3A_176 = arith.constant -2147483648 : i32
        %reduce_max3A_177 = vector.broadcast %reduce_max3A_176 : i32 to vector<16xi32>
        %reduce_max3A_178 = arith.xori %select_n3A_173, %reduce_max3A_177 : vector<16xi32>
        %reduce_max3A_179 = tpu.scan <max>, %reduce_max3A_178 masked %reduce_max3A_175 : vector<16xi32>, vector<16xi1> -> vector<16xi32>
        %reduce_max3A_180 = arith.xori %reduce_max3A_179, %reduce_max3A_177 : vector<16xi32>
        %reduce_max3A_181 = vector.extract %reduce_max3A_180[15] : i32 from vector<16xi32>
        %mul3A_182 = arith.constant 16 : i32
        %mul3A_183 = arith.muli %while3A_108, %mul3A_182 : i32
        %add3A_184 = arith.addi %mul3A_183, %reduce_max3A_159 : i32
        %sub3A = arith.subi %reduce_max3A_169, %multiple_of3A : i32
        %broadcast_in_dim3A_185 = vector.broadcast %sub3A : i32 to vector<16xi32>
        %mul3A_186 = arith.constant 32 : i32
        %mul3A_187 = arith.muli %add3A_184, %mul3A_186 : i32
        %add3A_188 = arith.constant 0 : i32
        %add3A_189 = arith.addi %mul3A_187, %add3A_188 : i32
        %add3A_190 = vector.broadcast %add3A_189 : i32 to vector<16xi32>
        %add3A_191 = arith.addi %add3A_190, %iota3A : vector<16xi32>
        %shift_right_arithmetic3A = arith.constant 7 : i32
        %shift_right_arithmetic3A_192 = vector.broadcast %shift_right_arithmetic3A : i32 to vector<16xi32>
        %shift_right_arithmetic3A_193 = arith.shrsi %add3A_191, %shift_right_arithmetic3A_192 : vector<16xi32>
        %and3A_194 = arith.constant 127 : i32
        %and3A_195 = vector.broadcast %and3A_194 : i32 to vector<16xi32>
        %and3A_196 = arith.andi %add3A_191, %and3A_195 : vector<16xi32>
        %gather3A = tpu.vector_load_idx %arg11[%shift_right_arithmetic3A_193, %and3A_196] : memref<32x128xi32, #tpu.memory_space<vmem>>[vector<16xi32>, vector<16xi32>], vector<16xi32>,
        %sub3A_197 = arith.constant 12288 : i32
        %sub3A_198 = arith.subi %reduce_max3A_181, %sub3A_197 : i32
        %add3A_199 = arith.constant 0 : i32
        %add3A_200 = arith.addi %sub3A_198, %add3A_199 : i32
        %add3A_201 = vector.broadcast %add3A_200 : i32 to vector<16xi32>
        %add3A_202 = arith.addi %add3A_201, %iota3A : vector<16xi32>
        %ge3A_203 = arith.constant 0 : i32
        %ge3A_204 = vector.broadcast %ge3A_203 : i32 to vector<16xi32>
        %ge3A_205 = arith.cmpi sge, %add3A_202, %ge3A_204 : vector<16xi32>
        %lt3A_206 = arith.constant 4096 : i32
        %lt3A_207 = vector.broadcast %lt3A_206 : i32 to vector<16xi32>
        %lt3A_208 = arith.cmpi slt, %add3A_202, %lt3A_207 : vector<16xi32>
        %and3A_209 = arith.andi %ge3A_205, %lt3A_208 : vector<16xi1>
        tpu.vector_store_idx %arg8[%broadcast_in_dim3A_185, %add3A_202], %gather3A masked %and3A_209 : memref<8x4096xi32, #tpu.memory_space<vmem>>[vector<16xi32>, vector<16xi32>], vector<16xi32>, vector<16xi1>
        %mul3A_210 = arith.constant 32 : i32
        %mul3A_211 = arith.muli %add3A_184, %mul3A_210 : i32
        %add3A_212 = arith.constant 16 : i32
        %add3A_213 = arith.addi %mul3A_211, %add3A_212 : i32
        %add3A_214 = vector.broadcast %add3A_213 : i32 to vector<16xi32>
        %add3A_215 = arith.addi %add3A_214, %iota3A : vector<16xi32>
        %shift_right_arithmetic3A_216 = arith.constant 7 : i32
        %shift_right_arithmetic3A_217 = vector.broadcast %shift_right_arithmetic3A_216 : i32 to vector<16xi32>
        %shift_right_arithmetic3A_218 = arith.shrsi %add3A_215, %shift_right_arithmetic3A_217 : vector<16xi32>
        %and3A_219 = arith.constant 127 : i32
        %and3A_220 = vector.broadcast %and3A_219 : i32 to vector<16xi32>
        %and3A_221 = arith.andi %add3A_215, %and3A_220 : vector<16xi32>
        %gather3A_222 = tpu.vector_load_idx %arg11[%shift_right_arithmetic3A_218, %and3A_221] : memref<32x128xi32, #tpu.memory_space<vmem>>[vector<16xi32>, vector<16xi32>], vector<16xi32>,
        %sub3A_223 = arith.constant 12288 : i32
        %sub3A_224 = arith.subi %reduce_max3A_181, %sub3A_223 : i32
        %add3A_225 = arith.constant 16 : i32
        %add3A_226 = arith.addi %sub3A_224, %add3A_225 : i32
        %add3A_227 = vector.broadcast %add3A_226 : i32 to vector<16xi32>
        %add3A_228 = arith.addi %add3A_227, %iota3A : vector<16xi32>
        %ge3A_229 = arith.constant 0 : i32
        %ge3A_230 = vector.broadcast %ge3A_229 : i32 to vector<16xi32>
        %ge3A_231 = arith.cmpi sge, %add3A_228, %ge3A_230 : vector<16xi32>
        %lt3A_232 = arith.constant 4096 : i32
        %lt3A_233 = vector.broadcast %lt3A_232 : i32 to vector<16xi32>
        %lt3A_234 = arith.cmpi slt, %add3A_228, %lt3A_233 : vector<16xi32>
        %and3A_235 = arith.andi %ge3A_231, %lt3A_234 : vector<16xi1>
        tpu.vector_store_idx %arg8[%broadcast_in_dim3A_185, %add3A_228], %gather3A_222 masked %and3A_235 : memref<8x4096xi32, #tpu.memory_space<vmem>>[vector<16xi32>, vector<16xi32>], vector<16xi32>, vector<16xi1>
        %jit3A_236 = arith.constant 0 : i64
        %convert_element_type3A_237 = arith.trunci %jit3A_236 : i64 to i32
        %broadcast_in_dim3A_238 = vector.broadcast %convert_element_type3A_237 : i32 to vector<16xi32>
        %select_n3A_239 = arith.select %eq3A_160, %broadcast_in_dim3A_238, %while3A_149 : vector<16xi1>, vector<16xi32>
        scf.yield %select_n3A_239 : vector<16xi32>
      }
    }
    %dma_start3A_96 = arith.constant 12288 : i32
    %dma_start3A_97 = tpu.memref_slice %arg6[%multiple_of3A, %dma_start3A_96] : memref<256x16384xi32, #tpu.memory_space<hbm>> -> memref<8x4096xi32, #tpu.memory_space<hbm>>
    %dma_start3A_98 = arith.constant 12288 : i32
    %dma_start3A_99 = tpu.memref_slice %arg6[%multiple_of3A, %dma_start3A_98] : memref<256x16384xi32, #tpu.memory_space<hbm>> -> memref<8x4096xi32, #tpu.memory_space<hbm>>
    tpu.enqueue_dma source(%arg8 : memref<8x4096xi32, #tpu.memory_space<vmem>>) target(%dma_start3A_99 : memref<8x4096xi32, #tpu.memory_space<hbm>>) target_semaphore(%arg15 : memref<!tpu.dma_semaphore, #tpu.memory_space<semaphore_mem>>)
    %dma_wait3A_100 = arith.constant 8192 : i32
    %dma_wait3A_101 = tpu.memref_slice %arg6[%multiple_of3A, %dma_wait3A_100] : memref<256x16384xi32, #tpu.memory_space<hbm>> -> memref<8x4096xi32, #tpu.memory_space<hbm>>
    %dma_wait3A_102 = arith.constant 8192 : i32
    %dma_wait3A_103 = tpu.memref_slice %arg6[%multiple_of3A, %dma_wait3A_102] : memref<256x16384xi32, #tpu.memory_space<hbm>> -> memref<8x4096xi32, #tpu.memory_space<hbm>>
    tpu.wait_dma2 semaphore(%arg14 : memref<!tpu.dma_semaphore, #tpu.memory_space<semaphore_mem>>) src(%arg7 : memref<8x4096xi32, #tpu.memory_space<vmem>>) dst(%dma_wait3A_103 : memref<8x4096xi32, #tpu.memory_space<hbm>>)
    %dma_wait3A_104 = arith.constant 12288 : i32
    %dma_wait3A_105 = tpu.memref_slice %arg6[%multiple_of3A, %dma_wait3A_104] : memref<256x16384xi32, #tpu.memory_space<hbm>> -> memref<8x4096xi32, #tpu.memory_space<hbm>>
    %dma_wait3A_106 = arith.constant 12288 : i32
    %dma_wait3A_107 = tpu.memref_slice %arg6[%multiple_of3A, %dma_wait3A_106] : memref<256x16384xi32, #tpu.memory_space<hbm>> -> memref<8x4096xi32, #tpu.memory_space<hbm>>
    tpu.wait_dma2 semaphore(%arg15 : memref<!tpu.dma_semaphore, #tpu.memory_space<semaphore_mem>>) src(%arg8 : memref<8x4096xi32, #tpu.memory_space<vmem>>) dst(%dma_wait3A_107 : memref<8x4096xi32, #tpu.memory_space<hbm>>)
    return
  }
}

</mosaic_0001>

<sc_bundles>
// kernel: kernel.3.cloned.1.call-start
scs
__scs_entry_jumppad:
0x0: {  	(pc) =	sbr.rel $0x88, $3  }
0x1: {  	(tag) =	ssettag $0x0;
	lr =	simm.s32 $0x1  }
0x2: {  	[smem:$0x3F9D] =	sst lr;
	_ =	strace $0xD0000000  }
0x3: {  	_ = 	snop  }
0x4: {  	_ = 	snop  }
0x5: {  	_ = 	snop  }
0x6: {  	_ = 	snop  }
0x7: {  	_ = 	snop  }
__scs_overlays_trampoline_lowered:
0x8: {  	[smem:$0x3FAC] =	sst s0  }
0x9: {  	[smem:$0x3FAD] =	sst s1  }
0xa: {  	[smem:$0x3FAE] =	sst s2  }
0xb: {  	[smem:$0x3FAF] =	sst s3  }
0xc: {  	[smem:$0x3FB0] =	sst s4  }
0xd: {  	[smem:$0x3FB1] =	sst s5  }
0xe: {  	[smem:$0x3FB2] =	sst s6  }
0xf: {  	[smem:$0x3FB3] =	sst s7  }
0x10: {  	[smem:$0x3FB4] =	sst s8  }
0x11: {  	[smem:$0x3FB5] =	sst s9;
	s0 =	simm.s32 @!p0 $0x0  }
0x12: {  	s1 =	sld [smem:$0x3F9B];
	s0 =	simm.s32 @p0 $0x1  }
0x13: {  	[smem:$0x3FB6] =	sst s0;
	s0 =	simm.s32 @!p1 $0x0  }
0x14: {  	s2 =	sld [smem:$0x3F9A];
	s0 =	simm.s32 @p1 $0x1  }
0x15: {  	[smem:$0x3FB7] =	sst s0;
	s0 =	simm.s32 @!p2 $0x0  }
0x16: {  	s3 =	sld [smem:$0x3FDB];
	s0 =	simm.s32 @p2 $0x1  }
0x17: {  	s4 =	simm.s32 $0x1BF5;
	[smem:$0x3FB9] =	sst s0  }
0x18: {  	s0 =	sld [smem:$0x3F9C];
	_ =	swait.ge [sflag:s4], $0x0  }
0x19: {  	s7 =	sld [smem:$0x3F9D]  }
0x1a: {  	s8 =	sadd.s32 $0xFFFFE003, lr  }
0x1b: {  	s9 =	sadd.s32 $0xFFFFFEF7, lr;
	s5 =	simm.s32 $0xFFFFFFFF;
	p2 =	slt.u32 s8, $0xFFFFF086  }
0x1c: {  	p1 =	slt.u32 s9, $0xF7A;
	s5 =	simm.s32 @!p2 $0x0  }
0x1d: {  	s5 =	simm.s32 @p1 $0x1;
	p0 =	seq.s32 s7, s2  }
0x1e: {  	s7 =	smul.u32 @!p0 $0xF7A, s2;
	p2 =	seq.s32 @!p0 s5, $0x0  }
0x1f: {  	s9 =	smul.u32 $0xF7A, s1;
	s8 =	simm.s32 @!p0 $0x1BF5;
	p2 =	por !p2, p0  }
0x20: {  	[sflag:s8] =	ssyncset.s32 @!p0 $0xFFFFF086;
	s6 =	sadd.s32 @!p0 s3, s7;
	s7 =	simm.s32 @!p0 $0x108  }
0x21: {  	s3 =	sadd.s32 s3, s9;
	s6 =	sadd.s32 @!p0 $0x88, s6;
	s7 =	simm.s32 @p2 $0x1082  }
0x22: {  	[simem:s7], [sflag:s8] =	dma.local @!p0 [hbm:s6], $0xF7A  }
0x23: {  	s9 =	sor.u32 $0xD0000000, s2;
	s6 =	simm.s32 $0x108;
	_ =	swait.ge @!p0 [sflag:s8], $0x0  }
0x24: {  	s3 =	sadd.s32 $0x88, s3;
	s6 =	simm.s32 @!p1 $0x1082;
	[sflag:s4] =	ssyncset.s32 $0xFFFFF086  }
0x25: {  	[simem:s6], [sflag:s4] =	dma.local [hbm:s3], $0xF7A  }
0x26: {  	[smem:$0x3F9D] =	sst s1;
	(tag) =	ssettag s2;
	_ =	strace s9  }
0x27: {  	s1 =	sld [smem:$0x3FAD]  }
0x28: {  	s2 =	sld [smem:$0x3FAE]  }
0x29: {  	s4 =	sld [smem:$0x3FB0]  }
0x2a: {  	p0 =	seq.s32 s5, $0x0;
	s5 =	sld [smem:$0x3FB1]  }
0x2b: {  	s6 =	sld [smem:$0x3FB2]  }
0x2c: {  	s7 =	sld [smem:$0x3FB3]  }
0x2d: {  	s3 =	simm.s32 $0x108;
	s8 =	sld [smem:$0x3FB4]  }
0x2e: {  	s3 =	simm.s32 @!p0 $0x1082;
	s9 =	sld [smem:$0x3FB5]  }
0x2f: {  	lr =	sadd.s32 s0, s3;
	s0 =	sld [smem:$0x3FAC]  }
0x30: {  	s3 =	sld [smem:$0x3FAF]  }
0x31: {  	[smem:$0x3FB8] =	sst s10  }
0x32: {  	s10 =	sld [smem:$0x3FB6];
	_ =	sdelay $0x3  }
0x33: {  	p0 =	seq.s32 s10, $0x1;
	s10 =	sld [smem:$0x3FB8];
	_ =	sdelay $0x3  }
0x34: {  	[smem:$0x3FB8] =	sst s10  }
0x35: {  	s10 =	sld [smem:$0x3FB7];
	_ =	sdelay $0x3  }
0x36: {  	p1 =	seq.s32 s10, $0x1;
	s10 =	sld [smem:$0x3FB8];
	_ =	sdelay $0x3  }
0x37: {  	[smem:$0x3FB8] =	sst s10  }
0x38: {  	s10 =	sld [smem:$0x3FB9]  }
0x39: {  	_ = 	snop;
	(pc) =	sbr.ind lr, $3  }
0x3a: {  	_ = 	snop  }
0x3b: {  	_ = 	snop  }
0x3c: {  	p2 =	seq.s32 s10, $0x1;
	s10 =	sld [smem:$0x3FB8]  }
0x3d: {  	_ =	shalt  }
0x3e: {  	_ =	shalt  }
0x3f: {  	_ =	shalt  }
0x40: {  	_ =	shalt  }
0x41: {  	_ =	shalt  }
0x42: {  	_ =	shalt  }
0x43: {  	_ =	shalt  }
0x44: {  	_ =	shalt  }
0x45: {  	_ =	shalt  }
0x46: {  	_ =	shalt  }
0x47: {  	_ =	shalt  }
0x48: {  	_ =	shalt  }
0x49: {  	_ =	shalt  }
0x4a: {  	_ =	shalt  }
0x4b: {  	_ =	shalt  }
0x4c: {  	_ =	shalt  }
0x4d: {  	_ =	shalt  }
0x4e: {  	_ =	shalt  }
0x4f: {  	_ =	shalt  }
0x50: {  	_ =	shalt  }
0x51: {  	_ =	shalt  }
0x52: {  	_ =	shalt  }
0x53: {  	_ =	shalt  }
0x54: {  	_ =	shalt  }
0x55: {  	_ =	shalt  }
0x56: {  	_ =	shalt  }
0x57: {  	_ =	shalt  }
0x58: {  	_ =	shalt  }
0x59: {  	_ =	shalt  }
0x5a: {  	_ =	shalt  }
0x5b: {  	_ =	shalt  }
0x5c: {  	_ =	shalt  }
0x5d: {  	_ =	shalt  }
0x5e: {  	_ =	shalt  }
0x5f: {  	_ =	shalt  }
0x60: {  	_ =	shalt  }
0x61: {  	_ =	shalt  }
0x62: {  	_ =	shalt  }
0x63: {  	_ =	shalt  }
0x64: {  	_ =	shalt  }
0x65: {  	_ =	shalt  }
0x66: {  	_ =	shalt  }
0x67: {  	_ =	shalt  }
0x68: {  	_ =	shalt  }
0x69: {  	_ =	shalt  }
0x6a: {  	_ =	shalt  }
0x6b: {  	_ =	shalt  }
0x6c: {  	_ =	shalt  }
0x6d: {  	_ =	shalt  }
0x6e: {  	_ =	shalt  }
0x6f: {  	_ =	shalt  }
0x70: {  	_ =	shalt  }
0x71: {  	_ =	shalt  }
0x72: {  	_ =	shalt  }
0x73: {  	_ =	shalt  }
0x74: {  	_ =	shalt  }
0x75: {  	_ =	shalt  }
0x76: {  	_ =	shalt  }
0x77: {  	_ =	shalt  }
0x78: {  	_ =	shalt  }
0x79: {  	_ =	shalt  }
0x7a: {  	_ =	shalt  }
0x7b: {  	_ =	shalt  }
0x7c: {  	_ =	shalt  }
0x7d: {  	_ =	shalt  }
0x7e: {  	_ =	shalt  }
0x7f: {  	_ =	shalt  }
0x80: {  	_ =	shalt  }
0x81: {  	_ =	shalt  }
0x82: {  	_ =	shalt  }
0x83: {  	_ =	shalt  }
0x84: {  	_ =	shalt  }
0x85: {  	_ =	shalt  }
0x86: {  	_ =	shalt  }
0x87: {  	_ =	shalt  }
.Lfunc_end0:
.L_simem_size_0:
called_computation_lowered:
.L_overlay_start_0:
0x88: {  	s2 =	sld [smem:$0x3FD9]  }
0x89: {  	s3 =	sld [smem:$0x3FFE];
	_ =	sdelay $0x1  }
0x8a: {  	s1 =	srdreg.scid  }
0x8b: {  	s0 =	sand.u32 $0x1, s1  }
0x8c: {  	s14 =	sshll.u32 s0, $0xA;
	s2 =	sadd.s32 s3, s2  }
0x8d: {  	s2 =	sadd.s32 s2, s14  }
0x8e: {  	[smem:$0x3FC4] =	sst s2  }
0x8f: {  	_ = 	snop  }
0x90: {  	s2 =	sld [smem:$0x3FD0];
	_ =	sdelay $0x2  }
0x91: {  	s15 =	simm.s32 $0xA;
	s4 =	simm.s32 $0x10  }
0x92: {  	[smem:s4], [sflag:s15] =	dma.local [hbm:s2], $0x1  }
0x93: {  	_ =	swait.eq [sflag:s15], $0x1  }
0x94: {  	[sflag:s15] =	ssyncset.done $0x0  }
0x95: {  	[sflag:s15] =	ssyncadd.s32 $0xFFFFFFFF  }
0x96: {  	s16 =	sld [smem:$0x10];
	(tm) =	ssettm $0x1  }
0x97: {  	s17 =	sld [smem:$0x3FFB];
	_ =	sdelay $0x3  }
0x98: {  	_ =	strace s17  }
0x99: {  	s3 =	sld [smem:$0x3FFC];
	_ =	sdelay $0x3  }
0x9a: {  	_ =	strace s3  }
0x9b: {  	s3 =	sld [smem:$0x3FFD];
	_ =	sdelay $0x3  }
0x9c: {  	_ =	strace s3  }
0x9d: {  	_ =	strace $0x8FFFFFFF  }
0x9e: {  	s18 =	sld [smem:$0x3FDB];
	_ =	sdelay $0x1  }
0x9f: {  	s19 =	simm.s32 $_scs_section_size  }
0xa0: {  	s5 =	simm.s32 $_size__tile_overlayer_lowered;
	s6 =	simm.s32 $_tile_overlayer_lowered  }
0xa1: {  	s22 =	simm.s32 $0x1BFF;
	s21 =	sshll.u32 s6, $0x1;
	s3 =	sadd.s32 s19, s18  }
0xa2: {  	s7 =	simm.s32 $0x0;
	s20 =	sshll.u32 s5, $0x1;
	s5 =	sadd.s32 s21, s3  }
0xa3: {  	[timem:s7], [sflag:s22] =	dma.local [hbm:s5], s20  }
0xa4: {  	_ =	swait.ge [sflag:s22], s20  }
0xa5: {  	s4 =	ssub.s32 $0x0, s20;
	[sflag:s22] =	ssyncset.done $0x0  }
0xa6: {  	[sflag:s22] =	ssyncadd.s32 s4;
	_ =	sdelay $0x1  }
0xa7: {  	s23 =	simm.s32 $0x1B8B  }
0xa8: {  	_ =	swait.ge [sflag:s23], $0x1  }
0xa9: {  	[sflag:s23] =	ssyncset.done $0x0  }
0xaa: {  	s25 =	simm.s32 $0x1B8E;
	s24 =	sld [smem:$0x3FFE];
	[sflag:s23] =	ssyncadd.s32 $0xFFFFFFFF  }
0xab: {  	s26 =	simm.s32 $execute0_lowered;
	[smem:$0x3FD2] =	sst s25  }
0xac: {  	s5 =	sshll.u32 s26, $0x1;
	_ =	strace $0x80000046;
	[dreg:$0x1] =	wrdreg $0xFFFFFFFF  }
0xad: {  	s28 =	simm.s32 $_size_execute0_lowered;
	s3 =	sadd.s32 s3, s5;
	[dreg:$0x0] =	wrdreg $0x0  }
0xae: {  	s5 =	sshll.u32 s28, $0x1;
	[dreg:$0x2] =	wrdreg s3  }
0xaf: {  	[dreg:$0x3] =	wrdreg s5  }
0xb0: {  	[dreg:$0x4] =	wrdreg $0xC0  }
0xb1: {  	_ =	task [dreg:s7], $0x5FFFF  }
0xb2: {  	[dreg:$0x1] =	wrdreg $0xFFFFFFFF  }
0xb3: {  	[dreg:$0x0] =	wrdreg $0x60  }
0xb4: {  	[dreg:$0x2] =	wrdreg s16  }
0xb5: {  	[dreg:$0x3] =	wrdreg s24  }
0xb6: {  	[dreg:$0x4] =	wrdreg $0x9  }
0xb7: {  	_ =	task.clear_ibuf [dreg:s7], $0x5FFFF;
	_ =	strace $0x90000046  }
0xb8: {  	s29 =	simm.s32 $0x9;
	_ =	strace $0x80000048  }
0xb9: {  	_ =	swait.ge [sflag:s29], $0x1  }
0xba: {  	[sflag:s29] =	ssyncadd.s32 $0xFFFFFFFF  }
0xbb: {  	_ =	strace $0x90000048  }
0xbc: {  	_ =	sfence  }
0xbd: {  	s30 =	sld [smem:$0x0];
	_ =	sdelay $0x2  }
0xbe: {  	s31 =	sshll.u32 s1, $0xD;
	s1 =	sshrl.u32 s1, $0x2  }
0xbf: {  	s3 =	sand.u32 $0x4000, s31;
	s1 =	sadd.s32 s1, s30  }
0xc0: {  	s0 =	sor.u32 s3, s0;
	s1 =	sshll.u32 s1, $0x11  }
0xc1: {  	s0 =	sor.u32 s1, s0  }
0xc2: {  	s0 =	sadd.s32 $0x8F2B, s0  }
0xc3: {  	[sflag:s0] =	ssyncadd.remote.s32 $0x1  }
0xc4: {  	_ =	sfence.sel $0xFFFF  }
0xc5: {  	[dreg:$0x0] =	wrdreg $0xFFFFFFFF;
	(pc) =	sbr.abs _section_cstart, $3  }
0xc6: {  	[dreg:$0x1] =	wrdreg $0xFFFFFFFF  }
0xc7: {  	_ =	task.clear_ibuf [dreg:s7], $0x2FFFF;
	_ =	strace $0x9FFFFFFF  }
0xc8: {  	(tm) =	ssettm $0x7FFFFFFF  }
0xc9: {  	_ =	shalt  }
tec
execute0_lowered:
.L_overlay_start_1:
0x0: {  	(tag) =	ssettag $0x1  }
0x1: {  	s12 =	rddreg [dreg:$0x0]  }
0x2: {  	s7 =	rddreg [dreg:$0x1];
	s1 =	simm.s32 $0x0  }
0x3: {  	s4 =	srdreg.scid;
	s0 =	stileid.u32;
	s18 =	simm.s32 $0x10100  }
0x4: {  	s19 =	simm.s32 $0x8000;
	s20 =	simm.s32 $0x5;
	s21 =	simm.s32 $0x1  }
0x5: {  	s22 =	simm.s32 $0x3;
	s24 =	simm.s32 $0x4;
	s25 =	simm.s32 $0x0  }
0x6: {  	[smem:$0x7FF] =	sst s1;
	s3 =	sadd.s32 $0x800, s7;
	s6 =	sand.u32 $0x1, s4  }
0x7: {  	s4 =	sadd.s32 $0xA00, s7;
	s8 =	sshll.u32 s0, $0x4;
	s5 =	sadd.s32 $0x600, s7  }
0x8: {  	s14 =	sadd.s32 $0xC00, s7;
	s9 =	sshll.u32 s6, $0x3;
	s10 =	ssub.s32 $0x2, s6  }
0x9: {  	_ =	strace $0x80000047;
	s6 =	sor.u32 s9, s8;
	s31 =	sshrl.u32 s10, $0x1  }
0xa: {  	s11 =	sshll.u32 s6, $0xB;
	s15 =	ssub.s32 s10, s31;
	s23 =	sadd.s32 $0x8, s6  }
.Ltmp0:
0xb: {  	s7 =	sadd.s32 s12, s11;
	s13 =	sor.u32 $0x1000, s11;
	(pc) =	sbr.rel .LBB2_1-.Ltmp0, $4  }
0xc: {  	s16 =	sor.u32 $0x2000, s11;
	s9 =	sadd.s32 s14, s11;
	s17 =	sor.u32 $0x3000, s11  }
0xd: {  	s15 =	smax.u32 s15, $0x1;
	v1 =	vmov s23;
	s23 =	simm.s32 $0x2;
	s8 =	sadd.s32 s12, s13  }
0xe: {  	s10 =	sadd.s32 s12, s16;
	s11 =	sadd.s32 s14, s13;
	s12 =	sadd.s32 s12, s17  }
0xf: {  	v2 =	vimm.s32 $0x0;
	v3 =	vlaneseq.u32;
	v0 =	vmov s6;
	s13 =	sadd.s32 s14, s16;
	s14 =	sadd.s32 s14, s17;
	s17 =	simm.s32 $0x10080  }
.LBB2_41:
0x10: {  	[hbm4b:s14+s1] =	stream.linear.scatter [tilespmem:s19], [sflag:$0x4], $0x8000, $0x38;
	[tilespmem:$0x11100] =	vst v63  }
0x11: {  	s25 =	sadd.s32 $0x1, s25  }
0x12: {  	_ =	swait.ge [sflag:s22], $0x8000;
	p0 =	sne.s32 s25, s15  }
.Ltmp1:
0x13: {  	[sflag:s22] =	ssyncset.done $0x0;
	(pc) =	sbr.rel @!p0 .LBB2_42-.Ltmp1, $4  }
0x14: {  	[sflag:s22] =	ssyncadd.s32 $0xFFFF8000  }
0x15: {  	_ =	swait.ge [sflag:s24], $0x8000  }
0x16: {  	[sflag:s24] =	ssyncset.done $0x0  }
0x17: {  	[sflag:s24] =	ssyncadd.s32 $0xFFFF8000  }
.LBB2_1:
0x18: {  	s0 =	simm.s32 $0x10000  }
0x19: {  	[tilespmem:s0], [sflag:$0x5] =	stream.linear.gather [hbm4b:s3+s1], $0x80, $0x38;
	[tilespmem:$0x11100] =	vst v63  }
0x1a: {  	_ = 	snop  }
0x1b: {  	[tilespmem:s17], [sflag:$0x5] =	stream.linear.gather [hbm4b:s4+s1], $0x80, $0x38;
	[tilespmem:$0x11100] =	vst v63  }
0x1c: {  	_ = 	snop  }
0x1d: {  	[tilespmem:s18], [sflag:$0x5] =	stream.linear.gather [hbm4b:s5+s1], $0x1000, $0x38;
	[tilespmem:$0x11100] =	vst v63  }
0x1e: {  	_ = 	snop  }
0x1f: {  	[tilespmem:s1], [sflag:$0x1] =	stream.linear.gather [hbm4b:s7+s1], $0x8000, $0x38;
	[tilespmem:$0x11100] =	vst v63  }
0x20: {  	_ = 	snop  }
0x21: {  	[tilespmem:s19], [sflag:$0x2] =	stream.linear.gather [hbm4b:s8+s1], $0x8000, $0x38;
	[tilespmem:$0x11100] =	vst v63  }
0x22: {  	_ =	swait.ge [sflag:s20], $0x80  }
0x23: {  	[sflag:s20] =	ssyncset.done $0x0  }
0x24: {  	[sflag:s20] =	ssyncadd.s32 $0xFFFFFF80  }
0x25: {  	_ =	swait.ge [sflag:s20], $0x80  }
0x26: {  	[sflag:s20] =	ssyncset.done $0x0  }
0x27: {  	[sflag:s20] =	ssyncadd.s32 $0xFFFFFF80  }
0x28: {  	_ =	swait.ge [sflag:s20], $0x1000  }
.Ltmp2:
0x29: {  	[sflag:s20] =	ssyncset.done $0x0;
	(pc) =	sbr.rel .LBB2_2-.Ltmp2, $4  }
0x2a: {  	[sflag:s20] =	ssyncadd.s32 $0xFFFFF000  }
0x2b: {  	_ =	swait.ge [sflag:s21], $0x8000  }
0x2c: {  	[sflag:s21] =	ssyncset.done $0x0  }
0x2d: {  	s26 =	simm.s32 $0x0;
	[sflag:s21] =	ssyncadd.s32 $0xFFFF8000  }
.LBB2_4:
0x2e: {  	_ = 	snop  }
.LBB2_9:
0x2f: {  	v6, _, _ =	vpop (xrf0)  }
0x30: {  	(v2sf) =	vpush v6, $0xF;
	_ =	sdelay $0xc  }
0x31: {  	s0 =	spop @p0 (v2sf)  }
0x32: {  	s2 =	spop @p0 (v2sf)  }
0x33: {  	s16 =	spop (v2sf)  }
0x34: {  	s31 =	sxor.u32 $0x80000000, s16  }
0x35: {  	v53 =	vmov s31  }
0x36: {  	vm1 =	veq.s32 v53, v3  }
0x37: {  	v4 =	vnsel vm1, $0x80000000, v4  }
0x38: {  	v5 =	vnsel vm1, $0x80000000, v5;
	(xrf0) =	vmax.scan.msk.u32 $0xffff, v4  }
0x39: {  	(xrf0) =	vmax.scan.msk.u32 $0xffff, v5;
	_ =	sdelay $0x4  }
0x3a: {  	v4, _, _ =	vpop (xrf0)  }
0x3b: {  	(v2sf) =	vpush v4, $0xF;
	v4, _, _ =	vpop (xrf0)  }
0x3c: {  	(v2sf) =	vpush v4, $0xF;
	_ =	sdelay $0x1  }
0x3d: {  	s0 =	ssub.s32 @p0 s0, s6;
	s31 =	sxor.u32 @p0 $0x80000000, s2  }
0x3e: {  	v6 =	vadd.s32 @p0 s31, v3;
	v5 =	vmov @p0 s0;
	v4 =	vor.u32 @p0 s30, v3  }
0x3f: {  	v10 =	vshll.u32 @p0 v6, $0x3;
	v9 =	vshll.u32 @p0 v5, $0xC  }
0x40: {  	v10 =	vand.u32 @p0 $0xFFFFFC00, v10;
	v9 =	vand.u32 @p0 $0xFFFF8000, v9  }
0x41: {  	v11 =	vand.u32 @p0 $0x7F, v6;
	v5 =	vshll.u32 @p0 v5, $0x7;
	v10 =	vadd.s32 @p0 v10, v9  }
0x42: {  	[tilespmem:v7+s1+$0x0] =	vst.idx.msk @p1 vm0, v8;
	vm0 =	vlt.u32 @p0 v6, $0x1000;
	v5 =	vand.u32 @p0 $0x380, v5;
	v6 =	vor.u32 @p0 v11, v10  }
0x43: {  	v6 =	vor.u32 @p0 v5, v6;
	v4 =	vld.idx.msk @p0 [tilespmem:v4+s18+$0x0], $0xffff  }
0x44: {  	v7 =	vor.u32 @p0 s29, v3;
	s0 =	sadd.s32 @p0 $0x80000010, s2  }
0x45: {  	v8 =	vadd.s32 @p0 s0, v3  }
0x46: {  	v10 =	vshll.u32 @p0 v8, $0x3  }
0x47: {  	v10 =	vand.u32 @p0 $0xFFFFFC00, v10  }
0x48: {  	v11 =	vand.u32 @p0 $0x7F, v8;
	v9 =	vadd.s32 @p0 v10, v9;
	[tilespmem:v6+s1+$0x0] =	vst.idx.msk @p0 vm0, v4  }
0x49: {  	v4 =	vor.u32 @p0 v11, v9;
	vm0 =	vlt.u32 @p0 v8, $0x1000;
	v6 =	vld.idx.msk @p0 [tilespmem:v7+s18+$0x0], $0xffff;
	s29 =	spop (v2sf)  }
0x4a: {  	s30 =	sadd.s32 s28, s16;
	v4 =	vor.u32 @p0 v5, v4;
	vm0 =	vmmov @p0 vm0;
	s31 =	spop (v2sf)  }
0x4b: {  	s2 =	sshll.u32 s30, $0x5;
	v4 =	vpsel p0, v4, v0;
	s0 =	ssub.s32 s29, s6;
	s29 =	sxor.u32 $0x80000000, s31  }
0x4c: {  	v5 =	vor.u32 s2, v3;
	v54 =	vmov s0;
	v55 =	vadd.s32 s29, v3  }
0x4d: {  	v56 =	vshll.u32 v54, $0xC;
	v57 =	vshll.u32 v55, $0x3  }
0x4e: {  	v6 =	vpsel p0, v6, v0;
	v9 =	vand.u32 $0xFFFF8000, v56;
	v10 =	vand.u32 $0xFFFFFC00, v57  }
0x4f: {  	v7 =	vshll.u32 v54, $0x7;
	v58 =	vand.u32 $0x7F, v55;
	v10 =	vadd.s32 v10, v9  }
0x50: {  	[tilespmem:v4+s1+$0x0] =	vst.idx.msk @p0 vm0, v6;
	vm14 =	vlt.u32 v55, $0x1000;
	v4 =	vand.u32 $0x380, v7;
	v59 =	vor.u32 v58, v10  }
0x51: {  	s30 =	sor.u32 $0x10, s2;
	s31 =	sadd.s32 $0x80000010, s31;
	v5 =	vld.idx.msk [tilespmem:v5+s18+$0x0], $0xffff;
	v6 =	vor.u32 v4, v59  }
0x52: {  	v60 =	vor.u32 s30, v3;
	v61 =	vadd.s32 s31, v3  }
0x53: {  	v62 =	vshll.u32 v61, $0x3  }
0x54: {  	v10 =	vand.u32 $0xFFFFFC00, v62  }
0x55: {  	v63 =	vand.u32 $0x7F, v61;
	v9 =	vadd.s32 v10, v9  }
0x56: {  	vm15 =	vlt.u32 v61, $0x1000;
	v9 =	vor.u32 v63, v9;
	[tilespmem:v6+s1+$0x0] =	vst.idx.msk vm14, v5  }
0x57: {  	v4 =	vor.u32 v4, v9;
	v5 =	vld.idx.msk [tilespmem:v60+s18+$0x0], $0xffff;
	_ =	sdelay $0x4  }
0x58: {  	[tilespmem:v4+s1+$0x0] =	vst.idx.msk vm15, v5  }
.LBB2_10:
0x59: {  	s26 =	sadd.s32 $0x1, s26  }
0x5a: {  	p0 =	sne.s32 s26, $0x8  }
.Ltmp3:
0x5b: {  	_ = 	snop;
	(pc) =	sbr.rel @!p0 .LBB2_11-.Ltmp3, $1  }
0x5c: {  	_ =	sdelay $0x3  }
.LBB2_2:
0x5d: {  	s28 =	sshll.u32 s26, $0x4  }
0x5e: {  	v4 =	vld [tilespmem:s28+$0x10000]  }
0x5f: {  	v5 =	vld [tilespmem:s28+$0x10080];
	_ =	sdelay $0x4  }
0x60: {  	vm0 =	vge.s32 v4, v0;
	vm1 =	vlt.s32 v4, v1;
	v6 =	vadd.s32 $0x1F, v5  }
0x61: {  	vm0 =	vmand vm0, vm1;
	vm1 =	vlt.u32 v6, $0x101F  }
0x62: {  	vm0 =	vmand vm0, vm1  }
0x63: {  	v6 =	vmpcnt.ones.xlane vm0;
	_ =	sdelay $0x1  }
0x64: {  	v6 =	vxor.u32 $0x80000000, v6  }
0x65: {  	(xrf0) =	vmax.scan.msk.u32 $0xffff, v6;
	_ =	sdelay $0x5  }
0x66: {  	v6, _, _ =	vpop (xrf0)  }
0x67: {  	(v2sf) =	vpush v6, $0xF;
	_ =	sdelay $0xe  }
0x68: {  	s29 =	spop (v2sf)  }
0x69: {  	s29 =	sxor.u32 $0x80000000, s29  }
0x6a: {  	p0 =	slt.s32 s29, $0x1  }
.Ltmp4:
0x6b: {  	_ = 	snop;
	(pc) =	sbr.rel @p0 .LBB2_10-.Ltmp4, $1  }
0x6c: {  	_ =	sdelay $0x3  }
0x6d: {  	v6 =	vsel vm0, $0x1, v2  }
0x6e: {  	vm0 =	vne.s32 v6, $0x0  }
0x6f: {  	v7 =	vmctz.xlane vm0;
	_ =	sdelay $0x1  }
0x70: {  	v7 =	vxor.u32 $0x80000000, v7  }
0x71: {  	p2 =	sne.s32 s29, $0x1;
	(xrf0) =	vmax.scan.msk.u32 $0xffff, v7  }
.Ltmp5:
0x72: {  	_ = 	snop;
	(pc) =	sbr.rel @!p2 .LBB2_4-.Ltmp5, $2  }
0x73: {  	_ =	sdelay $0x2  }
0x74: {  	v4 =	vxor.u32 $0x80000000, v4;
	v5 =	vxor.u32 $0x80000000, v5;
	s29 =	sadd.s32 $0xFFFFFFFF, s29;
	p0 =	por $0x0, $0x0;
	p1 =	por $0x0, $0x0  }
0x75: {  	v7, _, _ =	vpop (xrf0)  }
0x76: {  	(v2sf) =	vpush v7, $0xF;
	_ =	sdelay $0xe  }
0x77: {  	s30 =	spop (v2sf)  }
0x78: {  	s31 =	sxor.u32 $0x80000000, s30  }
0x79: {  	v7 =	vmov s31  }
0x7a: {  	vm0 =	veq.s32 v7, v3  }
0x7b: {  	v7 =	vnsel vm0, $0x80000000, v4  }
0x7c: {  	(xrf0) =	vmax.scan.msk.u32 $0xffff, v7  }
0x7d: {  	v6 =	vsel vm0, $0x0, v6  }
0x7e: {  	v8 =	vnsel vm0, $0x80000000, v5;
	vm0 =	vne.s32 v6, $0x0  }
0x7f: {  	v7 =	vmctz.xlane vm0  }
0x80: {  	(xrf0) =	vmax.scan.msk.u32 $0xffff, v8  }
0x81: {  	v7 =	vxor.u32 $0x80000000, v7  }
0x82: {  	p2 =	sne.s32 s29, $0x1;
	v8, _, _ =	vpop (xrf0);
	(xrf0) =	vmax.scan.msk.u32 $0xffff, v7  }
.Ltmp6:
0x83: {  	_ = 	snop;
	(pc) =	sbr.rel @!p2 .LBB2_6-.Ltmp6, $4  }
0x84: {  	_ = 	snop  }
0x85: {  	s30 =	sadd.s32 s28, s30  }
0x86: {  	s30 =	sshll.u32 s30, $0x5;
	(v2sf) =	vpush v8, $0xF;
	v8, _, _ =	vpop (xrf0)  }
0x87: {  	p0 =	por $0x1, $0x1;
	s31 =	sadd.s32 $0xFFFFFFFF, s29;
	s29 =	sor.u32 $0x10, s30;
	(v2sf) =	vpush v8, $0xF  }
0x88: {  	v7, _, _ =	vpop (xrf0)  }
0x89: {  	(v2sf) =	vpush v7, $0xF;
	_ =	sdelay $0xc  }
0x8a: {  	s0 =	spop (v2sf)  }
0x8b: {  	s2 =	spop (v2sf)  }
0x8c: {  	s0 =	ssub.s32 s0, s6;
	s16 =	spop (v2sf)  }
0x8d: {  	v7 =	vor.u32 s30, v3;
	s30 =	sxor.u32 $0x80000000, s2;
	v8 =	vmov s0;
	s0 =	sxor.u32 $0x80000000, s16  }
0x8e: {  	v9 =	vadd.s32 s30, v3;
	v11 =	vmov s0  }
0x8f: {  	v10 =	vshll.u32 v8, $0xC;
	v8 =	vshll.u32 v8, $0x7;
	vm0 =	veq.s32 v11, v3  }
0x90: {  	v12 =	vshll.u32 v9, $0x3;
	v10 =	vand.u32 $0xFFFF8000, v10;
	v59 =	vnsel vm0, $0x80000000, v4  }
0x91: {  	v13 =	vand.u32 $0x7F, v9;
	vm1 =	vlt.u32 v9, $0x1000;
	v11 =	vand.u32 $0xFFFFFC00, v12;
	(xrf0) =	vmax.scan.msk.u32 $0xffff, v59  }
0x92: {  	v8 =	vand.u32 $0x380, v8;
	v11 =	vadd.s32 v11, v10;
	v6 =	vsel vm0, $0x0, v6  }
0x93: {  	v14 =	vnsel vm0, $0x80000000, v5;
	v9 =	vor.u32 v13, v11;
	vm0 =	vne.s32 v6, $0x0  }
0x94: {  	v7 =	vld.idx.msk [tilespmem:v7+s18+$0x0], $0xffff;
	s2 =	sadd.s32 $0x80000010, s2;
	(xrf0) =	vmax.scan.msk.u32 $0xffff, v14;
	v9 =	vor.u32 v8, v9;
	v62 =	vmctz.xlane vm0  }
0x95: {  	v60 =	vadd.s32 s2, v3;
	v11 =	vor.u32 s29, v3  }
0x96: {  	v61 =	vshll.u32 v60, $0x3;
	v14 =	vxor.u32 $0x80000000, v62  }
0x97: {  	p2 =	sne.s32 s31, $0x1;
	v13 =	vand.u32 $0xFFFFFC00, v61;
	v63, _, _ =	vpop (xrf0);
	(xrf0) =	vmax.scan.msk.u32 $0xffff, v14  }
.Ltmp7:
0x98: {  	v15 =	vand.u32 $0x7F, v60;
	v10 =	vadd.s32 v13, v10;
	(pc) =	sbr.rel @!p2 .LBB2_9-.Ltmp7, $4  }
0x99: {  	vm0 =	vlt.u32 v60, $0x1000;
	v10 =	vor.u32 v15, v10;
	[tilespmem:v9+s1+$0x0] =	vst.idx.msk vm1, v7  }
0x9a: {  	s16 =	sadd.s32 s28, s16;
	v7 =	vor.u32 v8, v10;
	(v2sf) =	vpush v63, $0xF;
	v9, _, _ =	vpop (xrf0);
	v8 =	vld.idx.msk [tilespmem:v11+s18+$0x0], $0xffff  }
0x9b: {  	s30 =	sshll.u32 s16, $0x5;
	(v2sf) =	vpush v9, $0xF  }
0x9c: {  	s31 =	sadd.s32 $0xFFFFFFFF, s31;
	p1 =	por $0x1, $0x1;
	s29 =	sor.u32 $0x10, s30  }
.LBB2_8:
0x9d: {  	p2 =	sne.s32 s31, $0x1;
	s31 =	sadd.s32 $0xFFFFFFFF, s31;
	v9, _, _ =	vpop (xrf0)  }
0x9e: {  	(v2sf) =	vpush v9, $0xF  }
0x9f: {  	[tilespmem:v7+s1+$0x0] =	vst.idx.msk vm0, v8;
	_ =	sdelay $0x9  }
0xa0: {  	s0 =	spop (v2sf)  }
0xa1: {  	v7 =	vor.u32 s30, v3;
	s0 =	ssub.s32 s0, s6;
	s2 =	spop (v2sf)  }
0xa2: {  	v9 =	vor.u32 s29, v3;
	s16 =	sxor.u32 $0x80000000, s2;
	v8 =	vmov s0;
	s0 =	sadd.s32 $0x80000010, s2  }
0xa3: {  	v10 =	vadd.s32 s16, v3;
	v11 =	vshll.u32 v8, $0xC;
	v8 =	vshll.u32 v8, $0x7  }
0xa4: {  	v13 =	vadd.s32 s0, v3;
	s2 =	spop (v2sf);
	v11 =	vand.u32 $0xFFFF8000, v11;
	v12 =	vshll.u32 v10, $0x3  }
0xa5: {  	v14 =	vand.u32 $0x7F, v10;
	v15 =	vshll.u32 v13, $0x3;
	s0 =	sxor.u32 $0x80000000, s2;
	s2 =	sadd.s32 s28, s2;
	v12 =	vand.u32 $0xFFFFFC00, v12  }
0xa6: {  	vm1 =	vlt.u32 v10, $0x1000;
	v16 =	vmov s0;
	s30 =	sshll.u32 s2, $0x5;
	v17 =	vld.idx.msk [tilespmem:v7+s18+$0x0], $0xffff;
	v7 =	vadd.s32 v12, v11  }
0xa7: {  	v8 =	vand.u32 $0x380, v8;
	vm0 =	veq.s32 v16, v3;
	s29 =	sor.u32 $0x10, s30;
	v7 =	vor.u32 v14, v7  }
0xa8: {  	v10 =	vnsel vm0, $0x80000000, v4;
	v12 =	vnsel vm0, $0x80000000, v5;
	v6 =	vsel vm0, $0x0, v6  }
0xa9: {  	vm0 =	vne.s32 v6, $0x0;
	(xrf0) =	vmax.scan.msk.u32 $0xffff, v10;
	v10 =	vor.u32 v8, v7;
	v7 =	vand.u32 $0xFFFFFC00, v15  }
0xaa: {  	v14 =	vmctz.xlane vm0;
	(xrf0) =	vmax.scan.msk.u32 $0xffff, v12;
	v12 =	vand.u32 $0x7F, v13;
	v7 =	vadd.s32 v7, v11  }
0xab: {  	v7 =	vor.u32 v12, v7  }
0xac: {  	v11 =	vxor.u32 $0x80000000, v14;
	v7 =	vor.u32 v8, v7  }
.Ltmp8:
0xad: {  	vm0 =	vlt.u32 v13, $0x1000;
	(xrf0) =	vmax.scan.msk.u32 $0xffff, v11;
	(pc) =	sbr.rel @p2 .LBB2_8-.Ltmp8, $4  }
0xae: {  	[tilespmem:v10+s1+$0x0] =	vst.idx.msk vm1, v17  }
0xaf: {  	v10, _, _ =	vpop (xrf0);
	v8 =	vld.idx.msk [tilespmem:v9+s18+$0x0], $0xffff  }
0xb0: {  	(v2sf) =	vpush v10, $0xF;
	v9, _, _ =	vpop (xrf0)  }
0xb1: {  	(v2sf) =	vpush v9, $0xF  }
.Ltmp9:
0xb2: {  	_ = 	snop;
	(pc) =	sbr.rel .LBB2_9-.Ltmp9, $1  }
0xb3: {  	_ =	sdelay $0x3  }
.LBB2_6:
.Ltmp10:
0xb4: {  	(pc) =	sbr.rel .LBB2_9-.Ltmp10, $2  }
0xb5: {  	_ =	sdelay $0x2  }
0xb6: {  	_ = 	snop  }
.LBB2_11:
0xb7: {  	s26 =	simm.s32 $0x0  }
0xb8: {  	[hbm4b:s9+s26] =	stream.linear.scatter [tilespmem:s26], [sflag:$0x3], $0x8000, $0x38;
	[tilespmem:$0x11100] =	vst v63  }
0xb9: {  	_ =	swait.ge [sflag:s22], $0x8000  }
0xba: {  	[sflag:s22] =	ssyncset.done $0x0  }
.Ltmp11:
0xbb: {  	[sflag:s22] =	ssyncadd.s32 $0xFFFF8000;
	(pc) =	sbr.rel .LBB2_12-.Ltmp11, $4  }
0xbc: {  	[tilespmem:s26], [sflag:$0x1] =	stream.linear.gather [hbm4b:s10+s26], $0x8000, $0x38;
	[tilespmem:$0x11100] =	vst v63  }
0xbd: {  	_ =	swait.ge [sflag:s23], $0x8000  }
0xbe: {  	[sflag:s23] =	ssyncset.done $0x0  }
0xbf: {  	[sflag:s23] =	ssyncadd.s32 $0xFFFF8000  }
.LBB2_14:
0xc0: {  	_ = 	snop  }
.LBB2_19:
0xc1: {  	v6, _, _ =	vpop (xrf0)  }
0xc2: {  	(v2sf) =	vpush v6, $0xF;
	_ =	sdelay $0xc  }
0xc3: {  	s0 =	spop @p0 (v2sf)  }
0xc4: {  	s2 =	spop @p0 (v2sf)  }
0xc5: {  	s16 =	spop (v2sf)  }
0xc6: {  	s31 =	sxor.u32 $0x80000000, s16  }
0xc7: {  	v53 =	vmov s31  }
0xc8: {  	vm1 =	veq.s32 v53, v3  }
0xc9: {  	v4 =	vnsel vm1, $0x80000000, v4  }
0xca: {  	v5 =	vnsel vm1, $0x80000000, v5;
	(xrf0) =	vmax.scan.msk.u32 $0xffff, v4  }
0xcb: {  	(xrf0) =	vmax.scan.msk.u32 $0xffff, v5;
	_ =	sdelay $0x4  }
0xcc: {  	v4, _, _ =	vpop (xrf0)  }
0xcd: {  	(v2sf) =	vpush v4, $0xF;
	v4, _, _ =	vpop (xrf0)  }
0xce: {  	(v2sf) =	vpush v4, $0xF;
	_ =	sdelay $0x1  }
0xcf: {  	s0 =	ssub.s32 @p0 s0, s6;
	s31 =	sadd.s32 @p0 $0x7FFFF000, s2  }
0xd0: {  	v6 =	vadd.s32 @p0 s31, v3;
	v5 =	vmov @p0 s0;
	v4 =	vor.u32 @p0 s30, v3  }
0xd1: {  	v10 =	vshll.u32 @p0 v6, $0x3;
	v9 =	vshll.u32 @p0 v5, $0xC  }
0xd2: {  	v10 =	vand.u32 @p0 $0xFFFFFC00, v10;
	v9 =	vand.u32 @p0 $0xFFFF8000, v9  }
0xd3: {  	v11 =	vand.u32 @p0 $0x7F, v6;
	v5 =	vshll.u32 @p0 v5, $0x7;
	v10 =	vadd.s32 @p0 v10, v9  }
0xd4: {  	[tilespmem:v7+s19+$0x0] =	vst.idx.msk @p1 vm0, v8;
	vm0 =	vlt.u32 @p0 v6, $0x1000;
	v5 =	vand.u32 @p0 $0x380, v5;
	v6 =	vor.u32 @p0 v11, v10  }
0xd5: {  	v6 =	vor.u32 @p0 v5, v6;
	v4 =	vld.idx.msk @p0 [tilespmem:v4+s18+$0x0], $0xffff  }
0xd6: {  	v7 =	vor.u32 @p0 s29, v3;
	s0 =	sadd.s32 @p0 $0x7FFFF010, s2  }
0xd7: {  	v8 =	vadd.s32 @p0 s0, v3  }
0xd8: {  	v10 =	vshll.u32 @p0 v8, $0x3  }
0xd9: {  	v10 =	vand.u32 @p0 $0xFFFFFC00, v10  }
0xda: {  	v11 =	vand.u32 @p0 $0x7F, v8;
	v9 =	vadd.s32 @p0 v10, v9;
	[tilespmem:v6+s19+$0x0] =	vst.idx.msk @p0 vm0, v4  }
0xdb: {  	v4 =	vor.u32 @p0 v11, v9;
	vm0 =	vlt.u32 @p0 v8, $0x1000;
	v6 =	vld.idx.msk @p0 [tilespmem:v7+s18+$0x0], $0xffff;
	s29 =	spop (v2sf)  }
0xdc: {  	s30 =	sadd.s32 s28, s16;
	v4 =	vor.u32 @p0 v5, v4;
	vm0 =	vmmov @p0 vm0;
	s31 =	spop (v2sf)  }
0xdd: {  	s2 =	sshll.u32 s30, $0x5;
	v4 =	vpsel p0, v4, v0;
	s0 =	ssub.s32 s29, s6;
	s29 =	sadd.s32 $0x7FFFF000, s31  }
0xde: {  	v5 =	vor.u32 s2, v3;
	v54 =	vmov s0;
	v55 =	vadd.s32 s29, v3  }
0xdf: {  	v56 =	vshll.u32 v54, $0xC;
	v57 =	vshll.u32 v55, $0x3  }
0xe0: {  	v6 =	vpsel p0, v6, v0;
	v9 =	vand.u32 $0xFFFF8000, v56;
	v10 =	vand.u32 $0xFFFFFC00, v57  }
0xe1: {  	v7 =	vshll.u32 v54, $0x7;
	v58 =	vand.u32 $0x7F, v55;
	v10 =	vadd.s32 v10, v9  }
0xe2: {  	[tilespmem:v4+s19+$0x0] =	vst.idx.msk @p0 vm0, v6;
	vm14 =	vlt.u32 v55, $0x1000;
	v4 =	vand.u32 $0x380, v7;
	v59 =	vor.u32 v58, v10  }
0xe3: {  	s30 =	sor.u32 $0x10, s2;
	s31 =	sadd.s32 $0x7FFFF010, s31;
	v5 =	vld.idx.msk [tilespmem:v5+s18+$0x0], $0xffff;
	v6 =	vor.u32 v4, v59  }
0xe4: {  	v60 =	vor.u32 s30, v3;
	v61 =	vadd.s32 s31, v3  }
0xe5: {  	v62 =	vshll.u32 v61, $0x3  }
0xe6: {  	v10 =	vand.u32 $0xFFFFFC00, v62  }
0xe7: {  	v63 =	vand.u32 $0x7F, v61;
	v9 =	vadd.s32 v10, v9  }
0xe8: {  	vm15 =	vlt.u32 v61, $0x1000;
	v9 =	vor.u32 v63, v9;
	[tilespmem:v6+s19+$0x0] =	vst.idx.msk vm14, v5  }
0xe9: {  	v4 =	vor.u32 v4, v9;
	v5 =	vld.idx.msk [tilespmem:v60+s18+$0x0], $0xffff;
	_ =	sdelay $0x4  }
0xea: {  	[tilespmem:v4+s19+$0x0] =	vst.idx.msk vm15, v5  }
.LBB2_20:
0xeb: {  	s26 =	sadd.s32 $0x1, s26  }
0xec: {  	p0 =	sne.s32 s26, $0x8  }
.Ltmp12:
0xed: {  	_ = 	snop;
	(pc) =	sbr.rel @!p0 .LBB2_21-.Ltmp12, $1  }
0xee: {  	_ =	sdelay $0x3  }
.LBB2_12:
0xef: {  	s28 =	sshll.u32 s26, $0x4  }
0xf0: {  	v4 =	vld [tilespmem:s28+$0x10000]  }
0xf1: {  	v5 =	vld [tilespmem:s28+$0x10080];
	_ =	sdelay $0x4  }
0xf2: {  	vm0 =	vge.s32 v4, v0;
	vm1 =	vlt.s32 v4, v1;
	v6 =	vadd.s32 $0xFFFFF01F, v5  }
0xf3: {  	vm0 =	vmand vm0, vm1;
	vm1 =	vlt.u32 v6, $0x101F  }
0xf4: {  	vm0 =	vmand vm0, vm1  }
0xf5: {  	v6 =	vmpcnt.ones.xlane vm0;
	_ =	sdelay $0x1  }
0xf6: {  	v6 =	vxor.u32 $0x80000000, v6  }
0xf7: {  	(xrf0) =	vmax.scan.msk.u32 $0xffff, v6;
	_ =	sdelay $0x5  }
0xf8: {  	v6, _, _ =	vpop (xrf0)  }
0xf9: {  	(v2sf) =	vpush v6, $0xF;
	_ =	sdelay $0xe  }
0xfa: {  	s0 =	spop (v2sf)  }
0xfb: {  	s29 =	sxor.u32 $0x80000000, s0  }
0xfc: {  	p0 =	slt.s32 s29, $0x1  }
.Ltmp13:
0xfd: {  	_ = 	snop;
	(pc) =	sbr.rel @p0 .LBB2_20-.Ltmp13, $1  }
0xfe: {  	_ =	sdelay $0x3  }
0xff: {  	v6 =	vsel vm0, $0x1, v2  }
0x100: {  	vm0 =	vne.s32 v6, $0x0  }
0x101: {  	v7 =	vmctz.xlane vm0;
	_ =	sdelay $0x1  }
0x102: {  	v7 =	vxor.u32 $0x80000000, v7  }
0x103: {  	p2 =	sne.s32 s29, $0x1;
	(xrf0) =	vmax.scan.msk.u32 $0xffff, v7  }
.Ltmp14:
0x104: {  	_ = 	snop;
	(pc) =	sbr.rel @!p2 .LBB2_14-.Ltmp14, $2  }
0x105: {  	_ =	sdelay $0x2  }
0x106: {  	v4 =	vxor.u32 $0x80000000, v4;
	v5 =	vxor.u32 $0x80000000, v5;
	s29 =	sadd.s32 $0xFFFFFFFF, s29;
	p0 =	por $0x0, $0x0;
	p1 =	por $0x0, $0x0  }
0x107: {  	v7, _, _ =	vpop (xrf0)  }
0x108: {  	(v2sf) =	vpush v7, $0xF;
	_ =	sdelay $0xe  }
0x109: {  	s0 =	spop (v2sf)  }
0x10a: {  	s2 =	sxor.u32 $0x80000000, s0  }
0x10b: {  	v7 =	vmov s2  }
0x10c: {  	vm0 =	veq.s32 v7, v3  }
0x10d: {  	v7 =	vnsel vm0, $0x80000000, v4  }
0x10e: {  	(xrf0) =	vmax.scan.msk.u32 $0xffff, v7  }
0x10f: {  	v6 =	vsel vm0, $0x0, v6  }
0x110: {  	v8 =	vnsel vm0, $0x80000000, v5;
	vm0 =	vne.s32 v6, $0x0  }
0x111: {  	v7 =	vmctz.xlane vm0  }
0x112: {  	(xrf0) =	vmax.scan.msk.u32 $0xffff, v8  }
0x113: {  	v7 =	vxor.u32 $0x80000000, v7  }
0x114: {  	p2 =	sne.s32 s29, $0x1;
	v8, _, _ =	vpop (xrf0);
	(xrf0) =	vmax.scan.msk.u32 $0xffff, v7  }
.Ltmp15:
0x115: {  	_ = 	snop;
	(pc) =	sbr.rel @!p2 .LBB2_16-.Ltmp15, $4  }
0x116: {  	_ = 	snop  }
0x117: {  	s0 =	sadd.s32 s28, s0  }
0x118: {  	s30 =	sshll.u32 s0, $0x5;
	(v2sf) =	vpush v8, $0xF;
	v8, _, _ =	vpop (xrf0)  }
0x119: {  	s31 =	sadd.s32 $0xFFFFFFFF, s29;
	p0 =	por $0x1, $0x1;
	s29 =	sor.u32 $0x10, s30;
	(v2sf) =	vpush v8, $0xF  }
0x11a: {  	v7, _, _ =	vpop (xrf0)  }
0x11b: {  	(v2sf) =	vpush v7, $0xF;
	_ =	sdelay $0xc  }
0x11c: {  	s0 =	spop (v2sf)  }
0x11d: {  	s2 =	spop (v2sf)  }
0x11e: {  	s0 =	ssub.s32 s0, s6;
	s16 =	spop (v2sf)  }
0x11f: {  	v7 =	vor.u32 s30, v3;
	v8 =	vmov s0;
	s0 =	sadd.s32 $0x7FFFF000, s2;
	s30 =	sxor.u32 $0x80000000, s16  }
0x120: {  	v9 =	vadd.s32 s0, v3;
	v10 =	vmov s30  }
0x121: {  	v11 =	vshll.u32 v8, $0xC;
	v8 =	vshll.u32 v8, $0x7;
	vm0 =	veq.s32 v10, v3  }
0x122: {  	v12 =	vshll.u32 v9, $0x3;
	v13 =	vand.u32 $0x7F, v9;
	v59 =	vnsel vm0, $0x80000000, v4  }
0x123: {  	vm1 =	vlt.u32 v9, $0x1000;
	v10 =	vand.u32 $0xFFFF8000, v11;
	v11 =	vand.u32 $0xFFFFFC00, v12;
	(xrf0) =	vmax.scan.msk.u32 $0xffff, v59  }
0x124: {  	v8 =	vand.u32 $0x380, v8;
	v11 =	vadd.s32 v11, v10;
	v6 =	vsel vm0, $0x0, v6  }
0x125: {  	v14 =	vnsel vm0, $0x80000000, v5;
	v9 =	vor.u32 v13, v11;
	vm0 =	vne.s32 v6, $0x0  }
0x126: {  	v7 =	vld.idx.msk [tilespmem:v7+s18+$0x0], $0xffff;
	s2 =	sadd.s32 $0x7FFFF010, s2;
	(xrf0) =	vmax.scan.msk.u32 $0xffff, v14;
	v9 =	vor.u32 v8, v9;
	v62 =	vmctz.xlane vm0  }
0x127: {  	v60 =	vadd.s32 s2, v3;
	v11 =	vor.u32 s29, v3  }
0x128: {  	v61 =	vshll.u32 v60, $0x3;
	v14 =	vxor.u32 $0x80000000, v62  }
0x129: {  	p2 =	sne.s32 s31, $0x1;
	v13 =	vand.u32 $0xFFFFFC00, v61;
	v63, _, _ =	vpop (xrf0);
	(xrf0) =	vmax.scan.msk.u32 $0xffff, v14  }
.Ltmp16:
0x12a: {  	v15 =	vand.u32 $0x7F, v60;
	v10 =	vadd.s32 v13, v10;
	(pc) =	sbr.rel @!p2 .LBB2_19-.Ltmp16, $4  }
0x12b: {  	vm0 =	vlt.u32 v60, $0x1000;
	v10 =	vor.u32 v15, v10;
	[tilespmem:v9+s19+$0x0] =	vst.idx.msk vm1, v7  }
0x12c: {  	s16 =	sadd.s32 s28, s16;
	v7 =	vor.u32 v8, v10;
	(v2sf) =	vpush v63, $0xF;
	v9, _, _ =	vpop (xrf0);
	v8 =	vld.idx.msk [tilespmem:v11+s18+$0x0], $0xffff  }
0x12d: {  	s30 =	sshll.u32 s16, $0x5;
	(v2sf) =	vpush v9, $0xF  }
0x12e: {  	s31 =	sadd.s32 $0xFFFFFFFF, s31;
	p1 =	por $0x1, $0x1;
	s29 =	sor.u32 $0x10, s30  }
.LBB2_18:
0x12f: {  	p2 =	sne.s32 s31, $0x1;
	s31 =	sadd.s32 $0xFFFFFFFF, s31;
	v9, _, _ =	vpop (xrf0)  }
0x130: {  	(v2sf) =	vpush v9, $0xF  }
0x131: {  	[tilespmem:v7+s19+$0x0] =	vst.idx.msk vm0, v8;
	_ =	sdelay $0x9  }
0x132: {  	s0 =	spop (v2sf)  }
0x133: {  	v7 =	vor.u32 s30, v3;
	s0 =	ssub.s32 s0, s6;
	s2 =	spop (v2sf)  }
0x134: {  	v9 =	vor.u32 s29, v3;
	v8 =	vmov s0;
	s0 =	sadd.s32 $0x7FFFF000, s2;
	s2 =	sadd.s32 $0x7FFFF010, s2  }
0x135: {  	v10 =	vadd.s32 s0, v3;
	v11 =	vshll.u32 v8, $0xC;
	v8 =	vshll.u32 v8, $0x7  }
0x136: {  	v13 =	vadd.s32 s2, v3;
	s0 =	spop (v2sf);
	v11 =	vand.u32 $0xFFFF8000, v11;
	v12 =	vshll.u32 v10, $0x3  }
0x137: {  	v14 =	vand.u32 $0x7F, v10;
	v15 =	vshll.u32 v13, $0x3;
	s2 =	sxor.u32 $0x80000000, s0;
	s0 =	sadd.s32 s28, s0;
	v12 =	vand.u32 $0xFFFFFC00, v12  }
0x138: {  	vm1 =	vlt.u32 v10, $0x1000;
	v16 =	vmov s2;
	s30 =	sshll.u32 s0, $0x5;
	v17 =	vld.idx.msk [tilespmem:v7+s18+$0x0], $0xffff;
	v7 =	vadd.s32 v12, v11  }
0x139: {  	v8 =	vand.u32 $0x380, v8;
	vm0 =	veq.s32 v16, v3;
	s29 =	sor.u32 $0x10, s30;
	v7 =	vor.u32 v14, v7  }
0x13a: {  	v10 =	vnsel vm0, $0x80000000, v4;
	v12 =	vnsel vm0, $0x80000000, v5;
	v6 =	vsel vm0, $0x0, v6  }
0x13b: {  	vm0 =	vne.s32 v6, $0x0;
	(xrf0) =	vmax.scan.msk.u32 $0xffff, v10;
	v10 =	vor.u32 v8, v7;
	v7 =	vand.u32 $0xFFFFFC00, v15  }
0x13c: {  	v14 =	vmctz.xlane vm0;
	(xrf0) =	vmax.scan.msk.u32 $0xffff, v12;
	v12 =	vand.u32 $0x7F, v13;
	v7 =	vadd.s32 v7, v11  }
0x13d: {  	v7 =	vor.u32 v12, v7  }
0x13e: {  	v11 =	vxor.u32 $0x80000000, v14;
	v7 =	vor.u32 v8, v7  }
.Ltmp17:
0x13f: {  	vm0 =	vlt.u32 v13, $0x1000;
	(xrf0) =	vmax.scan.msk.u32 $0xffff, v11;
	(pc) =	sbr.rel @p2 .LBB2_18-.Ltmp17, $4  }
0x140: {  	[tilespmem:v10+s19+$0x0] =	vst.idx.msk vm1, v17  }
0x141: {  	v10, _, _ =	vpop (xrf0);
	v8 =	vld.idx.msk [tilespmem:v9+s18+$0x0], $0xffff  }
0x142: {  	(v2sf) =	vpush v10, $0xF;
	v9, _, _ =	vpop (xrf0)  }
0x143: {  	(v2sf) =	vpush v9, $0xF  }
.Ltmp18:
0x144: {  	_ = 	snop;
	(pc) =	sbr.rel .LBB2_19-.Ltmp18, $1  }
0x145: {  	_ =	sdelay $0x3  }
.LBB2_16:
.Ltmp19:
0x146: {  	(pc) =	sbr.rel .LBB2_19-.Ltmp19, $2  }
0x147: {  	_ =	sdelay $0x2  }
0x148: {  	_ = 	snop  }
.LBB2_21:
0x149: {  	s26 =	simm.s32 $0x0  }
0x14a: {  	[hbm4b:s11+s26] =	stream.linear.scatter [tilespmem:s19], [sflag:$0x4], $0x8000, $0x38;
	[tilespmem:$0x11100] =	vst v63  }
0x14b: {  	_ =	swait.ge [sflag:s24], $0x8000  }
0x14c: {  	[sflag:s24] =	ssyncset.done $0x0  }
.Ltmp20:
0x14d: {  	[sflag:s24] =	ssyncadd.s32 $0xFFFF8000;
	(pc) =	sbr.rel .LBB2_22-.Ltmp20, $4  }
0x14e: {  	[tilespmem:s19], [sflag:$0x2] =	stream.linear.gather [hbm4b:s12+s26], $0x8000, $0x38;
	[tilespmem:$0x11100] =	vst v63  }
0x14f: {  	_ =	swait.ge [sflag:s21], $0x8000  }
0x150: {  	[sflag:s21] =	ssyncset.done $0x0  }
0x151: {  	[sflag:s21] =	ssyncadd.s32 $0xFFFF8000  }
.LBB2_24:
0x152: {  	_ = 	snop  }
.LBB2_29:
0x153: {  	v6, _, _ =	vpop (xrf0)  }
0x154: {  	(v2sf) =	vpush v6, $0xF;
	_ =	sdelay $0xc  }
0x155: {  	s0 =	spop @p0 (v2sf)  }
0x156: {  	s2 =	spop @p0 (v2sf)  }
0x157: {  	s16 =	spop (v2sf)  }
0x158: {  	s31 =	sxor.u32 $0x80000000, s16  }
0x159: {  	v53 =	vmov s31  }
0x15a: {  	vm1 =	veq.s32 v53, v3  }
0x15b: {  	v4 =	vnsel vm1, $0x80000000, v4  }
0x15c: {  	v5 =	vnsel vm1, $0x80000000, v5;
	(xrf0) =	vmax.scan.msk.u32 $0xffff, v4  }
0x15d: {  	(xrf0) =	vmax.scan.msk.u32 $0xffff, v5;
	_ =	sdelay $0x4  }
0x15e: {  	v4, _, _ =	vpop (xrf0)  }
0x15f: {  	(v2sf) =	vpush v4, $0xF;
	v4, _, _ =	vpop (xrf0)  }
0x160: {  	(v2sf) =	vpush v4, $0xF;
	_ =	sdelay $0x1  }
0x161: {  	s0 =	ssub.s32 @p0 s0, s6;
	s31 =	sadd.s32 @p0 $0x7FFFE000, s2  }
0x162: {  	v6 =	vadd.s32 @p0 s31, v3;
	v5 =	vmov @p0 s0;
	v4 =	vor.u32 @p0 s30, v3  }
0x163: {  	v10 =	vshll.u32 @p0 v6, $0x3;
	v9 =	vshll.u32 @p0 v5, $0xC  }
0x164: {  	v10 =	vand.u32 @p0 $0xFFFFFC00, v10;
	v9 =	vand.u32 @p0 $0xFFFF8000, v9  }
0x165: {  	v11 =	vand.u32 @p0 $0x7F, v6;
	v5 =	vshll.u32 @p0 v5, $0x7;
	v10 =	vadd.s32 @p0 v10, v9  }
0x166: {  	[tilespmem:v7+s1+$0x0] =	vst.idx.msk @p1 vm0, v8;
	vm0 =	vlt.u32 @p0 v6, $0x1000;
	v5 =	vand.u32 @p0 $0x380, v5;
	v6 =	vor.u32 @p0 v11, v10  }
0x167: {  	v6 =	vor.u32 @p0 v5, v6;
	v4 =	vld.idx.msk @p0 [tilespmem:v4+s18+$0x0], $0xffff  }
0x168: {  	v7 =	vor.u32 @p0 s29, v3;
	s0 =	sadd.s32 @p0 $0x7FFFE010, s2  }
0x169: {  	v8 =	vadd.s32 @p0 s0, v3  }
0x16a: {  	v10 =	vshll.u32 @p0 v8, $0x3  }
0x16b: {  	v10 =	vand.u32 @p0 $0xFFFFFC00, v10  }
0x16c: {  	v11 =	vand.u32 @p0 $0x7F, v8;
	v9 =	vadd.s32 @p0 v10, v9;
	[tilespmem:v6+s1+$0x0] =	vst.idx.msk @p0 vm0, v4  }
0x16d: {  	v4 =	vor.u32 @p0 v11, v9;
	vm0 =	vlt.u32 @p0 v8, $0x1000;
	v6 =	vld.idx.msk @p0 [tilespmem:v7+s18+$0x0], $0xffff;
	s29 =	spop (v2sf)  }
0x16e: {  	s30 =	sadd.s32 s28, s16;
	v4 =	vor.u32 @p0 v5, v4;
	vm0 =	vmmov @p0 vm0;
	s31 =	spop (v2sf)  }
0x16f: {  	s2 =	sshll.u32 s30, $0x5;
	v4 =	vpsel p0, v4, v0;
	s0 =	ssub.s32 s29, s6;
	s29 =	sadd.s32 $0x7FFFE000, s31  }
0x170: {  	v5 =	vor.u32 s2, v3;
	v54 =	vmov s0;
	v55 =	vadd.s32 s29, v3  }
0x171: {  	v56 =	vshll.u32 v54, $0xC;
	v57 =	vshll.u32 v55, $0x3  }
0x172: {  	v6 =	vpsel p0, v6, v0;
	v9 =	vand.u32 $0xFFFF8000, v56;
	v10 =	vand.u32 $0xFFFFFC00, v57  }
0x173: {  	v7 =	vshll.u32 v54, $0x7;
	v58 =	vand.u32 $0x7F, v55;
	v10 =	vadd.s32 v10, v9  }
0x174: {  	[tilespmem:v4+s1+$0x0] =	vst.idx.msk @p0 vm0, v6;
	vm14 =	vlt.u32 v55, $0x1000;
	v4 =	vand.u32 $0x380, v7;
	v59 =	vor.u32 v58, v10  }
0x175: {  	s30 =	sor.u32 $0x10, s2;
	s31 =	sadd.s32 $0x7FFFE010, s31;
	v5 =	vld.idx.msk [tilespmem:v5+s18+$0x0], $0xffff;
	v6 =	vor.u32 v4, v59  }
0x176: {  	v60 =	vor.u32 s30, v3;
	v61 =	vadd.s32 s31, v3  }
0x177: {  	v62 =	vshll.u32 v61, $0x3  }
0x178: {  	v10 =	vand.u32 $0xFFFFFC00, v62  }
0x179: {  	v63 =	vand.u32 $0x7F, v61;
	v9 =	vadd.s32 v10, v9  }
0x17a: {  	vm15 =	vlt.u32 v61, $0x1000;
	v9 =	vor.u32 v63, v9;
	[tilespmem:v6+s1+$0x0] =	vst.idx.msk vm14, v5  }
0x17b: {  	v4 =	vor.u32 v4, v9;
	v5 =	vld.idx.msk [tilespmem:v60+s18+$0x0], $0xffff;
	_ =	sdelay $0x4  }
0x17c: {  	[tilespmem:v4+s1+$0x0] =	vst.idx.msk vm15, v5  }
.LBB2_30:
0x17d: {  	s26 =	sadd.s32 $0x1, s26  }
0x17e: {  	p0 =	sne.s32 s26, $0x8  }
.Ltmp21:
0x17f: {  	_ = 	snop;
	(pc) =	sbr.rel @!p0 .LBB2_31-.Ltmp21, $1  }
0x180: {  	_ =	sdelay $0x3  }
.LBB2_22:
0x181: {  	s28 =	sshll.u32 s26, $0x4  }
0x182: {  	v4 =	vld [tilespmem:s28+$0x10000]  }
0x183: {  	v5 =	vld [tilespmem:s28+$0x10080];
	_ =	sdelay $0x4  }
0x184: {  	vm0 =	vge.s32 v4, v0;
	vm1 =	vlt.s32 v4, v1;
	v6 =	vadd.s32 $0xFFFFE01F, v5  }
0x185: {  	vm0 =	vmand vm0, vm1;
	vm1 =	vlt.u32 v6, $0x101F  }
0x186: {  	vm0 =	vmand vm0, vm1  }
0x187: {  	v6 =	vmpcnt.ones.xlane vm0;
	_ =	sdelay $0x1  }
0x188: {  	v6 =	vxor.u32 $0x80000000, v6  }
0x189: {  	(xrf0) =	vmax.scan.msk.u32 $0xffff, v6;
	_ =	sdelay $0x5  }
0x18a: {  	v6, _, _ =	vpop (xrf0)  }
0x18b: {  	(v2sf) =	vpush v6, $0xF;
	_ =	sdelay $0xe  }
0x18c: {  	s0 =	spop (v2sf)  }
0x18d: {  	s29 =	sxor.u32 $0x80000000, s0  }
0x18e: {  	p0 =	slt.s32 s29, $0x1  }
.Ltmp22:
0x18f: {  	_ = 	snop;
	(pc) =	sbr.rel @p0 .LBB2_30-.Ltmp22, $1  }
0x190: {  	_ =	sdelay $0x3  }
0x191: {  	v6 =	vsel vm0, $0x1, v2  }
0x192: {  	vm0 =	vne.s32 v6, $0x0  }
0x193: {  	v7 =	vmctz.xlane vm0;
	_ =	sdelay $0x1  }
0x194: {  	v7 =	vxor.u32 $0x80000000, v7  }
0x195: {  	p2 =	sne.s32 s29, $0x1;
	(xrf0) =	vmax.scan.msk.u32 $0xffff, v7  }
.Ltmp23:
0x196: {  	_ = 	snop;
	(pc) =	sbr.rel @!p2 .LBB2_24-.Ltmp23, $2  }
0x197: {  	_ =	sdelay $0x2  }
0x198: {  	v4 =	vxor.u32 $0x80000000, v4;
	v5 =	vxor.u32 $0x80000000, v5;
	s29 =	sadd.s32 $0xFFFFFFFF, s29;
	p0 =	por $0x0, $0x0;
	p1 =	por $0x0, $0x0  }
0x199: {  	v7, _, _ =	vpop (xrf0)  }
0x19a: {  	(v2sf) =	vpush v7, $0xF;
	_ =	sdelay $0xe  }
0x19b: {  	s0 =	spop (v2sf)  }
0x19c: {  	s2 =	sxor.u32 $0x80000000, s0  }
0x19d: {  	v7 =	vmov s2  }
0x19e: {  	vm0 =	veq.s32 v7, v3  }
0x19f: {  	v7 =	vnsel vm0, $0x80000000, v4  }
0x1a0: {  	(xrf0) =	vmax.scan.msk.u32 $0xffff, v7  }
0x1a1: {  	v6 =	vsel vm0, $0x0, v6  }
0x1a2: {  	v8 =	vnsel vm0, $0x80000000, v5;
	vm0 =	vne.s32 v6, $0x0  }
0x1a3: {  	v7 =	vmctz.xlane vm0  }
0x1a4: {  	(xrf0) =	vmax.scan.msk.u32 $0xffff, v8  }
0x1a5: {  	v7 =	vxor.u32 $0x80000000, v7  }
0x1a6: {  	p2 =	sne.s32 s29, $0x1;
	v8, _, _ =	vpop (xrf0);
	(xrf0) =	vmax.scan.msk.u32 $0xffff, v7  }
.Ltmp24:
0x1a7: {  	_ = 	snop;
	(pc) =	sbr.rel @!p2 .LBB2_26-.Ltmp24, $4  }
0x1a8: {  	_ = 	snop  }
0x1a9: {  	s0 =	sadd.s32 s28, s0  }
0x1aa: {  	s30 =	sshll.u32 s0, $0x5;
	(v2sf) =	vpush v8, $0xF;
	v8, _, _ =	vpop (xrf0)  }
0x1ab: {  	s31 =	sadd.s32 $0xFFFFFFFF, s29;
	p0 =	por $0x1, $0x1;
	s29 =	sor.u32 $0x10, s30;
	(v2sf) =	vpush v8, $0xF  }
0x1ac: {  	v7, _, _ =	vpop (xrf0)  }
0x1ad: {  	(v2sf) =	vpush v7, $0xF;
	_ =	sdelay $0xc  }
0x1ae: {  	s0 =	spop (v2sf)  }
0x1af: {  	s2 =	spop (v2sf)  }
0x1b0: {  	s0 =	ssub.s32 s0, s6;
	s16 =	spop (v2sf)  }
0x1b1: {  	v7 =	vor.u32 s30, v3;
	v8 =	vmov s0;
	s0 =	sadd.s32 $0x7FFFE000, s2;
	s30 =	sxor.u32 $0x80000000, s16  }
0x1b2: {  	v9 =	vadd.s32 s0, v3;
	v10 =	vmov s30  }
0x1b3: {  	v11 =	vshll.u32 v8, $0xC;
	v8 =	vshll.u32 v8, $0x7;
	vm0 =	veq.s32 v10, v3  }
0x1b4: {  	v12 =	vshll.u32 v9, $0x3;
	v13 =	vand.u32 $0x7F, v9;
	v59 =	vnsel vm0, $0x80000000, v4  }
0x1b5: {  	vm1 =	vlt.u32 v9, $0x1000;
	v10 =	vand.u32 $0xFFFF8000, v11;
	v11 =	vand.u32 $0xFFFFFC00, v12;
	(xrf0) =	vmax.scan.msk.u32 $0xffff, v59  }
0x1b6: {  	v8 =	vand.u32 $0x380, v8;
	v11 =	vadd.s32 v11, v10;
	v6 =	vsel vm0, $0x0, v6  }
0x1b7: {  	v14 =	vnsel vm0, $0x80000000, v5;
	v9 =	vor.u32 v13, v11;
	vm0 =	vne.s32 v6, $0x0  }
0x1b8: {  	v7 =	vld.idx.msk [tilespmem:v7+s18+$0x0], $0xffff;
	s2 =	sadd.s32 $0x7FFFE010, s2;
	(xrf0) =	vmax.scan.msk.u32 $0xffff, v14;
	v9 =	vor.u32 v8, v9;
	v62 =	vmctz.xlane vm0  }
0x1b9: {  	v60 =	vadd.s32 s2, v3;
	v11 =	vor.u32 s29, v3  }
0x1ba: {  	v61 =	vshll.u32 v60, $0x3;
	v14 =	vxor.u32 $0x80000000, v62  }
0x1bb: {  	p2 =	sne.s32 s31, $0x1;
	v13 =	vand.u32 $0xFFFFFC00, v61;
	v63, _, _ =	vpop (xrf0);
	(xrf0) =	vmax.scan.msk.u32 $0xffff, v14  }
.Ltmp25:
0x1bc: {  	v15 =	vand.u32 $0x7F, v60;
	v10 =	vadd.s32 v13, v10;
	(pc) =	sbr.rel @!p2 .LBB2_29-.Ltmp25, $4  }
0x1bd: {  	vm0 =	vlt.u32 v60, $0x1000;
	v10 =	vor.u32 v15, v10;
	[tilespmem:v9+s1+$0x0] =	vst.idx.msk vm1, v7  }
0x1be: {  	s16 =	sadd.s32 s28, s16;
	v7 =	vor.u32 v8, v10;
	(v2sf) =	vpush v63, $0xF;
	v9, _, _ =	vpop (xrf0);
	v8 =	vld.idx.msk [tilespmem:v11+s18+$0x0], $0xffff  }
0x1bf: {  	s30 =	sshll.u32 s16, $0x5;
	(v2sf) =	vpush v9, $0xF  }
0x1c0: {  	s31 =	sadd.s32 $0xFFFFFFFF, s31;
	p1 =	por $0x1, $0x1;
	s29 =	sor.u32 $0x10, s30  }
.LBB2_28:
0x1c1: {  	p2 =	sne.s32 s31, $0x1;
	s31 =	sadd.s32 $0xFFFFFFFF, s31;
	v9, _, _ =	vpop (xrf0)  }
0x1c2: {  	(v2sf) =	vpush v9, $0xF  }
0x1c3: {  	[tilespmem:v7+s1+$0x0] =	vst.idx.msk vm0, v8;
	_ =	sdelay $0x9  }
0x1c4: {  	s0 =	spop (v2sf)  }
0x1c5: {  	v7 =	vor.u32 s30, v3;
	s0 =	ssub.s32 s0, s6;
	s2 =	spop (v2sf)  }
0x1c6: {  	v9 =	vor.u32 s29, v3;
	v8 =	vmov s0;
	s0 =	sadd.s32 $0x7FFFE000, s2;
	s2 =	sadd.s32 $0x7FFFE010, s2  }
0x1c7: {  	v10 =	vadd.s32 s0, v3;
	v11 =	vshll.u32 v8, $0xC;
	v8 =	vshll.u32 v8, $0x7  }
0x1c8: {  	v13 =	vadd.s32 s2, v3;
	s0 =	spop (v2sf);
	v11 =	vand.u32 $0xFFFF8000, v11;
	v12 =	vshll.u32 v10, $0x3  }
0x1c9: {  	v14 =	vand.u32 $0x7F, v10;
	v15 =	vshll.u32 v13, $0x3;
	s2 =	sxor.u32 $0x80000000, s0;
	s0 =	sadd.s32 s28, s0;
	v12 =	vand.u32 $0xFFFFFC00, v12  }
0x1ca: {  	vm1 =	vlt.u32 v10, $0x1000;
	v16 =	vmov s2;
	s30 =	sshll.u32 s0, $0x5;
	v17 =	vld.idx.msk [tilespmem:v7+s18+$0x0], $0xffff;
	v7 =	vadd.s32 v12, v11  }
0x1cb: {  	v8 =	vand.u32 $0x380, v8;
	vm0 =	veq.s32 v16, v3;
	s29 =	sor.u32 $0x10, s30;
	v7 =	vor.u32 v14, v7  }
0x1cc: {  	v10 =	vnsel vm0, $0x80000000, v4;
	v12 =	vnsel vm0, $0x80000000, v5;
	v6 =	vsel vm0, $0x0, v6  }
0x1cd: {  	vm0 =	vne.s32 v6, $0x0;
	(xrf0) =	vmax.scan.msk.u32 $0xffff, v10;
	v10 =	vor.u32 v8, v7;
	v7 =	vand.u32 $0xFFFFFC00, v15  }
0x1ce: {  	v14 =	vmctz.xlane vm0;
	(xrf0) =	vmax.scan.msk.u32 $0xffff, v12;
	v12 =	vand.u32 $0x7F, v13;
	v7 =	vadd.s32 v7, v11  }
0x1cf: {  	v7 =	vor.u32 v12, v7  }
0x1d0: {  	v11 =	vxor.u32 $0x80000000, v14;
	v7 =	vor.u32 v8, v7  }
.Ltmp26:
0x1d1: {  	vm0 =	vlt.u32 v13, $0x1000;
	(xrf0) =	vmax.scan.msk.u32 $0xffff, v11;
	(pc) =	sbr.rel @p2 .LBB2_28-.Ltmp26, $4  }
0x1d2: {  	[tilespmem:v10+s1+$0x0] =	vst.idx.msk vm1, v17  }
0x1d3: {  	v10, _, _ =	vpop (xrf0);
	v8 =	vld.idx.msk [tilespmem:v9+s18+$0x0], $0xffff  }
0x1d4: {  	(v2sf) =	vpush v10, $0xF;
	v9, _, _ =	vpop (xrf0)  }
0x1d5: {  	(v2sf) =	vpush v9, $0xF  }
.Ltmp27:
0x1d6: {  	_ = 	snop;
	(pc) =	sbr.rel .LBB2_29-.Ltmp27, $1  }
0x1d7: {  	_ =	sdelay $0x3  }
.LBB2_26:
.Ltmp28:
0x1d8: {  	(pc) =	sbr.rel .LBB2_29-.Ltmp28, $2  }
0x1d9: {  	_ =	sdelay $0x2  }
0x1da: {  	_ = 	snop  }
.LBB2_31:
.Ltmp29:
0x1db: {  	s26 =	simm.s32 $0x0;
	(pc) =	sbr.rel .LBB2_32-.Ltmp29, $4  }
0x1dc: {  	[hbm4b:s13+s26] =	stream.linear.scatter [tilespmem:s26], [sflag:$0x3], $0x8000, $0x38;
	[tilespmem:$0x11100] =	vst v63  }
0x1dd: {  	_ =	swait.ge [sflag:s23], $0x8000  }
0x1de: {  	[sflag:s23] =	ssyncset.done $0x0  }
0x1df: {  	[sflag:s23] =	ssyncadd.s32 $0xFFFF8000  }
.LBB2_34:
0x1e0: {  	_ = 	snop  }
.LBB2_39:
0x1e1: {  	v6, _, _ =	vpop (xrf0)  }
0x1e2: {  	(v2sf) =	vpush v6, $0xF;
	_ =	sdelay $0xc  }
0x1e3: {  	s0 =	spop @p0 (v2sf)  }
0x1e4: {  	s2 =	spop @p0 (v2sf)  }
0x1e5: {  	s16 =	spop (v2sf)  }
0x1e6: {  	s31 =	sxor.u32 $0x80000000, s16  }
0x1e7: {  	v53 =	vmov s31  }
0x1e8: {  	vm1 =	veq.s32 v53, v3  }
0x1e9: {  	v4 =	vnsel vm1, $0x80000000, v4  }
0x1ea: {  	v5 =	vnsel vm1, $0x80000000, v5;
	(xrf0) =	vmax.scan.msk.u32 $0xffff, v4  }
0x1eb: {  	(xrf0) =	vmax.scan.msk.u32 $0xffff, v5;
	_ =	sdelay $0x4  }
0x1ec: {  	v4, _, _ =	vpop (xrf0)  }
0x1ed: {  	(v2sf) =	vpush v4, $0xF;
	v4, _, _ =	vpop (xrf0)  }
0x1ee: {  	(v2sf) =	vpush v4, $0xF;
	_ =	sdelay $0x1  }
0x1ef: {  	s0 =	ssub.s32 @p0 s0, s6;
	s31 =	sadd.s32 @p0 $0x7FFFD000, s2  }
0x1f0: {  	v6 =	vadd.s32 @p0 s31, v3;
	v5 =	vmov @p0 s0;
	v4 =	vor.u32 @p0 s30, v3  }
0x1f1: {  	v10 =	vshll.u32 @p0 v6, $0x3;
	v9 =	vshll.u32 @p0 v5, $0xC  }
0x1f2: {  	v10 =	vand.u32 @p0 $0xFFFFFC00, v10;
	v9 =	vand.u32 @p0 $0xFFFF8000, v9  }
0x1f3: {  	v11 =	vand.u32 @p0 $0x7F, v6;
	v5 =	vshll.u32 @p0 v5, $0x7;
	v10 =	vadd.s32 @p0 v10, v9  }
0x1f4: {  	[tilespmem:v7+s19+$0x0] =	vst.idx.msk @p1 vm0, v8;
	vm0 =	vlt.u32 @p0 v6, $0x1000;
	v5 =	vand.u32 @p0 $0x380, v5;
	v6 =	vor.u32 @p0 v11, v10  }
0x1f5: {  	v6 =	vor.u32 @p0 v5, v6;
	v4 =	vld.idx.msk @p0 [tilespmem:v4+s18+$0x0], $0xffff  }
0x1f6: {  	v7 =	vor.u32 @p0 s29, v3;
	s0 =	sadd.s32 @p0 $0x7FFFD010, s2  }
0x1f7: {  	v8 =	vadd.s32 @p0 s0, v3  }
0x1f8: {  	v10 =	vshll.u32 @p0 v8, $0x3  }
0x1f9: {  	v10 =	vand.u32 @p0 $0xFFFFFC00, v10  }
0x1fa: {  	v11 =	vand.u32 @p0 $0x7F, v8;
	v9 =	vadd.s32 @p0 v10, v9;
	[tilespmem:v6+s19+$0x0] =	vst.idx.msk @p0 vm0, v4  }
0x1fb: {  	v4 =	vor.u32 @p0 v11, v9;
	vm0 =	vlt.u32 @p0 v8, $0x1000;
	v6 =	vld.idx.msk @p0 [tilespmem:v7+s18+$0x0], $0xffff;
	s29 =	spop (v2sf)  }
0x1fc: {  	s30 =	sadd.s32 s28, s16;
	v4 =	vor.u32 @p0 v5, v4;
	vm0 =	vmmov @p0 vm0;
	s31 =	spop (v2sf)  }
0x1fd: {  	s2 =	sshll.u32 s30, $0x5;
	v4 =	vpsel p0, v4, v0;
	s0 =	ssub.s32 s29, s6;
	s29 =	sadd.s32 $0x7FFFD000, s31  }
0x1fe: {  	v5 =	vor.u32 s2, v3;
	v54 =	vmov s0;
	v55 =	vadd.s32 s29, v3  }
0x1ff: {  	v56 =	vshll.u32 v54, $0xC;
	v57 =	vshll.u32 v55, $0x3  }
0x200: {  	v6 =	vpsel p0, v6, v0;
	v9 =	vand.u32 $0xFFFF8000, v56;
	v10 =	vand.u32 $0xFFFFFC00, v57  }
0x201: {  	v7 =	vshll.u32 v54, $0x7;
	v58 =	vand.u32 $0x7F, v55;
	v10 =	vadd.s32 v10, v9  }
0x202: {  	[tilespmem:v4+s19+$0x0] =	vst.idx.msk @p0 vm0, v6;
	vm14 =	vlt.u32 v55, $0x1000;
	v4 =	vand.u32 $0x380, v7;
	v59 =	vor.u32 v58, v10  }
0x203: {  	s30 =	sor.u32 $0x10, s2;
	s31 =	sadd.s32 $0x7FFFD010, s31;
	v5 =	vld.idx.msk [tilespmem:v5+s18+$0x0], $0xffff;
	v6 =	vor.u32 v4, v59  }
0x204: {  	v60 =	vor.u32 s30, v3;
	v61 =	vadd.s32 s31, v3  }
0x205: {  	v62 =	vshll.u32 v61, $0x3  }
0x206: {  	v10 =	vand.u32 $0xFFFFFC00, v62  }
0x207: {  	v63 =	vand.u32 $0x7F, v61;
	v9 =	vadd.s32 v10, v9  }
0x208: {  	vm15 =	vlt.u32 v61, $0x1000;
	v9 =	vor.u32 v63, v9;
	[tilespmem:v6+s19+$0x0] =	vst.idx.msk vm14, v5  }
0x209: {  	v4 =	vor.u32 v4, v9;
	v5 =	vld.idx.msk [tilespmem:v60+s18+$0x0], $0xffff;
	_ =	sdelay $0x4  }
0x20a: {  	[tilespmem:v4+s19+$0x0] =	vst.idx.msk vm15, v5  }
.LBB2_40:
0x20b: {  	s26 =	sadd.s32 $0x1, s26  }
0x20c: {  	p0 =	sne.s32 s26, $0x8  }
.Ltmp30:
0x20d: {  	_ = 	snop;
	(pc) =	sbr.rel @!p0 .LBB2_41-.Ltmp30, $1  }
0x20e: {  	_ =	sdelay $0x3  }
.LBB2_32:
0x20f: {  	s28 =	sshll.u32 s26, $0x4  }
0x210: {  	v4 =	vld [tilespmem:s28+$0x10000]  }
0x211: {  	v5 =	vld [tilespmem:s28+$0x10080];
	_ =	sdelay $0x4  }
0x212: {  	vm0 =	vge.s32 v4, v0;
	vm1 =	vlt.s32 v4, v1;
	v6 =	vadd.s32 $0xFFFFD01F, v5  }
0x213: {  	vm0 =	vmand vm0, vm1;
	vm1 =	vlt.u32 v6, $0x101F  }
0x214: {  	vm0 =	vmand vm0, vm1  }
0x215: {  	v6 =	vmpcnt.ones.xlane vm0;
	_ =	sdelay $0x1  }
0x216: {  	v6 =	vxor.u32 $0x80000000, v6  }
0x217: {  	(xrf0) =	vmax.scan.msk.u32 $0xffff, v6;
	_ =	sdelay $0x5  }
0x218: {  	v6, _, _ =	vpop (xrf0)  }
0x219: {  	(v2sf) =	vpush v6, $0xF;
	_ =	sdelay $0xe  }
0x21a: {  	s0 =	spop (v2sf)  }
0x21b: {  	s29 =	sxor.u32 $0x80000000, s0  }
0x21c: {  	p0 =	slt.s32 s29, $0x1  }
.Ltmp31:
0x21d: {  	_ = 	snop;
	(pc) =	sbr.rel @p0 .LBB2_40-.Ltmp31, $1  }
0x21e: {  	_ =	sdelay $0x3  }
0x21f: {  	v6 =	vsel vm0, $0x1, v2  }
0x220: {  	vm0 =	vne.s32 v6, $0x0  }
0x221: {  	v7 =	vmctz.xlane vm0;
	_ =	sdelay $0x1  }
0x222: {  	v7 =	vxor.u32 $0x80000000, v7  }
0x223: {  	p2 =	sne.s32 s29, $0x1;
	(xrf0) =	vmax.scan.msk.u32 $0xffff, v7  }
.Ltmp32:
0x224: {  	_ = 	snop;
	(pc) =	sbr.rel @!p2 .LBB2_34-.Ltmp32, $2  }
0x225: {  	_ =	sdelay $0x2  }
0x226: {  	v4 =	vxor.u32 $0x80000000, v4;
	v5 =	vxor.u32 $0x80000000, v5;
	s29 =	sadd.s32 $0xFFFFFFFF, s29;
	p0 =	por $0x0, $0x0;
	p1 =	por $0x0, $0x0  }
0x227: {  	v7, _, _ =	vpop (xrf0)  }
0x228: {  	(v2sf) =	vpush v7, $0xF;
	_ =	sdelay $0xe  }
0x229: {  	s0 =	spop (v2sf)  }
0x22a: {  	s2 =	sxor.u32 $0x80000000, s0  }
0x22b: {  	v7 =	vmov s2  }
0x22c: {  	vm0 =	veq.s32 v7, v3  }
0x22d: {  	v7 =	vnsel vm0, $0x80000000, v4  }
0x22e: {  	(xrf0) =	vmax.scan.msk.u32 $0xffff, v7  }
0x22f: {  	v6 =	vsel vm0, $0x0, v6  }
0x230: {  	v8 =	vnsel vm0, $0x80000000, v5;
	vm0 =	vne.s32 v6, $0x0  }
0x231: {  	v7 =	vmctz.xlane vm0  }
0x232: {  	(xrf0) =	vmax.scan.msk.u32 $0xffff, v8  }
0x233: {  	v7 =	vxor.u32 $0x80000000, v7  }
0x234: {  	p2 =	sne.s32 s29, $0x1;
	v8, _, _ =	vpop (xrf0);
	(xrf0) =	vmax.scan.msk.u32 $0xffff, v7  }
.Ltmp33:
0x235: {  	_ = 	snop;
	(pc) =	sbr.rel @!p2 .LBB2_36-.Ltmp33, $4  }
0x236: {  	_ = 	snop  }
0x237: {  	s0 =	sadd.s32 s28, s0  }
0x238: {  	s30 =	sshll.u32 s0, $0x5;
	(v2sf) =	vpush v8, $0xF;
	v8, _, _ =	vpop (xrf0)  }
0x239: {  	s31 =	sadd.s32 $0xFFFFFFFF, s29;
	p0 =	por $0x1, $0x1;
	s29 =	sor.u32 $0x10, s30;
	(v2sf) =	vpush v8, $0xF  }
0x23a: {  	v7, _, _ =	vpop (xrf0)  }
0x23b: {  	(v2sf) =	vpush v7, $0xF;
	_ =	sdelay $0xc  }
0x23c: {  	s0 =	spop (v2sf)  }
0x23d: {  	s2 =	spop (v2sf)  }
0x23e: {  	s0 =	ssub.s32 s0, s6;
	s16 =	spop (v2sf)  }
0x23f: {  	v7 =	vor.u32 s30, v3;
	v8 =	vmov s0;
	s0 =	sadd.s32 $0x7FFFD000, s2;
	s30 =	sxor.u32 $0x80000000, s16  }
0x240: {  	v9 =	vadd.s32 s0, v3;
	v10 =	vmov s30  }
0x241: {  	v11 =	vshll.u32 v8, $0xC;
	v8 =	vshll.u32 v8, $0x7;
	vm0 =	veq.s32 v10, v3  }
0x242: {  	v12 =	vshll.u32 v9, $0x3;
	v13 =	vand.u32 $0x7F, v9;
	v59 =	vnsel vm0, $0x80000000, v4  }
0x243: {  	vm1 =	vlt.u32 v9, $0x1000;
	v10 =	vand.u32 $0xFFFF8000, v11;
	v11 =	vand.u32 $0xFFFFFC00, v12;
	(xrf0) =	vmax.scan.msk.u32 $0xffff, v59  }
0x244: {  	v8 =	vand.u32 $0x380, v8;
	v11 =	vadd.s32 v11, v10;
	v6 =	vsel vm0, $0x0, v6  }
0x245: {  	v14 =	vnsel vm0, $0x80000000, v5;
	v9 =	vor.u32 v13, v11;
	vm0 =	vne.s32 v6, $0x0  }
0x246: {  	v7 =	vld.idx.msk [tilespmem:v7+s18+$0x0], $0xffff;
	s2 =	sadd.s32 $0x7FFFD010, s2;
	(xrf0) =	vmax.scan.msk.u32 $0xffff, v14;
	v9 =	vor.u32 v8, v9;
	v62 =	vmctz.xlane vm0  }
0x247: {  	v60 =	vadd.s32 s2, v3;
	v11 =	vor.u32 s29, v3  }
0x248: {  	v61 =	vshll.u32 v60, $0x3;
	v14 =	vxor.u32 $0x80000000, v62  }
0x249: {  	p2 =	sne.s32 s31, $0x1;
	v13 =	vand.u32 $0xFFFFFC00, v61;
	v63, _, _ =	vpop (xrf0);
	(xrf0) =	vmax.scan.msk.u32 $0xffff, v14  }
.Ltmp34:
0x24a: {  	v15 =	vand.u32 $0x7F, v60;
	v10 =	vadd.s32 v13, v10;
	(pc) =	sbr.rel @!p2 .LBB2_39-.Ltmp34, $4  }
0x24b: {  	vm0 =	vlt.u32 v60, $0x1000;
	v10 =	vor.u32 v15, v10;
	[tilespmem:v9+s19+$0x0] =	vst.idx.msk vm1, v7  }
0x24c: {  	s16 =	sadd.s32 s28, s16;
	v7 =	vor.u32 v8, v10;
	(v2sf) =	vpush v63, $0xF;
	v9, _, _ =	vpop (xrf0);
	v8 =	vld.idx.msk [tilespmem:v11+s18+$0x0], $0xffff  }
0x24d: {  	s30 =	sshll.u32 s16, $0x5;
	(v2sf) =	vpush v9, $0xF  }
0x24e: {  	s31 =	sadd.s32 $0xFFFFFFFF, s31;
	p1 =	por $0x1, $0x1;
	s29 =	sor.u32 $0x10, s30  }
.LBB2_38:
0x24f: {  	p2 =	sne.s32 s31, $0x1;
	s31 =	sadd.s32 $0xFFFFFFFF, s31;
	v9, _, _ =	vpop (xrf0)  }
0x250: {  	(v2sf) =	vpush v9, $0xF  }
0x251: {  	[tilespmem:v7+s19+$0x0] =	vst.idx.msk vm0, v8;
	_ =	sdelay $0x9  }
0x252: {  	s0 =	spop (v2sf)  }
0x253: {  	v7 =	vor.u32 s30, v3;
	s0 =	ssub.s32 s0, s6;
	s2 =	spop (v2sf)  }
0x254: {  	v9 =	vor.u32 s29, v3;
	v8 =	vmov s0;
	s0 =	sadd.s32 $0x7FFFD000, s2;
	s2 =	sadd.s32 $0x7FFFD010, s2  }
0x255: {  	v10 =	vadd.s32 s0, v3;
	v11 =	vshll.u32 v8, $0xC;
	v8 =	vshll.u32 v8, $0x7  }
0x256: {  	v13 =	vadd.s32 s2, v3;
	s0 =	spop (v2sf);
	v11 =	vand.u32 $0xFFFF8000, v11;
	v12 =	vshll.u32 v10, $0x3  }
0x257: {  	v14 =	vand.u32 $0x7F, v10;
	v15 =	vshll.u32 v13, $0x3;
	s2 =	sxor.u32 $0x80000000, s0;
	s0 =	sadd.s32 s28, s0;
	v12 =	vand.u32 $0xFFFFFC00, v12  }
0x258: {  	vm1 =	vlt.u32 v10, $0x1000;
	v16 =	vmov s2;
	s30 =	sshll.u32 s0, $0x5;
	v17 =	vld.idx.msk [tilespmem:v7+s18+$0x0], $0xffff;
	v7 =	vadd.s32 v12, v11  }
0x259: {  	v8 =	vand.u32 $0x380, v8;
	vm0 =	veq.s32 v16, v3;
	s29 =	sor.u32 $0x10, s30;
	v7 =	vor.u32 v14, v7  }
0x25a: {  	v10 =	vnsel vm0, $0x80000000, v4;
	v12 =	vnsel vm0, $0x80000000, v5;
	v6 =	vsel vm0, $0x0, v6  }
0x25b: {  	vm0 =	vne.s32 v6, $0x0;
	(xrf0) =	vmax.scan.msk.u32 $0xffff, v10;
	v10 =	vor.u32 v8, v7;
	v7 =	vand.u32 $0xFFFFFC00, v15  }
0x25c: {  	v14 =	vmctz.xlane vm0;
	(xrf0) =	vmax.scan.msk.u32 $0xffff, v12;
	v12 =	vand.u32 $0x7F, v13;
	v7 =	vadd.s32 v7, v11  }
0x25d: {  	v7 =	vor.u32 v12, v7  }
0x25e: {  	v11 =	vxor.u32 $0x80000000, v14;
	v7 =	vor.u32 v8, v7  }
.Ltmp35:
0x25f: {  	vm0 =	vlt.u32 v13, $0x1000;
	(xrf0) =	vmax.scan.msk.u32 $0xffff, v11;
	(pc) =	sbr.rel @p2 .LBB2_38-.Ltmp35, $4  }
0x260: {  	[tilespmem:v10+s19+$0x0] =	vst.idx.msk vm1, v17  }
0x261: {  	v10, _, _ =	vpop (xrf0);
	v8 =	vld.idx.msk [tilespmem:v9+s18+$0x0], $0xffff  }
0x262: {  	(v2sf) =	vpush v10, $0xF;
	v9, _, _ =	vpop (xrf0)  }
0x263: {  	(v2sf) =	vpush v9, $0xF  }
.Ltmp36:
0x264: {  	_ = 	snop;
	(pc) =	sbr.rel .LBB2_39-.Ltmp36, $1  }
0x265: {  	_ =	sdelay $0x3  }
.LBB2_36:
.Ltmp37:
0x266: {  	(pc) =	sbr.rel .LBB2_39-.Ltmp37, $2  }
0x267: {  	_ =	sdelay $0x2  }
0x268: {  	_ = 	snop  }
.LBB2_42:
0x269: {  	_ =	sfence.sel $0x180000  }
0x26a: {  	[bflag:$0x0] =	sbarrier.arrive $0xFFFF  }
0x26b: {  	_ =	strace $0x90000047  }
0x26c: {  	s0 =	stileid.u32;
	[bflag:$0x2] =	sbarrier.arrive $0xFFFF  }
0x26d: {  	p0 =	sne.s32 s0, $0x0;
	s0 =	rddreg [dreg:$0x2]  }
0x26e: {  	s0 =	sadd.s32 @!p0 $0x100000, s0  }
0x26f: {  	[sflag:s0] =	ssyncadd.tile.s32 @!p0 $0x1;
	_ =	shalt  }
.Lfunc_end2:
_tile_overlayer_lowered:
.L_overlay_start_2:
0x270: {  	(tag) =	ssettag $0x2  }
0x271: {  	s0 =	rddreg [dreg:$0x0];
	s2 =	stileid.u32  }
0x272: {  	s1 =	rddreg [dreg:$0x1];
	p0 =	sne.s32 s2, $0x0  }
0x273: {  	s3 =	rddreg [dreg:$0x2];
	[bflag:$0x3] =	sbarrier.arrive $0xFFFF;
	s2 =	simm.s32 @!p0 $0x1C06  }
0x274: {  	[timem:s3], [sflag:s2] =	dma.local @!p0 [hbm:s0], s1  }
0x275: {  	s0 =	simm.s32 @!p0 $0x6  }
0x276: {  	_ =	swait.ge @!p0 [sflag:s0], s1  }
0x277: {  	s1 =	ssub.s32 @!p0 $0x0, s1;
	[sflag:s0] =	ssyncset.done @!p0 $0x0  }
0x278: {  	[sflag:s0] =	ssyncadd.s32 @!p0 s1  }
0x279: {  	[bflag:$0x3] =	sbarrier.arrive $0xFFFF  }
0x27a: {  	_ =	shalt  }

</sc_bundles>
